<compile_context>
chip_gen: v7x
topology: tpu7x:2x2x1
jax: 0.10.2.dev20260603
libtpu: 0.0.44.dev20260713+nightly
codegen_flags: <defaults>
</compile_context>

<pallas_src>
import functools

import jax
import jax.numpy as jnp
from jax import lax
from jax.experimental import pallas as pl
from jax.experimental.pallas import tpu as pltpu
from jax.experimental.pallas import tpu_sc as plsc

N = 10000
D = 128
E = 320000
G = 64
NC = 2
NS = 16
NW = NC * NS
C = 128
CH = 82
EPW = CH * C
EPAD = NW * EPW
NPAD = 10240
RPT = NPAD // NS

def _zero_vec(ref, n):
    for k in range(n // 16):
        ref[pl.ds(k * 16, 16)] = jnp.zeros((16,), jnp.float32)


ECH = 2560
WCH = ECH // NW


def _deg_body(dst_hbm, out_hbm, idx_v, ones_v, zer_v, acc_sh):
    cid = lax.axis_index("c")
    sid = lax.axis_index("s")
    wid = cid * NS + sid
    for k in range(C // 16):
        ones_v[pl.ds(k * 16, 16)] = jnp.ones((16,), jnp.float32)
    _zero_vec(zer_v, RPT)
    pltpu.sync_copy(zer_v, acc_sh.at[pl.ds(sid * RPT, RPT)])
    plsc.subcore_barrier()
    pltpu.sync_copy(dst_hbm.at[pl.ds(wid * WCH, WCH)], idx_v)

    def chunk(j, carry):
        pltpu.sync_copy(ones_v, acc_sh.at[idx_v.at[j]], add=True)
        return carry

    lax.fori_loop(0, WCH, chunk, 0)
    pltpu.sync_copy(acc_sh.at[pl.ds(sid * RPT, C)], ones_v)
    plsc.subcore_barrier()
    pltpu.sync_copy(acc_sh.at[pl.ds(sid * RPT, RPT)],
                    out_hbm.at[cid, pl.ds(sid * RPT, RPT)])


NP = CH // 2


def _agg_body(g1_hbm, src_hbm, dst_hbm, p0_hbm, p1_hbm, sidx_v, didx_v, rows_a,
              rows_b, acc_sh, isem, sem_a, sem_b):
    cid = lax.axis_index("c")
    sid = lax.axis_index("s")
    wid = cid * NS + sid

    def zrow(i, carry):
        for k in range(D // 16):
            rows_a[i, pl.ds(k * 16, 16)] = jnp.zeros((16,), jnp.float32)
        return carry

    lax.fori_loop(0, C, zrow, 0)
    for k in range(RPT // C):
        pltpu.sync_copy(rows_a, acc_sh.at[pl.ds(sid * RPT + k * C, C)])
    plsc.subcore_barrier()

    pltpu.sync_copy(src_hbm.at[wid, pl.ds(0, 2)], sidx_v.at[0])
    pltpu.sync_copy(dst_hbm.at[wid, pl.ds(0, 2)], didx_v.at[0])
    pltpu.async_copy(g1_hbm.at[sidx_v.at[0].at[0]], rows_a, sem_a)

    def pair(j, carry):
        b = lax.rem(j, 2)
        sg = sidx_v.at[b]
        dg = didx_v.at[b]

        @pl.when(j < NP - 1)
        def _():
            pltpu.async_copy(
                src_hbm.at[wid, pl.ds((j + 1) * 2, 2)], sidx_v.at[1 - b], isem)
            pltpu.async_copy(
                dst_hbm.at[wid, pl.ds((j + 1) * 2, 2)], didx_v.at[1 - b], isem)

        pltpu.async_copy(g1_hbm.at[sg.at[1]], rows_b, sem_b)
        pltpu.make_async_copy(g1_hbm.at[sg.at[0]], rows_a, sem_a).wait()
        pltpu.sync_copy(rows_a, acc_sh.at[dg.at[0]], add=True)

        @pl.when(j < NP - 1)
        def _():
            pltpu.make_async_copy(
                src_hbm.at[wid, pl.ds(0, 2)], sidx_v.at[1 - b], isem).wait()
            pltpu.make_async_copy(
                dst_hbm.at[wid, pl.ds(0, 2)], didx_v.at[1 - b], isem).wait()
            pltpu.async_copy(g1_hbm.at[sidx_v.at[1 - b].at[0]], rows_a, sem_a)

        pltpu.make_async_copy(g1_hbm.at[sg.at[1]], rows_b, sem_b).wait()
        pltpu.sync_copy(rows_b, acc_sh.at[dg.at[1]], add=True)
        return carry

    lax.fori_loop(0, NP, pair, 0)
    pltpu.sync_copy(acc_sh.at[pl.ds(sid * RPT, C)], rows_a)
    plsc.subcore_barrier()

    @pl.when(cid == 0)
    def _():
        pltpu.sync_copy(acc_sh.at[pl.ds(sid * RPT, RPT)],
                        p0_hbm.at[pl.ds(sid * RPT, RPT)])

    @pl.when(cid == 1)
    def _():
        pltpu.sync_copy(acc_sh.at[pl.ds(sid * RPT, RPT)],
                        p1_hbm.at[pl.ds(sid * RPT, RPT)])


def _agg1_body(g2_hbm, src_hbm, dst_hbm, q0_hbm, q1_hbm, sidx_v, didx_v, vals_a,
               vals_b, acc_sh, g2_sh, sem_a, sem_b):
    cid = lax.axis_index("c")
    sid = lax.axis_index("s")
    wid = cid * NS + sid
    _zero_vec(vals_a, C)
    for k in range(RPT // C):
        pltpu.sync_copy(vals_a, acc_sh.at[pl.ds(sid * RPT + k * C, C)])

    @pl.when(sid == 0)
    def _():
        pltpu.sync_copy(g2_hbm, g2_sh)

    plsc.subcore_barrier()
    pltpu.sync_copy(src_hbm.at[wid], sidx_v)
    pltpu.sync_copy(dst_hbm.at[wid], didx_v)

    pltpu.async_copy(g2_sh.at[sidx_v.at[0]], vals_a, sem_a)

    def pair(j, carry):
        pltpu.async_copy(g2_sh.at[sidx_v.at[2 * j + 1]], vals_b, sem_b)
        pltpu.make_async_copy(g2_sh.at[sidx_v.at[2 * j]], vals_a, sem_a).wait()
        pltpu.sync_copy(vals_a, acc_sh.at[didx_v.at[2 * j]], add=True)

        @pl.when(j < CH // 2 - 1)
        def _():
            pltpu.async_copy(g2_sh.at[sidx_v.at[2 * j + 2]], vals_a, sem_a)

        pltpu.make_async_copy(g2_sh.at[sidx_v.at[2 * j + 1]], vals_b, sem_b).wait()
        pltpu.sync_copy(vals_b, acc_sh.at[didx_v.at[2 * j + 1]], add=True)
        return carry

    lax.fori_loop(0, CH // 2, pair, 0)
    pltpu.sync_copy(acc_sh.at[pl.ds(sid * RPT, C)], vals_a)
    plsc.subcore_barrier()

    @pl.when(cid == 0)
    def _():
        pltpu.sync_copy(acc_sh.at[pl.ds(sid * RPT, RPT)],
                        q0_hbm.at[pl.ds(sid * RPT, RPT)])

    @pl.when(cid == 1)
    def _():
        pltpu.sync_copy(acc_sh.at[pl.ds(sid * RPT, RPT)],
                        q1_hbm.at[pl.ds(sid * RPT, RPT)])


def _d1_body(x_ref, cnt_ref, w1_ref, g_ref):
    h = jnp.dot(x_ref[...], w1_ref[...], preferred_element_type=jnp.float32)
    deg = cnt_ref[0, :] + cnt_ref[1, :] + 1.0
    dis = lax.rsqrt(deg)
    g_ref[...] = h * dis[:, None]


_BLK = 1024
_NB = NPAD // _BLK


def _dense1(x_pad, cnt, W1):
    return pl.pallas_call(
        _d1_body,
        grid=(_NB,),
        in_specs=[
            pl.BlockSpec((_BLK, D), lambda i: (i, 0)),
            pl.BlockSpec((NC, _BLK), lambda i: (0, i)),
            pl.BlockSpec((D, D), lambda i: (0, 0)),
        ],
        out_specs=pl.BlockSpec((_BLK, D), lambda i: (i, 0)),
        out_shape=jax.ShapeDtypeStruct((NPAD, D), jnp.float32),
    )(x_pad, cnt, W1)


def _d2_body(p0_ref, p1_ref, cnt_ref, w2_ref, b1_ref, g2_ref):
    deg = cnt_ref[0, :] + cnt_ref[1, :] + 1.0
    dis = lax.rsqrt(deg)
    s = p0_ref[...] + p1_ref[...]
    out1 = s * dis[:, None] + b1_ref[...][None, :]
    h = jnp.maximum(out1, 0.0)
    u = jnp.dot(h, w2_ref[...], preferred_element_type=jnp.float32)[:, 0]
    g2_ref[...] = u * dis


def _dense2(p0, p1, cnt, W2, b1):
    return pl.pallas_call(
        _d2_body,
        grid=(_NB,),
        in_specs=[
            pl.BlockSpec((_BLK, D), lambda i: (i, 0)),
            pl.BlockSpec((_BLK, D), lambda i: (i, 0)),
            pl.BlockSpec((NC, _BLK), lambda i: (0, i)),
            pl.BlockSpec((D, 1), lambda i: (0, 0)),
            pl.BlockSpec((D,), lambda i: (0,)),
        ],
        out_specs=pl.BlockSpec((_BLK,), lambda i: (i,)),
        out_shape=jax.ShapeDtypeStruct((NPAD,), jnp.float32),
    )(p0, p1, cnt, W2, b1)


def _d3_body(q0_ref, q1_ref, cnt_ref, batch_ref, b2_ref, o_ref):
    i = pl.program_id(0)
    deg = cnt_ref[0, :] + cnt_ref[1, :] + 1.0
    dis = lax.rsqrt(deg)
    out2 = dis * (q0_ref[...] + q1_ref[...]) + b2_ref[...]
    bt = batch_ref[...]
    oh = (bt[:, None] == lax.broadcasted_iota(jnp.int32, (_BLK, G), 1))
    ohf = oh.astype(jnp.float32)
    part = lax.dot_general(
        ohf, out2[:, None], (((0,), (0,)), ((), ())),
        preferred_element_type=jnp.float32)

    @pl.when(i == 0)
    def _():
        o_ref[...] = part

    @pl.when(i > 0)
    def _():
        o_ref[...] = o_ref[...] + part


def _dense3(q0, q1, cnt, batch_pad, b2):
    return pl.pallas_call(
        _d3_body,
        grid=(_NB,),
        in_specs=[
            pl.BlockSpec((_BLK,), lambda i: (i,)),
            pl.BlockSpec((_BLK,), lambda i: (i,)),
            pl.BlockSpec((NC, _BLK), lambda i: (0, i)),
            pl.BlockSpec((_BLK,), lambda i: (i,)),
            pl.BlockSpec((1,), lambda i: (0,)),
        ],
        out_specs=pl.BlockSpec((G, 1), lambda i: (0, 0)),
        out_shape=jax.ShapeDtypeStruct((G, 1), jnp.float32),
    )(q0, q1, cnt, batch_pad, b2)


@functools.lru_cache(maxsize=1)
def _sc_kernels():
    mesh = plsc.VectorSubcoreMesh(
        core_axis_name="c", subcore_axis_name="s",
        num_cores=NC, num_subcores=NS)
    deg = pl.kernel(
        _deg_body,
        out_type=jax.ShapeDtypeStruct((NC, NPAD), jnp.float32),
        mesh=mesh,
        scratch_types=[
            pltpu.VMEM((WCH, C), jnp.int32),
            pltpu.VMEM((C,), jnp.float32),
            pltpu.VMEM((RPT,), jnp.float32),
            pltpu.VMEM_SHARED((NPAD,), jnp.float32),
        ],
    )
    agg = pl.kernel(
        _agg_body,
        out_type=(jax.ShapeDtypeStruct((NPAD, D), jnp.float32),
                  jax.ShapeDtypeStruct((NPAD, D), jnp.float32)),
        mesh=mesh,
        scratch_types=[
            pltpu.VMEM((2, 2, C), jnp.int32),
            pltpu.VMEM((2, 2, C), jnp.int32),
            pltpu.VMEM((C, D), jnp.float32),
            pltpu.VMEM((C, D), jnp.float32),
            pltpu.VMEM_SHARED((NPAD, D), jnp.float32),
            pltpu.SemaphoreType.DMA,
            pltpu.SemaphoreType.DMA,
            pltpu.SemaphoreType.DMA,
        ],
    )
    agg1 = pl.kernel(
        _agg1_body,
        out_type=(jax.ShapeDtypeStruct((NPAD,), jnp.float32),
                  jax.ShapeDtypeStruct((NPAD,), jnp.float32)),
        mesh=mesh,
        scratch_types=[
            pltpu.VMEM((CH, C), jnp.int32),
            pltpu.VMEM((CH, C), jnp.int32),
            pltpu.VMEM((C,), jnp.float32),
            pltpu.VMEM((C,), jnp.float32),
            pltpu.VMEM_SHARED((NPAD,), jnp.float32),
            pltpu.VMEM_SHARED((NPAD,), jnp.float32),
            pltpu.SemaphoreType.DMA,
            pltpu.SemaphoreType.DMA,
        ],
    )
    return deg, agg, agg1


@jax.jit
def kernel(x, edge_index, batch, W1, b1, W2, b2):
    _deg, _agg, _agg1 = _sc_kernels()
    src = edge_index[0].astype(jnp.int32)
    dst = edge_index[1].astype(jnp.int32)
    loop = jnp.arange(NPAD, dtype=jnp.int32)
    pad_e = N + (jnp.arange(EPAD - E - NPAD, dtype=jnp.int32) % (NPAD - N))
    srcm = jnp.concatenate([src, loop, pad_e]).reshape(NW, CH, C)
    dstm = jnp.concatenate([dst, loop, pad_e]).reshape(NW, CH, C)
    x_pad = jnp.concatenate([x, jnp.zeros((NPAD - N, D), jnp.float32)], axis=0)
    batch_pad = jnp.concatenate(
        [batch.astype(jnp.int32), jnp.full((NPAD - N,), G, jnp.int32)])

    dst_c = jnp.concatenate(
        [dst, N + (jnp.arange(ECH * C - E, dtype=jnp.int32) % (NPAD - N))])
    cnt = _deg(dst_c.reshape(ECH, C))
    g1 = _dense1(x_pad, cnt, W1)
    p0, p1 = _agg(g1, srcm, dstm)
    g2 = _dense2(p0, p1, cnt, W2, b1)
    q0, q1 = _agg1(g2, srcm, dstm)
    return _dense3(q0, q1, cnt, batch_pad, b2)

# --- scband reference (transcript-rebuilt; emitter-appended) ---
"""Pipeline reference for scband-gnn-reg-64278480552404 (READ-ONLY COPY).

The authoritative reference and input builder live on the scoring server;
editing this copy changes nothing except your own understanding.
"""

import jax, jax.numpy as jnp
import numpy as np

N_NODES = 10000
N_EDGES = 320000
D_IN = 128
D_HID = 128
D_OUT = 1
N_GRAPHS = 64


def setup_inputs(seed: int = 0) -> dict:
    key = jax.random.key(seed)
    k_x, k_e, k_b, k_w1, k_b1, k_w2, k_b2 = jax.random.split(key, 7)
    x = jax.random.normal(k_x, (N_NODES, D_IN), dtype=jnp.float32)
    edge_index = jax.random.randint(k_e, (2, N_EDGES), 0, N_NODES, dtype=jnp.int64)
    batch = jnp.sort(jax.random.randint(k_b, (N_NODES,), 0, N_GRAPHS, dtype=jnp.int64))
    # Glorot-style init for GCNConv weights, zeros for biases (PyG default)
    s1 = float(np.sqrt(6.0 / (D_IN + D_HID)))
    W1 = jax.random.uniform(k_w1, (D_IN, D_HID), dtype=jnp.float32, minval=-s1, maxval=s1)
    b1 = jnp.zeros((D_HID,), dtype=jnp.float32)
    s2 = float(np.sqrt(6.0 / (D_HID + D_OUT)))
    W2 = jax.random.uniform(k_w2, (D_HID, D_OUT), dtype=jnp.float32, minval=-s2, maxval=s2)
    b2 = jnp.zeros((D_OUT,), dtype=jnp.float32)
    return {"x": x, "edge_index": edge_index, "batch": batch, "W1": W1, "b1": b1, "W2": W2, "b2": b2}


def _gcn_conv(x, edge_index, W, b):
    # GCNConv with add_self_loops=True and symmetric normalization (gcn_norm)
    n = x.shape[0]
    loop = jnp.arange(n, dtype=edge_index.dtype)
    src = jnp.concatenate([edge_index[0], loop])
    dst = jnp.concatenate([edge_index[1], loop])
    ew = jnp.ones(src.shape[0], dtype=x.dtype)
    deg = jax.ops.segment_sum(ew, dst, num_segments=n)
    deg_inv_sqrt = jnp.where(deg > 0, jax.lax.rsqrt(jnp.maximum(deg, 1e-12)), 0.0)
    norm = deg_inv_sqrt[src] * deg_inv_sqrt[dst]
    h = x @ W
    msg = h[src] * norm[:, None]
    out = jax.ops.segment_sum(msg, dst, num_segments=n)
    return out + b


def reference(x, edge_index, batch, W1, b1, W2, b2):
    # PyG GCN model with num_layers=2, out_channels=1: conv -> ReLU -> conv
    h = _gcn_conv(x, edge_index, W1, b1)
    h = jax.nn.relu(h)
    h = _gcn_conv(h, edge_index, W2, b2)
    # global_add_pool over batch assignment
    out = jax.ops.segment_sum(h, batch, num_segments=N_GRAPHS)
    return out

if __name__ == "__main__":
    import jax
    _d = setup_inputs()
    print(jax.jit(kernel)(*tuple(_d.values())))

</pallas_src>

<mosaic_0001>
#map = affine_map<(d0, d1) -> (0)>
#map1 = affine_map<(d0, d1) -> (0, 0, 0)>
module attributes {stable_mosaic.version = 14 : i64} {
  func.func @_agg1_body(%arg0: i32, %arg1: i32, %arg2: memref<10240xf32, #tpu.memory_space<hbm>>, %arg3: memref<32x82x128xi32, #tpu.memory_space<hbm>>, %arg4: memref<32x82x128xi32, #tpu.memory_space<hbm>>, %arg5: memref<10240xf32, #tpu.memory_space<hbm>>, %arg6: memref<10240xf32, #tpu.memory_space<hbm>>, %arg7: memref<82x128xi32, #tpu.memory_space<vmem>>, %arg8: memref<82x128xi32, #tpu.memory_space<vmem>>, %arg9: memref<128xf32, #tpu.memory_space<vmem>>, %arg10: memref<128xf32, #tpu.memory_space<vmem>>, %arg11: memref<10240xf32, #tpu.memory_space<vmem_shared>>, %arg12: memref<10240xf32, #tpu.memory_space<vmem_shared>>, %arg13: memref<!tpu.dma_semaphore, #tpu.memory_space<semaphore_mem>>, %arg14: memref<!tpu.dma_semaphore, #tpu.memory_space<semaphore_mem>>) attributes {dimension_semantics = [#tpu.dimension_semantics<core_parallel>, #tpu.dimension_semantics<subcore_parallel>], iteration_bounds = array<i64: 2, 16>, scalar_prefetch = 0 : i64, scratch_operands = 8 : i64, tpu.core_type = #tpu.core_type<sc_vector_subcore>, window_params = [{transform_indices = #map}, {transform_indices = #map1}, {transform_indices = #map1}, {transform_indices = #map}, {transform_indices = #map}]} {
    %mul3A = arith.constant 16 : i32
    %mul3A_0 = arith.muli %arg0, %mul3A : i32
    %add3A = arith.addi %mul3A_0, %arg1 : i32
    %broadcast_in_dim3A = arith.constant 0.000000e+00 : f32
    %broadcast_in_dim3A_1 = vector.broadcast %broadcast_in_dim3A : f32 to vector<16xf32>
    %swap3A = arith.constant 0 : index
    %swap3A_2 = tpu.vector_load %arg9[%swap3A] {strides = array<i32>} : memref<128xf32, #tpu.memory_space<vmem>>, vector<16xf32>,
    %swap3A_3 = vector.shape_cast %swap3A_2 : vector<16xf32> to vector<16xf32>
    %swap3A_4 = vector.shape_cast %broadcast_in_dim3A_1 : vector<16xf32> to vector<16xf32>
    tpu.vector_store %arg9[%swap3A], %swap3A_4 {strides = array<i32>} : memref<128xf32, #tpu.memory_space<vmem>>, vector<16xf32>,
    %broadcast_in_dim3A_5 = arith.constant 0.000000e+00 : f32
    %broadcast_in_dim3A_6 = vector.broadcast %broadcast_in_dim3A_5 : f32 to vector<16xf32>
    %swap3A_7 = arith.constant 16 : index
    %swap3A_8 = tpu.vector_load %arg9[%swap3A_7] {strides = array<i32>} : memref<128xf32, #tpu.memory_space<vmem>>, vector<16xf32>,
    %swap3A_9 = vector.shape_cast %swap3A_8 : vector<16xf32> to vector<16xf32>
    %swap3A_10 = vector.shape_cast %broadcast_in_dim3A_6 : vector<16xf32> to vector<16xf32>
    tpu.vector_store %arg9[%swap3A_7], %swap3A_10 {strides = array<i32>} : memref<128xf32, #tpu.memory_space<vmem>>, vector<16xf32>,
    %broadcast_in_dim3A_11 = arith.constant 0.000000e+00 : f32
    %broadcast_in_dim3A_12 = vector.broadcast %broadcast_in_dim3A_11 : f32 to vector<16xf32>
    %swap3A_13 = arith.constant 32 : index
    %swap3A_14 = tpu.vector_load %arg9[%swap3A_13] {strides = array<i32>} : memref<128xf32, #tpu.memory_space<vmem>>, vector<16xf32>,
    %swap3A_15 = vector.shape_cast %swap3A_14 : vector<16xf32> to vector<16xf32>
    %swap3A_16 = vector.shape_cast %broadcast_in_dim3A_12 : vector<16xf32> to vector<16xf32>
    tpu.vector_store %arg9[%swap3A_13], %swap3A_16 {strides = array<i32>} : memref<128xf32, #tpu.memory_space<vmem>>, vector<16xf32>,
    %broadcast_in_dim3A_17 = arith.constant 0.000000e+00 : f32
    %broadcast_in_dim3A_18 = vector.broadcast %broadcast_in_dim3A_17 : f32 to vector<16xf32>
    %swap3A_19 = arith.constant 48 : index
    %swap3A_20 = tpu.vector_load %arg9[%swap3A_19] {strides = array<i32>} : memref<128xf32, #tpu.memory_space<vmem>>, vector<16xf32>,
    %swap3A_21 = vector.shape_cast %swap3A_20 : vector<16xf32> to vector<16xf32>
    %swap3A_22 = vector.shape_cast %broadcast_in_dim3A_18 : vector<16xf32> to vector<16xf32>
    tpu.vector_store %arg9[%swap3A_19], %swap3A_22 {strides = array<i32>} : memref<128xf32, #tpu.memory_space<vmem>>, vector<16xf32>,
    %broadcast_in_dim3A_23 = arith.constant 0.000000e+00 : f32
    %broadcast_in_dim3A_24 = vector.broadcast %broadcast_in_dim3A_23 : f32 to vector<16xf32>
    %swap3A_25 = arith.constant 64 : index
    %swap3A_26 = tpu.vector_load %arg9[%swap3A_25] {strides = array<i32>} : memref<128xf32, #tpu.memory_space<vmem>>, vector<16xf32>,
    %swap3A_27 = vector.shape_cast %swap3A_26 : vector<16xf32> to vector<16xf32>
    %swap3A_28 = vector.shape_cast %broadcast_in_dim3A_24 : vector<16xf32> to vector<16xf32>
    tpu.vector_store %arg9[%swap3A_25], %swap3A_28 {strides = array<i32>} : memref<128xf32, #tpu.memory_space<vmem>>, vector<16xf32>,
    %broadcast_in_dim3A_29 = arith.constant 0.000000e+00 : f32
    %broadcast_in_dim3A_30 = vector.broadcast %broadcast_in_dim3A_29 : f32 to vector<16xf32>
    %swap3A_31 = arith.constant 80 : index
    %swap3A_32 = tpu.vector_load %arg9[%swap3A_31] {strides = array<i32>} : memref<128xf32, #tpu.memory_space<vmem>>, vector<16xf32>,
    %swap3A_33 = vector.shape_cast %swap3A_32 : vector<16xf32> to vector<16xf32>
    %swap3A_34 = vector.shape_cast %broadcast_in_dim3A_30 : vector<16xf32> to vector<16xf32>
    tpu.vector_store %arg9[%swap3A_31], %swap3A_34 {strides = array<i32>} : memref<128xf32, #tpu.memory_space<vmem>>, vector<16xf32>,
    %broadcast_in_dim3A_35 = arith.constant 0.000000e+00 : f32
    %broadcast_in_dim3A_36 = vector.broadcast %broadcast_in_dim3A_35 : f32 to vector<16xf32>
    %swap3A_37 = arith.constant 96 : index
    %swap3A_38 = tpu.vector_load %arg9[%swap3A_37] {strides = array<i32>} : memref<128xf32, #tpu.memory_space<vmem>>, vector<16xf32>,
    %swap3A_39 = vector.shape_cast %swap3A_38 : vector<16xf32> to vector<16xf32>
    %swap3A_40 = vector.shape_cast %broadcast_in_dim3A_36 : vector<16xf32> to vector<16xf32>
    tpu.vector_store %arg9[%swap3A_37], %swap3A_40 {strides = array<i32>} : memref<128xf32, #tpu.memory_space<vmem>>, vector<16xf32>,
    %broadcast_in_dim3A_41 = arith.constant 0.000000e+00 : f32
    %broadcast_in_dim3A_42 = vector.broadcast %broadcast_in_dim3A_41 : f32 to vector<16xf32>
    %swap3A_43 = arith.constant 112 : index
    %swap3A_44 = tpu.vector_load %arg9[%swap3A_43] {strides = array<i32>} : memref<128xf32, #tpu.memory_space<vmem>>, vector<16xf32>,
    %swap3A_45 = vector.shape_cast %swap3A_44 : vector<16xf32> to vector<16xf32>
    %swap3A_46 = vector.shape_cast %broadcast_in_dim3A_42 : vector<16xf32> to vector<16xf32>
    tpu.vector_store %arg9[%swap3A_43], %swap3A_46 {strides = array<i32>} : memref<128xf32, #tpu.memory_space<vmem>>, vector<16xf32>,
    %mul3A_47 = arith.constant 640 : i32
    %mul3A_48 = arith.muli %arg1, %mul3A_47 : i32
    %add3A_49 = arith.constant 0 : i32
    %add3A_50 = arith.addi %mul3A_48, %add3A_49 : i32
    "tpu.region"() ({
      %run_scoped3A = tpu.sem_alloc : memref<!tpu.dma_semaphore, #tpu.memory_space<semaphore_mem>>
      %dma_start3A_92 = tpu.memref_slice %arg11[%add3A_50] : memref<10240xf32, #tpu.memory_space<vmem_shared>> -> memref<128xf32, #tpu.memory_space<vmem_shared>>
      %dma_start3A_93 = tpu.memref_slice %arg11[%add3A_50] : memref<10240xf32, #tpu.memory_space<vmem_shared>> -> memref<128xf32, #tpu.memory_space<vmem_shared>>
      tpu.enqueue_dma source(%arg9 : memref<128xf32, #tpu.memory_space<vmem>>) target(%dma_start3A_93 : memref<128xf32, #tpu.memory_space<vmem_shared>>) target_semaphore(%run_scoped3A : memref<!tpu.dma_semaphore, #tpu.memory_space<semaphore_mem>>)
      %dma_wait3A = tpu.memref_slice %arg11[%add3A_50] : memref<10240xf32, #tpu.memory_space<vmem_shared>> -> memref<128xf32, #tpu.memory_space<vmem_shared>>
      %dma_wait3A_94 = tpu.memref_slice %arg11[%add3A_50] : memref<10240xf32, #tpu.memory_space<vmem_shared>> -> memref<128xf32, #tpu.memory_space<vmem_shared>>
      tpu.wait_dma2 semaphore(%run_scoped3A : memref<!tpu.dma_semaphore, #tpu.memory_space<semaphore_mem>>) src(%arg9 : memref<128xf32, #tpu.memory_space<vmem>>) dst(%dma_wait3A_94 : memref<128xf32, #tpu.memory_space<vmem_shared>>)
      tpu.yield
    }) : () -> ()
    %mul3A_51 = arith.constant 640 : i32
    %mul3A_52 = arith.muli %arg1, %mul3A_51 : i32
    %add3A_53 = arith.constant 128 : i32
    %add3A_54 = arith.addi %mul3A_52, %add3A_53 : i32
    "tpu.region"() ({
      %run_scoped3A = tpu.sem_alloc : memref<!tpu.dma_semaphore, #tpu.memory_space<semaphore_mem>>
      %dma_start3A_92 = tpu.memref_slice %arg11[%add3A_54] : memref<10240xf32, #tpu.memory_space<vmem_shared>> -> memref<128xf32, #tpu.memory_space<vmem_shared>>
      %dma_start3A_93 = tpu.memref_slice %arg11[%add3A_54] : memref<10240xf32, #tpu.memory_space<vmem_shared>> -> memref<128xf32, #tpu.memory_space<vmem_shared>>
      tpu.enqueue_dma source(%arg9 : memref<128xf32, #tpu.memory_space<vmem>>) target(%dma_start3A_93 : memref<128xf32, #tpu.memory_space<vmem_shared>>) target_semaphore(%run_scoped3A : memref<!tpu.dma_semaphore, #tpu.memory_space<semaphore_mem>>)
      %dma_wait3A = tpu.memref_slice %arg11[%add3A_54] : memref<10240xf32, #tpu.memory_space<vmem_shared>> -> memref<128xf32, #tpu.memory_space<vmem_shared>>
      %dma_wait3A_94 = tpu.memref_slice %arg11[%add3A_54] : memref<10240xf32, #tpu.memory_space<vmem_shared>> -> memref<128xf32, #tpu.memory_space<vmem_shared>>
      tpu.wait_dma2 semaphore(%run_scoped3A : memref<!tpu.dma_semaphore, #tpu.memory_space<semaphore_mem>>) src(%arg9 : memref<128xf32, #tpu.memory_space<vmem>>) dst(%dma_wait3A_94 : memref<128xf32, #tpu.memory_space<vmem_shared>>)
      tpu.yield
    }) : () -> ()
    %mul3A_55 = arith.constant 640 : i32
    %mul3A_56 = arith.muli %arg1, %mul3A_55 : i32
    %add3A_57 = arith.constant 256 : i32
    %add3A_58 = arith.addi %mul3A_56, %add3A_57 : i32
    "tpu.region"() ({
      %run_scoped3A = tpu.sem_alloc : memref<!tpu.dma_semaphore, #tpu.memory_space<semaphore_mem>>
      %dma_start3A_92 = tpu.memref_slice %arg11[%add3A_58] : memref<10240xf32, #tpu.memory_space<vmem_shared>> -> memref<128xf32, #tpu.memory_space<vmem_shared>>
      %dma_start3A_93 = tpu.memref_slice %arg11[%add3A_58] : memref<10240xf32, #tpu.memory_space<vmem_shared>> -> memref<128xf32, #tpu.memory_space<vmem_shared>>
      tpu.enqueue_dma source(%arg9 : memref<128xf32, #tpu.memory_space<vmem>>) target(%dma_start3A_93 : memref<128xf32, #tpu.memory_space<vmem_shared>>) target_semaphore(%run_scoped3A : memref<!tpu.dma_semaphore, #tpu.memory_space<semaphore_mem>>)
      %dma_wait3A = tpu.memref_slice %arg11[%add3A_58] : memref<10240xf32, #tpu.memory_space<vmem_shared>> -> memref<128xf32, #tpu.memory_space<vmem_shared>>
      %dma_wait3A_94 = tpu.memref_slice %arg11[%add3A_58] : memref<10240xf32, #tpu.memory_space<vmem_shared>> -> memref<128xf32, #tpu.memory_space<vmem_shared>>
      tpu.wait_dma2 semaphore(%run_scoped3A : memref<!tpu.dma_semaphore, #tpu.memory_space<semaphore_mem>>) src(%arg9 : memref<128xf32, #tpu.memory_space<vmem>>) dst(%dma_wait3A_94 : memref<128xf32, #tpu.memory_space<vmem_shared>>)
      tpu.yield
    }) : () -> ()
    %mul3A_59 = arith.constant 640 : i32
    %mul3A_60 = arith.muli %arg1, %mul3A_59 : i32
    %add3A_61 = arith.constant 384 : i32
    %add3A_62 = arith.addi %mul3A_60, %add3A_61 : i32
    "tpu.region"() ({
      %run_scoped3A = tpu.sem_alloc : memref<!tpu.dma_semaphore, #tpu.memory_space<semaphore_mem>>
      %dma_start3A_92 = tpu.memref_slice %arg11[%add3A_62] : memref<10240xf32, #tpu.memory_space<vmem_shared>> -> memref<128xf32, #tpu.memory_space<vmem_shared>>
      %dma_start3A_93 = tpu.memref_slice %arg11[%add3A_62] : memref<10240xf32, #tpu.memory_space<vmem_shared>> -> memref<128xf32, #tpu.memory_space<vmem_shared>>
      tpu.enqueue_dma source(%arg9 : memref<128xf32, #tpu.memory_space<vmem>>) target(%dma_start3A_93 : memref<128xf32, #tpu.memory_space<vmem_shared>>) target_semaphore(%run_scoped3A : memref<!tpu.dma_semaphore, #tpu.memory_space<semaphore_mem>>)
      %dma_wait3A = tpu.memref_slice %arg11[%add3A_62] : memref<10240xf32, #tpu.memory_space<vmem_shared>> -> memref<128xf32, #tpu.memory_space<vmem_shared>>
      %dma_wait3A_94 = tpu.memref_slice %arg11[%add3A_62] : memref<10240xf32, #tpu.memory_space<vmem_shared>> -> memref<128xf32, #tpu.memory_space<vmem_shared>>
      tpu.wait_dma2 semaphore(%run_scoped3A : memref<!tpu.dma_semaphore, #tpu.memory_space<semaphore_mem>>) src(%arg9 : memref<128xf32, #tpu.memory_space<vmem>>) dst(%dma_wait3A_94 : memref<128xf32, #tpu.memory_space<vmem_shared>>)
      tpu.yield
    }) : () -> ()
    %mul3A_63 = arith.constant 640 : i32
    %mul3A_64 = arith.muli %arg1, %mul3A_63 : i32
    %add3A_65 = arith.constant 512 : i32
    %add3A_66 = arith.addi %mul3A_64, %add3A_65 : i32
    "tpu.region"() ({
      %run_scoped3A = tpu.sem_alloc : memref<!tpu.dma_semaphore, #tpu.memory_space<semaphore_mem>>
      %dma_start3A_92 = tpu.memref_slice %arg11[%add3A_66] : memref<10240xf32, #tpu.memory_space<vmem_shared>> -> memref<128xf32, #tpu.memory_space<vmem_shared>>
      %dma_start3A_93 = tpu.memref_slice %arg11[%add3A_66] : memref<10240xf32, #tpu.memory_space<vmem_shared>> -> memref<128xf32, #tpu.memory_space<vmem_shared>>
      tpu.enqueue_dma source(%arg9 : memref<128xf32, #tpu.memory_space<vmem>>) target(%dma_start3A_93 : memref<128xf32, #tpu.memory_space<vmem_shared>>) target_semaphore(%run_scoped3A : memref<!tpu.dma_semaphore, #tpu.memory_space<semaphore_mem>>)
      %dma_wait3A = tpu.memref_slice %arg11[%add3A_66] : memref<10240xf32, #tpu.memory_space<vmem_shared>> -> memref<128xf32, #tpu.memory_space<vmem_shared>>
      %dma_wait3A_94 = tpu.memref_slice %arg11[%add3A_66] : memref<10240xf32, #tpu.memory_space<vmem_shared>> -> memref<128xf32, #tpu.memory_space<vmem_shared>>
      tpu.wait_dma2 semaphore(%run_scoped3A : memref<!tpu.dma_semaphore, #tpu.memory_space<semaphore_mem>>) src(%arg9 : memref<128xf32, #tpu.memory_space<vmem>>) dst(%dma_wait3A_94 : memref<128xf32, #tpu.memory_space<vmem_shared>>)
      tpu.yield
    }) : () -> ()
    %eq3A = arith.constant 0 : i32
    %eq3A_67 = arith.cmpi eq, %arg1, %eq3A : i32
    %convert_element_type3A = arith.extui %eq3A_67 : i1 to i32
    %cond3A = arith.constant 0 : i32
    %cond3A_68 = arith.cmpi ne, %convert_element_type3A, %cond3A : i32
    scf.if %cond3A_68 {
      "tpu.region"() ({
        %run_scoped3A = tpu.sem_alloc : memref<!tpu.dma_semaphore, #tpu.memory_space<semaphore_mem>>
        tpu.enqueue_dma source(%arg2 : memref<10240xf32, #tpu.memory_space<hbm>>) target(%arg12 : memref<10240xf32, #tpu.memory_space<vmem_shared>>) target_semaphore(%run_scoped3A : memref<!tpu.dma_semaphore, #tpu.memory_space<semaphore_mem>>)
        tpu.wait_dma2 semaphore(%run_scoped3A : memref<!tpu.dma_semaphore, #tpu.memory_space<semaphore_mem>>) src(%arg2 : memref<10240xf32, #tpu.memory_space<hbm>>) dst(%arg12 : memref<10240xf32, #tpu.memory_space<vmem_shared>>)
        tpu.yield
      }) : () -> ()
    } else {
    }
    %barrier3A = arith.constant 0 : index
    tpu.barrier barrier_id(%barrier3A)
    "tpu.region"() ({
      %run_scoped3A = tpu.sem_alloc : memref<!tpu.dma_semaphore, #tpu.memory_space<semaphore_mem>>
      %dma_start3A_92 = arith.constant 0 : i32
      %dma_start3A_93 = arith.constant 0 : i32
      %dma_start3A_94 = tpu.memref_slice %arg3[%add3A, %dma_start3A_92, %dma_start3A_93] : memref<32x82x128xi32, #tpu.memory_space<hbm>> -> memref<1x82x128xi32, #tpu.memory_space<hbm>>
      %dma_start3A_95 = tpu.memref_squeeze %dma_start3A_94 : memref<1x82x128xi32, #tpu.memory_space<hbm>> -> memref<82x128xi32, #tpu.memory_space<hbm>>
      %dma_start3A_96 = arith.constant 0 : i32
      %dma_start3A_97 = arith.constant 0 : i32
      %dma_start3A_98 = tpu.memref_slice %arg3[%add3A, %dma_start3A_96, %dma_start3A_97] : memref<32x82x128xi32, #tpu.memory_space<hbm>> -> memref<1x82x128xi32, #tpu.memory_space<hbm>>
      %dma_start3A_99 = tpu.memref_squeeze %dma_start3A_98 : memref<1x82x128xi32, #tpu.memory_space<hbm>> -> memref<82x128xi32, #tpu.memory_space<hbm>>
      tpu.enqueue_dma source(%dma_start3A_99 : memref<82x128xi32, #tpu.memory_space<hbm>>) target(%arg7 : memref<82x128xi32, #tpu.memory_space<vmem>>) target_semaphore(%run_scoped3A : memref<!tpu.dma_semaphore, #tpu.memory_space<semaphore_mem>>)
      %dma_wait3A = arith.constant 0 : i32
      %dma_wait3A_100 = arith.constant 0 : i32
      %dma_wait3A_101 = tpu.memref_slice %arg3[%add3A, %dma_wait3A, %dma_wait3A_100] : memref<32x82x128xi32, #tpu.memory_space<hbm>> -> memref<1x82x128xi32, #tpu.memory_space<hbm>>
      %dma_wait3A_102 = tpu.memref_squeeze %dma_wait3A_101 : memref<1x82x128xi32, #tpu.memory_space<hbm>> -> memref<82x128xi32, #tpu.memory_space<hbm>>
      %dma_wait3A_103 = arith.constant 0 : i32
      %dma_wait3A_104 = arith.constant 0 : i32
      %dma_wait3A_105 = tpu.memref_slice %arg3[%add3A, %dma_wait3A_103, %dma_wait3A_104] : memref<32x82x128xi32, #tpu.memory_space<hbm>> -> memref<1x82x128xi32, #tpu.memory_space<hbm>>
      %dma_wait3A_106 = tpu.memref_squeeze %dma_wait3A_105 : memref<1x82x128xi32, #tpu.memory_space<hbm>> -> memref<82x128xi32, #tpu.memory_space<hbm>>
      tpu.wait_dma2 semaphore(%run_scoped3A : memref<!tpu.dma_semaphore, #tpu.memory_space<semaphore_mem>>) src(%dma_wait3A_106 : memref<82x128xi32, #tpu.memory_space<hbm>>) dst(%arg7 : memref<82x128xi32, #tpu.memory_space<vmem>>)
      tpu.yield
    }) : () -> ()
    "tpu.region"() ({
      %run_scoped3A = tpu.sem_alloc : memref<!tpu.dma_semaphore, #tpu.memory_space<semaphore_mem>>
      %dma_start3A_92 = arith.constant 0 : i32
      %dma_start3A_93 = arith.constant 0 : i32
      %dma_start3A_94 = tpu.memref_slice %arg4[%add3A, %dma_start3A_92, %dma_start3A_93] : memref<32x82x128xi32, #tpu.memory_space<hbm>> -> memref<1x82x128xi32, #tpu.memory_space<hbm>>
      %dma_start3A_95 = tpu.memref_squeeze %dma_start3A_94 : memref<1x82x128xi32, #tpu.memory_space<hbm>> -> memref<82x128xi32, #tpu.memory_space<hbm>>
      %dma_start3A_96 = arith.constant 0 : i32
      %dma_start3A_97 = arith.constant 0 : i32
      %dma_start3A_98 = tpu.memref_slice %arg4[%add3A, %dma_start3A_96, %dma_start3A_97] : memref<32x82x128xi32, #tpu.memory_space<hbm>> -> memref<1x82x128xi32, #tpu.memory_space<hbm>>
      %dma_start3A_99 = tpu.memref_squeeze %dma_start3A_98 : memref<1x82x128xi32, #tpu.memory_space<hbm>> -> memref<82x128xi32, #tpu.memory_space<hbm>>
      tpu.enqueue_dma source(%dma_start3A_99 : memref<82x128xi32, #tpu.memory_space<hbm>>) target(%arg8 : memref<82x128xi32, #tpu.memory_space<vmem>>) target_semaphore(%run_scoped3A : memref<!tpu.dma_semaphore, #tpu.memory_space<semaphore_mem>>)
      %dma_wait3A = arith.constant 0 : i32
      %dma_wait3A_100 = arith.constant 0 : i32
      %dma_wait3A_101 = tpu.memref_slice %arg4[%add3A, %dma_wait3A, %dma_wait3A_100] : memref<32x82x128xi32, #tpu.memory_space<hbm>> -> memref<1x82x128xi32, #tpu.memory_space<hbm>>
      %dma_wait3A_102 = tpu.memref_squeeze %dma_wait3A_101 : memref<1x82x128xi32, #tpu.memory_space<hbm>> -> memref<82x128xi32, #tpu.memory_space<hbm>>
      %dma_wait3A_103 = arith.constant 0 : i32
      %dma_wait3A_104 = arith.constant 0 : i32
      %dma_wait3A_105 = tpu.memref_slice %arg4[%add3A, %dma_wait3A_103, %dma_wait3A_104] : memref<32x82x128xi32, #tpu.memory_space<hbm>> -> memref<1x82x128xi32, #tpu.memory_space<hbm>>
      %dma_wait3A_106 = tpu.memref_squeeze %dma_wait3A_105 : memref<1x82x128xi32, #tpu.memory_space<hbm>> -> memref<82x128xi32, #tpu.memory_space<hbm>>
      tpu.wait_dma2 semaphore(%run_scoped3A : memref<!tpu.dma_semaphore, #tpu.memory_space<semaphore_mem>>) src(%dma_wait3A_106 : memref<82x128xi32, #tpu.memory_space<hbm>>) dst(%arg8 : memref<82x128xi32, #tpu.memory_space<vmem>>)
      tpu.yield
    }) : () -> ()
    %dma_start3A = arith.constant 0 : i32
    %dma_start3A_69 = arith.constant 0 : i32
    %dma_start3A_70 = tpu.memref_slice %arg7[%dma_start3A, %dma_start3A_69] : memref<82x128xi32, #tpu.memory_space<vmem>> -> memref<1x128xi32, #tpu.memory_space<vmem>>
    %dma_start3A_71 = tpu.memref_squeeze %dma_start3A_70 : memref<1x128xi32, #tpu.memory_space<vmem>> -> memref<128xi32, #tpu.memory_space<vmem>>
    %dma_start3A_72 = arith.constant 0 : i32
    %dma_start3A_73 = tpu.memref_slice %arg12[%dma_start3A_72] : memref<10240xf32, #tpu.memory_space<vmem_shared>> -> memref<10240xf32, #tpu.memory_space<vmem_shared>>
    tpu.enqueue_indirect_dma source(%dma_start3A_73 : memref<10240xf32, #tpu.memory_space<vmem_shared>>) target(%arg9 : memref<128xf32, #tpu.memory_space<vmem>>) offsets(%dma_start3A_71 : memref<128xi32, #tpu.memory_space<vmem>>) semaphore(%arg13 : memref<!tpu.dma_semaphore, #tpu.memory_space<semaphore_mem>>)
    %scan3A = arith.constant 0 : i32
    %scan3A_74 = arith.constant 0 : i32
    %scan3A_75 = arith.constant 41 : i32
    %scan3A_76 = arith.addi %scan3A_74, %scan3A_75 : i32
    %scan3A_77 = arith.constant 1 : i32
    scf.for %scan3A_92 = %scan3A_74 to %scan3A_76 step %scan3A_77  : i32 {
      %mul3A_93 = arith.constant 2 : i32
      %mul3A_94 = arith.muli %mul3A_93, %scan3A_92 : i32
      %add3A_95 = arith.constant 1 : i32
      %add3A_96 = arith.addi %mul3A_94, %add3A_95 : i32
      %dma_start3A_97 = arith.constant 0 : i32
      %dma_start3A_98 = tpu.memref_slice %arg7[%add3A_96, %dma_start3A_97] : memref<82x128xi32, #tpu.memory_space<vmem>> -> memref<1x128xi32, #tpu.memory_space<vmem>>
      %dma_start3A_99 = tpu.memref_squeeze %dma_start3A_98 : memref<1x128xi32, #tpu.memory_space<vmem>> -> memref<128xi32, #tpu.memory_space<vmem>>
      %dma_start3A_100 = arith.constant 0 : i32
      %dma_start3A_101 = tpu.memref_slice %arg12[%dma_start3A_100] : memref<10240xf32, #tpu.memory_space<vmem_shared>> -> memref<10240xf32, #tpu.memory_space<vmem_shared>>
      tpu.enqueue_indirect_dma source(%dma_start3A_101 : memref<10240xf32, #tpu.memory_space<vmem_shared>>) target(%arg10 : memref<128xf32, #tpu.memory_space<vmem>>) offsets(%dma_start3A_99 : memref<128xi32, #tpu.memory_space<vmem>>) semaphore(%arg14 : memref<!tpu.dma_semaphore, #tpu.memory_space<semaphore_mem>>)
      %mul3A_102 = arith.constant 2 : i32
      %mul3A_103 = arith.muli %mul3A_102, %scan3A_92 : i32
      %dma_wait3A = arith.constant 0 : i32
      %dma_wait3A_104 = tpu.memref_slice %arg7[%mul3A_103, %dma_wait3A] : memref<82x128xi32, #tpu.memory_space<vmem>> -> memref<1x128xi32, #tpu.memory_space<vmem>>
      %dma_wait3A_105 = tpu.memref_squeeze %dma_wait3A_104 : memref<1x128xi32, #tpu.memory_space<vmem>> -> memref<128xi32, #tpu.memory_space<vmem>>
      %dma_wait3A_106 = arith.constant 0 : i32
      %dma_wait3A_107 = tpu.memref_slice %arg12[%dma_wait3A_106] : memref<10240xf32, #tpu.memory_space<vmem_shared>> -> memref<10240xf32, #tpu.memory_space<vmem_shared>>
      tpu.wait_indirect_dma semaphore(%arg13 : memref<!tpu.dma_semaphore, #tpu.memory_space<semaphore_mem>>) src(%dma_wait3A_107 : memref<10240xf32, #tpu.memory_space<vmem_shared>>) dst(%arg9 : memref<128xf32, #tpu.memory_space<vmem>>)
      %mul3A_108 = arith.constant 2 : i32
      %mul3A_109 = arith.muli %mul3A_108, %scan3A_92 : i32
      "tpu.region"() ({
        %run_scoped3A = tpu.sem_alloc : memref<!tpu.dma_semaphore, #tpu.memory_space<semaphore_mem>>
        %dma_start3A_127 = arith.constant 0 : i32
        %dma_start3A_128 = tpu.memref_slice %arg8[%mul3A_109, %dma_start3A_127] : memref<82x128xi32, #tpu.memory_space<vmem>> -> memref<1x128xi32, #tpu.memory_space<vmem>>
        %dma_start3A_129 = tpu.memref_squeeze %dma_start3A_128 : memref<1x128xi32, #tpu.memory_space<vmem>> -> memref<128xi32, #tpu.memory_space<vmem>>
        %dma_start3A_130 = arith.constant 0 : i32
        %dma_start3A_131 = tpu.memref_slice %arg11[%dma_start3A_130] : memref<10240xf32, #tpu.memory_space<vmem_shared>> -> memref<10240xf32, #tpu.memory_space<vmem_shared>>
        tpu.enqueue_indirect_dma source(%arg9 : memref<128xf32, #tpu.memory_space<vmem>>) target(%dma_start3A_131 : memref<10240xf32, #tpu.memory_space<vmem_shared>>) offsets(%dma_start3A_129 : memref<128xi32, #tpu.memory_space<vmem>>) semaphore(%run_scoped3A : memref<!tpu.dma_semaphore, #tpu.memory_space<semaphore_mem>>) {add = true}
        %dma_wait3A_132 = arith.constant 0 : i32
        %dma_wait3A_133 = tpu.memref_slice %arg8[%mul3A_109, %dma_wait3A_132] : memref<82x128xi32, #tpu.memory_space<vmem>> -> memref<1x128xi32, #tpu.memory_space<vmem>>
        %dma_wait3A_134 = tpu.memref_squeeze %dma_wait3A_133 : memref<1x128xi32, #tpu.memory_space<vmem>> -> memref<128xi32, #tpu.memory_space<vmem>>
        %dma_wait3A_135 = arith.constant 0 : i32
        %dma_wait3A_136 = tpu.memref_slice %arg11[%dma_wait3A_135] : memref<10240xf32, #tpu.memory_space<vmem_shared>> -> memref<10240xf32, #tpu.memory_space<vmem_shared>>
        tpu.wait_indirect_dma semaphore(%run_scoped3A : memref<!tpu.dma_semaphore, #tpu.memory_space<semaphore_mem>>) src(%arg9 : memref<128xf32, #tpu.memory_space<vmem>>) dst(%dma_wait3A_136 : memref<10240xf32, #tpu.memory_space<vmem_shared>>)
        tpu.yield
      }) : () -> ()
      %lt3A = arith.constant 40 : i32
      %lt3A_110 = arith.cmpi slt, %scan3A_92, %lt3A : i32
      %convert_element_type3A_111 = arith.extui %lt3A_110 : i1 to i32
      %cond3A_112 = arith.constant 0 : i32
      %cond3A_113 = arith.cmpi ne, %convert_element_type3A_111, %cond3A_112 : i32
      scf.if %cond3A_113 {
        %mul3A_127 = arith.constant 2 : i32
        %mul3A_128 = arith.muli %mul3A_127, %scan3A_92 : i32
        %add3A_129 = arith.constant 2 : i32
        %add3A_130 = arith.addi %mul3A_128, %add3A_129 : i32
        %dma_start3A_131 = arith.constant 0 : i32
        %dma_start3A_132 = tpu.memref_slice %arg7[%add3A_130, %dma_start3A_131] : memref<82x128xi32, #tpu.memory_space<vmem>> -> memref<1x128xi32, #tpu.memory_space<vmem>>
        %dma_start3A_133 = tpu.memref_squeeze %dma_start3A_132 : memref<1x128xi32, #tpu.memory_space<vmem>> -> memref<128xi32, #tpu.memory_space<vmem>>
        %dma_start3A_134 = arith.constant 0 : i32
        %dma_start3A_135 = tpu.memref_slice %arg12[%dma_start3A_134] : memref<10240xf32, #tpu.memory_space<vmem_shared>> -> memref<10240xf32, #tpu.memory_space<vmem_shared>>
        tpu.enqueue_indirect_dma source(%dma_start3A_135 : memref<10240xf32, #tpu.memory_space<vmem_shared>>) target(%arg9 : memref<128xf32, #tpu.memory_space<vmem>>) offsets(%dma_start3A_133 : memref<128xi32, #tpu.memory_space<vmem>>) semaphore(%arg13 : memref<!tpu.dma_semaphore, #tpu.memory_space<semaphore_mem>>)
      } else {
      }
      %mul3A_114 = arith.constant 2 : i32
      %mul3A_115 = arith.muli %mul3A_114, %scan3A_92 : i32
      %add3A_116 = arith.constant 1 : i32
      %add3A_117 = arith.addi %mul3A_115, %add3A_116 : i32
      %dma_wait3A_118 = arith.constant 0 : i32
      %dma_wait3A_119 = tpu.memref_slice %arg7[%add3A_117, %dma_wait3A_118] : memref<82x128xi32, #tpu.memory_space<vmem>> -> memref<1x128xi32, #tpu.memory_space<vmem>>
      %dma_wait3A_120 = tpu.memref_squeeze %dma_wait3A_119 : memref<1x128xi32, #tpu.memory_space<vmem>> -> memref<128xi32, #tpu.memory_space<vmem>>
      %dma_wait3A_121 = arith.constant 0 : i32
      %dma_wait3A_122 = tpu.memref_slice %arg12[%dma_wait3A_121] : memref<10240xf32, #tpu.memory_space<vmem_shared>> -> memref<10240xf32, #tpu.memory_space<vmem_shared>>
      tpu.wait_indirect_dma semaphore(%arg14 : memref<!tpu.dma_semaphore, #tpu.memory_space<semaphore_mem>>) src(%dma_wait3A_122 : memref<10240xf32, #tpu.memory_space<vmem_shared>>) dst(%arg10 : memref<128xf32, #tpu.memory_space<vmem>>)
      %mul3A_123 = arith.constant 2 : i32
      %mul3A_124 = arith.muli %mul3A_123, %scan3A_92 : i32
      %add3A_125 = arith.constant 1 : i32
      %add3A_126 = arith.addi %mul3A_124, %add3A_125 : i32
      "tpu.region"() ({
        %run_scoped3A = tpu.sem_alloc : memref<!tpu.dma_semaphore, #tpu.memory_space<semaphore_mem>>
        %dma_start3A_127 = arith.constant 0 : i32
        %dma_start3A_128 = tpu.memref_slice %arg8[%add3A_126, %dma_start3A_127] : memref<82x128xi32, #tpu.memory_space<vmem>> -> memref<1x128xi32, #tpu.memory_space<vmem>>
        %dma_start3A_129 = tpu.memref_squeeze %dma_start3A_128 : memref<1x128xi32, #tpu.memory_space<vmem>> -> memref<128xi32, #tpu.memory_space<vmem>>
        %dma_start3A_130 = arith.constant 0 : i32
        %dma_start3A_131 = tpu.memref_slice %arg11[%dma_start3A_130] : memref<10240xf32, #tpu.memory_space<vmem_shared>> -> memref<10240xf32, #tpu.memory_space<vmem_shared>>
        tpu.enqueue_indirect_dma source(%arg10 : memref<128xf32, #tpu.memory_space<vmem>>) target(%dma_start3A_131 : memref<10240xf32, #tpu.memory_space<vmem_shared>>) offsets(%dma_start3A_129 : memref<128xi32, #tpu.memory_space<vmem>>) semaphore(%run_scoped3A : memref<!tpu.dma_semaphore, #tpu.memory_space<semaphore_mem>>) {add = true}
        %dma_wait3A_132 = arith.constant 0 : i32
        %dma_wait3A_133 = tpu.memref_slice %arg8[%add3A_126, %dma_wait3A_132] : memref<82x128xi32, #tpu.memory_space<vmem>> -> memref<1x128xi32, #tpu.memory_space<vmem>>
        %dma_wait3A_134 = tpu.memref_squeeze %dma_wait3A_133 : memref<1x128xi32, #tpu.memory_space<vmem>> -> memref<128xi32, #tpu.memory_space<vmem>>
        %dma_wait3A_135 = arith.constant 0 : i32
        %dma_wait3A_136 = tpu.memref_slice %arg11[%dma_wait3A_135] : memref<10240xf32, #tpu.memory_space<vmem_shared>> -> memref<10240xf32, #tpu.memory_space<vmem_shared>>
        tpu.wait_indirect_dma semaphore(%run_scoped3A : memref<!tpu.dma_semaphore, #tpu.memory_space<semaphore_mem>>) src(%arg10 : memref<128xf32, #tpu.memory_space<vmem>>) dst(%dma_wait3A_136 : memref<10240xf32, #tpu.memory_space<vmem_shared>>)
        tpu.yield
      }) : () -> ()
    }
    %scan3A_78 = arith.constant 41 : i32
    %mul3A_79 = arith.constant 640 : i32
    %mul3A_80 = arith.muli %arg1, %mul3A_79 : i32
    "tpu.region"() ({
      %run_scoped3A = tpu.sem_alloc : memref<!tpu.dma_semaphore, #tpu.memory_space<semaphore_mem>>
      %dma_start3A_92 = tpu.memref_slice %arg11[%mul3A_80] : memref<10240xf32, #tpu.memory_space<vmem_shared>> -> memref<128xf32, #tpu.memory_space<vmem_shared>>
      %dma_start3A_93 = tpu.memref_slice %arg11[%mul3A_80] : memref<10240xf32, #tpu.memory_space<vmem_shared>> -> memref<128xf32, #tpu.memory_space<vmem_shared>>
      tpu.enqueue_dma source(%dma_start3A_93 : memref<128xf32, #tpu.memory_space<vmem_shared>>) target(%arg9 : memref<128xf32, #tpu.memory_space<vmem>>) target_semaphore(%run_scoped3A : memref<!tpu.dma_semaphore, #tpu.memory_space<semaphore_mem>>)
      %dma_wait3A = tpu.memref_slice %arg11[%mul3A_80] : memref<10240xf32, #tpu.memory_space<vmem_shared>> -> memref<128xf32, #tpu.memory_space<vmem_shared>>
      %dma_wait3A_94 = tpu.memref_slice %arg11[%mul3A_80] : memref<10240xf32, #tpu.memory_space<vmem_shared>> -> memref<128xf32, #tpu.memory_space<vmem_shared>>
      tpu.wait_dma2 semaphore(%run_scoped3A : memref<!tpu.dma_semaphore, #tpu.memory_space<semaphore_mem>>) src(%dma_wait3A_94 : memref<128xf32, #tpu.memory_space<vmem_shared>>) dst(%arg9 : memref<128xf32, #tpu.memory_space<vmem>>)
      tpu.yield
    }) : () -> ()
    %barrier3A_81 = arith.constant 0 : index
    tpu.barrier barrier_id(%barrier3A_81)
    %eq3A_82 = arith.constant 0 : i32
    %eq3A_83 = arith.cmpi eq, %arg0, %eq3A_82 : i32
    %convert_element_type3A_84 = arith.extui %eq3A_83 : i1 to i32
    %cond3A_85 = arith.constant 0 : i32
    %cond3A_86 = arith.cmpi ne, %convert_element_type3A_84, %cond3A_85 : i32
    scf.if %cond3A_86 {
      %mul3A_92 = arith.constant 640 : i32
      %mul3A_93 = arith.muli %arg1, %mul3A_92 : i32
      %mul3A_94 = arith.constant 640 : i32
      %mul3A_95 = arith.muli %arg1, %mul3A_94 : i32
      "tpu.region"() ({
        %run_scoped3A = tpu.sem_alloc : memref<!tpu.dma_semaphore, #tpu.memory_space<semaphore_mem>>
        %dma_start3A_96 = tpu.memref_slice %arg5[%mul3A_95] : memref<10240xf32, #tpu.memory_space<hbm>> -> memref<640xf32, #tpu.memory_space<hbm>>
        %dma_start3A_97 = tpu.memref_slice %arg11[%mul3A_93] : memref<10240xf32, #tpu.memory_space<vmem_shared>> -> memref<640xf32, #tpu.memory_space<vmem_shared>>
        tpu.enqueue_dma source(%dma_start3A_97 : memref<640xf32, #tpu.memory_space<vmem_shared>>) target(%dma_start3A_96 : memref<640xf32, #tpu.memory_space<hbm>>) target_semaphore(%run_scoped3A : memref<!tpu.dma_semaphore, #tpu.memory_space<semaphore_mem>>)
        %dma_wait3A = tpu.memref_slice %arg5[%mul3A_95] : memref<10240xf32, #tpu.memory_space<hbm>> -> memref<640xf32, #tpu.memory_space<hbm>>
        %dma_wait3A_98 = tpu.memref_slice %arg11[%mul3A_93] : memref<10240xf32, #tpu.memory_space<vmem_shared>> -> memref<640xf32, #tpu.memory_space<vmem_shared>>
        tpu.wait_dma2 semaphore(%run_scoped3A : memref<!tpu.dma_semaphore, #tpu.memory_space<semaphore_mem>>) src(%dma_wait3A_98 : memref<640xf32, #tpu.memory_space<vmem_shared>>) dst(%dma_wait3A : memref<640xf32, #tpu.memory_space<hbm>>)
        tpu.yield
      }) : () -> ()
    } else {
    }
    %eq3A_87 = arith.constant 1 : i32
    %eq3A_88 = arith.cmpi eq, %arg0, %eq3A_87 : i32
    %convert_element_type3A_89 = arith.extui %eq3A_88 : i1 to i32
    %cond3A_90 = arith.constant 0 : i32
    %cond3A_91 = arith.cmpi ne, %convert_element_type3A_89, %cond3A_90 : i32
    scf.if %cond3A_91 {
      %mul3A_92 = arith.constant 640 : i32
      %mul3A_93 = arith.muli %arg1, %mul3A_92 : i32
      %mul3A_94 = arith.constant 640 : i32
      %mul3A_95 = arith.muli %arg1, %mul3A_94 : i32
      "tpu.region"() ({
        %run_scoped3A = tpu.sem_alloc : memref<!tpu.dma_semaphore, #tpu.memory_space<semaphore_mem>>
        %dma_start3A_96 = tpu.memref_slice %arg6[%mul3A_95] : memref<10240xf32, #tpu.memory_space<hbm>> -> memref<640xf32, #tpu.memory_space<hbm>>
        %dma_start3A_97 = tpu.memref_slice %arg11[%mul3A_93] : memref<10240xf32, #tpu.memory_space<vmem_shared>> -> memref<640xf32, #tpu.memory_space<vmem_shared>>
        tpu.enqueue_dma source(%dma_start3A_97 : memref<640xf32, #tpu.memory_space<vmem_shared>>) target(%dma_start3A_96 : memref<640xf32, #tpu.memory_space<hbm>>) target_semaphore(%run_scoped3A : memref<!tpu.dma_semaphore, #tpu.memory_space<semaphore_mem>>)
        %dma_wait3A = tpu.memref_slice %arg6[%mul3A_95] : memref<10240xf32, #tpu.memory_space<hbm>> -> memref<640xf32, #tpu.memory_space<hbm>>
        %dma_wait3A_98 = tpu.memref_slice %arg11[%mul3A_93] : memref<10240xf32, #tpu.memory_space<vmem_shared>> -> memref<640xf32, #tpu.memory_space<vmem_shared>>
        tpu.wait_dma2 semaphore(%run_scoped3A : memref<!tpu.dma_semaphore, #tpu.memory_space<semaphore_mem>>) src(%dma_wait3A_98 : memref<640xf32, #tpu.memory_space<vmem_shared>>) dst(%dma_wait3A : memref<640xf32, #tpu.memory_space<hbm>>)
        tpu.yield
      }) : () -> ()
    } else {
    }
    return
  }
}

#map = affine_map<(d0, d1) -> (0, 0)>
module attributes {stable_mosaic.version = 14 : i64} {
  func.func @_deg_body(%arg0: i32, %arg1: i32, %arg2: memref<2560x128xi32, #tpu.memory_space<hbm>>, %arg3: memref<2x10240xf32, #tpu.memory_space<hbm>>, %arg4: memref<80x128xi32, #tpu.memory_space<vmem>>, %arg5: memref<128xf32, #tpu.memory_space<vmem>>, %arg6: memref<640xf32, #tpu.memory_space<vmem>>, %arg7: memref<10240xf32, #tpu.memory_space<vmem_shared>>) attributes {dimension_semantics = [#tpu.dimension_semantics<core_parallel>, #tpu.dimension_semantics<subcore_parallel>], iteration_bounds = array<i64: 2, 16>, scalar_prefetch = 0 : i64, scratch_operands = 4 : i64, tpu.core_type = #tpu.core_type<sc_vector_subcore>, window_params = [{transform_indices = #map}, {transform_indices = #map}]} {
    %mul3A = arith.constant 16 : i32
    %mul3A_0 = arith.muli %arg0, %mul3A : i32
    %add3A = arith.addi %mul3A_0, %arg1 : i32
    %broadcast_in_dim3A = arith.constant 1.000000e+00 : f32
    %broadcast_in_dim3A_1 = vector.broadcast %broadcast_in_dim3A : f32 to vector<16xf32>
    %swap3A = arith.constant 0 : index
    %swap3A_2 = tpu.vector_load %arg5[%swap3A] {strides = array<i32>} : memref<128xf32, #tpu.memory_space<vmem>>, vector<16xf32>,
    %swap3A_3 = vector.shape_cast %swap3A_2 : vector<16xf32> to vector<16xf32>
    %swap3A_4 = vector.shape_cast %broadcast_in_dim3A_1 : vector<16xf32> to vector<16xf32>
    tpu.vector_store %arg5[%swap3A], %swap3A_4 {strides = array<i32>} : memref<128xf32, #tpu.memory_space<vmem>>, vector<16xf32>,
    %broadcast_in_dim3A_5 = arith.constant 1.000000e+00 : f32
    %broadcast_in_dim3A_6 = vector.broadcast %broadcast_in_dim3A_5 : f32 to vector<16xf32>
    %swap3A_7 = arith.constant 16 : index
    %swap3A_8 = tpu.vector_load %arg5[%swap3A_7] {strides = array<i32>} : memref<128xf32, #tpu.memory_space<vmem>>, vector<16xf32>,
    %swap3A_9 = vector.shape_cast %swap3A_8 : vector<16xf32> to vector<16xf32>
    %swap3A_10 = vector.shape_cast %broadcast_in_dim3A_6 : vector<16xf32> to vector<16xf32>
    tpu.vector_store %arg5[%swap3A_7], %swap3A_10 {strides = array<i32>} : memref<128xf32, #tpu.memory_space<vmem>>, vector<16xf32>,
    %broadcast_in_dim3A_11 = arith.constant 1.000000e+00 : f32
    %broadcast_in_dim3A_12 = vector.broadcast %broadcast_in_dim3A_11 : f32 to vector<16xf32>
    %swap3A_13 = arith.constant 32 : index
    %swap3A_14 = tpu.vector_load %arg5[%swap3A_13] {strides = array<i32>} : memref<128xf32, #tpu.memory_space<vmem>>, vector<16xf32>,
    %swap3A_15 = vector.shape_cast %swap3A_14 : vector<16xf32> to vector<16xf32>
    %swap3A_16 = vector.shape_cast %broadcast_in_dim3A_12 : vector<16xf32> to vector<16xf32>
    tpu.vector_store %arg5[%swap3A_13], %swap3A_16 {strides = array<i32>} : memref<128xf32, #tpu.memory_space<vmem>>, vector<16xf32>,
    %broadcast_in_dim3A_17 = arith.constant 1.000000e+00 : f32
    %broadcast_in_dim3A_18 = vector.broadcast %broadcast_in_dim3A_17 : f32 to vector<16xf32>
    %swap3A_19 = arith.constant 48 : index
    %swap3A_20 = tpu.vector_load %arg5[%swap3A_19] {strides = array<i32>} : memref<128xf32, #tpu.memory_space<vmem>>, vector<16xf32>,
    %swap3A_21 = vector.shape_cast %swap3A_20 : vector<16xf32> to vector<16xf32>
    %swap3A_22 = vector.shape_cast %broadcast_in_dim3A_18 : vector<16xf32> to vector<16xf32>
    tpu.vector_store %arg5[%swap3A_19], %swap3A_22 {strides = array<i32>} : memref<128xf32, #tpu.memory_space<vmem>>, vector<16xf32>,
    %broadcast_in_dim3A_23 = arith.constant 1.000000e+00 : f32
    %broadcast_in_dim3A_24 = vector.broadcast %broadcast_in_dim3A_23 : f32 to vector<16xf32>
    %swap3A_25 = arith.constant 64 : index
    %swap3A_26 = tpu.vector_load %arg5[%swap3A_25] {strides = array<i32>} : memref<128xf32, #tpu.memory_space<vmem>>, vector<16xf32>,
    %swap3A_27 = vector.shape_cast %swap3A_26 : vector<16xf32> to vector<16xf32>
    %swap3A_28 = vector.shape_cast %broadcast_in_dim3A_24 : vector<16xf32> to vector<16xf32>
    tpu.vector_store %arg5[%swap3A_25], %swap3A_28 {strides = array<i32>} : memref<128xf32, #tpu.memory_space<vmem>>, vector<16xf32>,
    %broadcast_in_dim3A_29 = arith.constant 1.000000e+00 : f32
    %broadcast_in_dim3A_30 = vector.broadcast %broadcast_in_dim3A_29 : f32 to vector<16xf32>
    %swap3A_31 = arith.constant 80 : index
    %swap3A_32 = tpu.vector_load %arg5[%swap3A_31] {strides = array<i32>} : memref<128xf32, #tpu.memory_space<vmem>>, vector<16xf32>,
    %swap3A_33 = vector.shape_cast %swap3A_32 : vector<16xf32> to vector<16xf32>
    %swap3A_34 = vector.shape_cast %broadcast_in_dim3A_30 : vector<16xf32> to vector<16xf32>
    tpu.vector_store %arg5[%swap3A_31], %swap3A_34 {strides = array<i32>} : memref<128xf32, #tpu.memory_space<vmem>>, vector<16xf32>,
    %broadcast_in_dim3A_35 = arith.constant 1.000000e+00 : f32
    %broadcast_in_dim3A_36 = vector.broadcast %broadcast_in_dim3A_35 : f32 to vector<16xf32>
    %swap3A_37 = arith.constant 96 : index
    %swap3A_38 = tpu.vector_load %arg5[%swap3A_37] {strides = array<i32>} : memref<128xf32, #tpu.memory_space<vmem>>, vector<16xf32>,
    %swap3A_39 = vector.shape_cast %swap3A_38 : vector<16xf32> to vector<16xf32>
    %swap3A_40 = vector.shape_cast %broadcast_in_dim3A_36 : vector<16xf32> to vector<16xf32>
    tpu.vector_store %arg5[%swap3A_37], %swap3A_40 {strides = array<i32>} : memref<128xf32, #tpu.memory_space<vmem>>, vector<16xf32>,
    %broadcast_in_dim3A_41 = arith.constant 1.000000e+00 : f32
    %broadcast_in_dim3A_42 = vector.broadcast %broadcast_in_dim3A_41 : f32 to vector<16xf32>
    %swap3A_43 = arith.constant 112 : index
    %swap3A_44 = tpu.vector_load %arg5[%swap3A_43] {strides = array<i32>} : memref<128xf32, #tpu.memory_space<vmem>>, vector<16xf32>,
    %swap3A_45 = vector.shape_cast %swap3A_44 : vector<16xf32> to vector<16xf32>
    %swap3A_46 = vector.shape_cast %broadcast_in_dim3A_42 : vector<16xf32> to vector<16xf32>
    tpu.vector_store %arg5[%swap3A_43], %swap3A_46 {strides = array<i32>} : memref<128xf32, #tpu.memory_space<vmem>>, vector<16xf32>,
    %broadcast_in_dim3A_47 = arith.constant 0.000000e+00 : f32
    %broadcast_in_dim3A_48 = vector.broadcast %broadcast_in_dim3A_47 : f32 to vector<16xf32>
    %swap3A_49 = arith.constant 0 : index
    %swap3A_50 = tpu.vector_load %arg6[%swap3A_49] {strides = array<i32>} : memref<640xf32, #tpu.memory_space<vmem>>, vector<16xf32>,
    %swap3A_51 = vector.shape_cast %swap3A_50 : vector<16xf32> to vector<16xf32>
    %swap3A_52 = vector.shape_cast %broadcast_in_dim3A_48 : vector<16xf32> to vector<16xf32>
    tpu.vector_store %arg6[%swap3A_49], %swap3A_52 {strides = array<i32>} : memref<640xf32, #tpu.memory_space<vmem>>, vector<16xf32>,
    %broadcast_in_dim3A_53 = arith.constant 0.000000e+00 : f32
    %broadcast_in_dim3A_54 = vector.broadcast %broadcast_in_dim3A_53 : f32 to vector<16xf32>
    %swap3A_55 = arith.constant 16 : index
    %swap3A_56 = tpu.vector_load %arg6[%swap3A_55] {strides = array<i32>} : memref<640xf32, #tpu.memory_space<vmem>>, vector<16xf32>,
    %swap3A_57 = vector.shape_cast %swap3A_56 : vector<16xf32> to vector<16xf32>
    %swap3A_58 = vector.shape_cast %broadcast_in_dim3A_54 : vector<16xf32> to vector<16xf32>
    tpu.vector_store %arg6[%swap3A_55], %swap3A_58 {strides = array<i32>} : memref<640xf32, #tpu.memory_space<vmem>>, vector<16xf32>,
    %broadcast_in_dim3A_59 = arith.constant 0.000000e+00 : f32
    %broadcast_in_dim3A_60 = vector.broadcast %broadcast_in_dim3A_59 : f32 to vector<16xf32>
    %swap3A_61 = arith.constant 32 : index
    %swap3A_62 = tpu.vector_load %arg6[%swap3A_61] {strides = array<i32>} : memref<640xf32, #tpu.memory_space<vmem>>, vector<16xf32>,
    %swap3A_63 = vector.shape_cast %swap3A_62 : vector<16xf32> to vector<16xf32>
    %swap3A_64 = vector.shape_cast %broadcast_in_dim3A_60 : vector<16xf32> to vector<16xf32>
    tpu.vector_store %arg6[%swap3A_61], %swap3A_64 {strides = array<i32>} : memref<640xf32, #tpu.memory_space<vmem>>, vector<16xf32>,
    %broadcast_in_dim3A_65 = arith.constant 0.000000e+00 : f32
    %broadcast_in_dim3A_66 = vector.broadcast %broadcast_in_dim3A_65 : f32 to vector<16xf32>
    %swap3A_67 = arith.constant 48 : index
    %swap3A_68 = tpu.vector_load %arg6[%swap3A_67] {strides = array<i32>} : memref<640xf32, #tpu.memory_space<vmem>>, vector<16xf32>,
    %swap3A_69 = vector.shape_cast %swap3A_68 : vector<16xf32> to vector<16xf32>
    %swap3A_70 = vector.shape_cast %broadcast_in_dim3A_66 : vector<16xf32> to vector<16xf32>
    tpu.vector_store %arg6[%swap3A_67], %swap3A_70 {strides = array<i32>} : memref<640xf32, #tpu.memory_space<vmem>>, vector<16xf32>,
    %broadcast_in_dim3A_71 = arith.constant 0.000000e+00 : f32
    %broadcast_in_dim3A_72 = vector.broadcast %broadcast_in_dim3A_71 : f32 to vector<16xf32>
    %swap3A_73 = arith.constant 64 : index
    %swap3A_74 = tpu.vector_load %arg6[%swap3A_73] {strides = array<i32>} : memref<640xf32, #tpu.memory_space<vmem>>, vector<16xf32>,
    %swap3A_75 = vector.shape_cast %swap3A_74 : vector<16xf32> to vector<16xf32>
    %swap3A_76 = vector.shape_cast %broadcast_in_dim3A_72 : vector<16xf32> to vector<16xf32>
    tpu.vector_store %arg6[%swap3A_73], %swap3A_76 {strides = array<i32>} : memref<640xf32, #tpu.memory_space<vmem>>, vector<16xf32>,
    %broadcast_in_dim3A_77 = arith.constant 0.000000e+00 : f32
    %broadcast_in_dim3A_78 = vector.broadcast %broadcast_in_dim3A_77 : f32 to vector<16xf32>
    %swap3A_79 = arith.constant 80 : index
    %swap3A_80 = tpu.vector_load %arg6[%swap3A_79] {strides = array<i32>} : memref<640xf32, #tpu.memory_space<vmem>>, vector<16xf32>,
    %swap3A_81 = vector.shape_cast %swap3A_80 : vector<16xf32> to vector<16xf32>
    %swap3A_82 = vector.shape_cast %broadcast_in_dim3A_78 : vector<16xf32> to vector<16xf32>
    tpu.vector_store %arg6[%swap3A_79], %swap3A_82 {strides = array<i32>} : memref<640xf32, #tpu.memory_space<vmem>>, vector<16xf32>,
    %broadcast_in_dim3A_83 = arith.constant 0.000000e+00 : f32
    %broadcast_in_dim3A_84 = vector.broadcast %broadcast_in_dim3A_83 : f32 to vector<16xf32>
    %swap3A_85 = arith.constant 96 : index
    %swap3A_86 = tpu.vector_load %arg6[%swap3A_85] {strides = array<i32>} : memref<640xf32, #tpu.memory_space<vmem>>, vector<16xf32>,
    %swap3A_87 = vector.shape_cast %swap3A_86 : vector<16xf32> to vector<16xf32>
    %swap3A_88 = vector.shape_cast %broadcast_in_dim3A_84 : vector<16xf32> to vector<16xf32>
    tpu.vector_store %arg6[%swap3A_85], %swap3A_88 {strides = array<i32>} : memref<640xf32, #tpu.memory_space<vmem>>, vector<16xf32>,
    %broadcast_in_dim3A_89 = arith.constant 0.000000e+00 : f32
    %broadcast_in_dim3A_90 = vector.broadcast %broadcast_in_dim3A_89 : f32 to vector<16xf32>
    %swap3A_91 = arith.constant 112 : index
    %swap3A_92 = tpu.vector_load %arg6[%swap3A_91] {strides = array<i32>} : memref<640xf32, #tpu.memory_space<vmem>>, vector<16xf32>,
    %swap3A_93 = vector.shape_cast %swap3A_92 : vector<16xf32> to vector<16xf32>
    %swap3A_94 = vector.shape_cast %broadcast_in_dim3A_90 : vector<16xf32> to vector<16xf32>
    tpu.vector_store %arg6[%swap3A_91], %swap3A_94 {strides = array<i32>} : memref<640xf32, #tpu.memory_space<vmem>>, vector<16xf32>,
    %broadcast_in_dim3A_95 = arith.constant 0.000000e+00 : f32
    %broadcast_in_dim3A_96 = vector.broadcast %broadcast_in_dim3A_95 : f32 to vector<16xf32>
    %swap3A_97 = arith.constant 128 : index
    %swap3A_98 = tpu.vector_load %arg6[%swap3A_97] {strides = array<i32>} : memref<640xf32, #tpu.memory_space<vmem>>, vector<16xf32>,
    %swap3A_99 = vector.shape_cast %swap3A_98 : vector<16xf32> to vector<16xf32>
    %swap3A_100 = vector.shape_cast %broadcast_in_dim3A_96 : vector<16xf32> to vector<16xf32>
    tpu.vector_store %arg6[%swap3A_97], %swap3A_100 {strides = array<i32>} : memref<640xf32, #tpu.memory_space<vmem>>, vector<16xf32>,
    %broadcast_in_dim3A_101 = arith.constant 0.000000e+00 : f32
    %broadcast_in_dim3A_102 = vector.broadcast %broadcast_in_dim3A_101 : f32 to vector<16xf32>
    %swap3A_103 = arith.constant 144 : index
    %swap3A_104 = tpu.vector_load %arg6[%swap3A_103] {strides = array<i32>} : memref<640xf32, #tpu.memory_space<vmem>>, vector<16xf32>,
    %swap3A_105 = vector.shape_cast %swap3A_104 : vector<16xf32> to vector<16xf32>
    %swap3A_106 = vector.shape_cast %broadcast_in_dim3A_102 : vector<16xf32> to vector<16xf32>
    tpu.vector_store %arg6[%swap3A_103], %swap3A_106 {strides = array<i32>} : memref<640xf32, #tpu.memory_space<vmem>>, vector<16xf32>,
    %broadcast_in_dim3A_107 = arith.constant 0.000000e+00 : f32
    %broadcast_in_dim3A_108 = vector.broadcast %broadcast_in_dim3A_107 : f32 to vector<16xf32>
    %swap3A_109 = arith.constant 160 : index
    %swap3A_110 = tpu.vector_load %arg6[%swap3A_109] {strides = array<i32>} : memref<640xf32, #tpu.memory_space<vmem>>, vector<16xf32>,
    %swap3A_111 = vector.shape_cast %swap3A_110 : vector<16xf32> to vector<16xf32>
    %swap3A_112 = vector.shape_cast %broadcast_in_dim3A_108 : vector<16xf32> to vector<16xf32>
    tpu.vector_store %arg6[%swap3A_109], %swap3A_112 {strides = array<i32>} : memref<640xf32, #tpu.memory_space<vmem>>, vector<16xf32>,
    %broadcast_in_dim3A_113 = arith.constant 0.000000e+00 : f32
    %broadcast_in_dim3A_114 = vector.broadcast %broadcast_in_dim3A_113 : f32 to vector<16xf32>
    %swap3A_115 = arith.constant 176 : index
    %swap3A_116 = tpu.vector_load %arg6[%swap3A_115] {strides = array<i32>} : memref<640xf32, #tpu.memory_space<vmem>>, vector<16xf32>,
    %swap3A_117 = vector.shape_cast %swap3A_116 : vector<16xf32> to vector<16xf32>
    %swap3A_118 = vector.shape_cast %broadcast_in_dim3A_114 : vector<16xf32> to vector<16xf32>
    tpu.vector_store %arg6[%swap3A_115], %swap3A_118 {strides = array<i32>} : memref<640xf32, #tpu.memory_space<vmem>>, vector<16xf32>,
    %broadcast_in_dim3A_119 = arith.constant 0.000000e+00 : f32
    %broadcast_in_dim3A_120 = vector.broadcast %broadcast_in_dim3A_119 : f32 to vector<16xf32>
    %swap3A_121 = arith.constant 192 : index
    %swap3A_122 = tpu.vector_load %arg6[%swap3A_121] {strides = array<i32>} : memref<640xf32, #tpu.memory_space<vmem>>, vector<16xf32>,
    %swap3A_123 = vector.shape_cast %swap3A_122 : vector<16xf32> to vector<16xf32>
    %swap3A_124 = vector.shape_cast %broadcast_in_dim3A_120 : vector<16xf32> to vector<16xf32>
    tpu.vector_store %arg6[%swap3A_121], %swap3A_124 {strides = array<i32>} : memref<640xf32, #tpu.memory_space<vmem>>, vector<16xf32>,
    %broadcast_in_dim3A_125 = arith.constant 0.000000e+00 : f32
    %broadcast_in_dim3A_126 = vector.broadcast %broadcast_in_dim3A_125 : f32 to vector<16xf32>
    %swap3A_127 = arith.constant 208 : index
    %swap3A_128 = tpu.vector_load %arg6[%swap3A_127] {strides = array<i32>} : memref<640xf32, #tpu.memory_space<vmem>>, vector<16xf32>,
    %swap3A_129 = vector.shape_cast %swap3A_128 : vector<16xf32> to vector<16xf32>
    %swap3A_130 = vector.shape_cast %broadcast_in_dim3A_126 : vector<16xf32> to vector<16xf32>
    tpu.vector_store %arg6[%swap3A_127], %swap3A_130 {strides = array<i32>} : memref<640xf32, #tpu.memory_space<vmem>>, vector<16xf32>,
    %broadcast_in_dim3A_131 = arith.constant 0.000000e+00 : f32
    %broadcast_in_dim3A_132 = vector.broadcast %broadcast_in_dim3A_131 : f32 to vector<16xf32>
    %swap3A_133 = arith.constant 224 : index
    %swap3A_134 = tpu.vector_load %arg6[%swap3A_133] {strides = array<i32>} : memref<640xf32, #tpu.memory_space<vmem>>, vector<16xf32>,
    %swap3A_135 = vector.shape_cast %swap3A_134 : vector<16xf32> to vector<16xf32>
    %swap3A_136 = vector.shape_cast %broadcast_in_dim3A_132 : vector<16xf32> to vector<16xf32>
    tpu.vector_store %arg6[%swap3A_133], %swap3A_136 {strides = array<i32>} : memref<640xf32, #tpu.memory_space<vmem>>, vector<16xf32>,
    %broadcast_in_dim3A_137 = arith.constant 0.000000e+00 : f32
    %broadcast_in_dim3A_138 = vector.broadcast %broadcast_in_dim3A_137 : f32 to vector<16xf32>
    %swap3A_139 = arith.constant 240 : index
    %swap3A_140 = tpu.vector_load %arg6[%swap3A_139] {strides = array<i32>} : memref<640xf32, #tpu.memory_space<vmem>>, vector<16xf32>,
    %swap3A_141 = vector.shape_cast %swap3A_140 : vector<16xf32> to vector<16xf32>
    %swap3A_142 = vector.shape_cast %broadcast_in_dim3A_138 : vector<16xf32> to vector<16xf32>
    tpu.vector_store %arg6[%swap3A_139], %swap3A_142 {strides = array<i32>} : memref<640xf32, #tpu.memory_space<vmem>>, vector<16xf32>,
    %broadcast_in_dim3A_143 = arith.constant 0.000000e+00 : f32
    %broadcast_in_dim3A_144 = vector.broadcast %broadcast_in_dim3A_143 : f32 to vector<16xf32>
    %swap3A_145 = arith.constant 256 : index
    %swap3A_146 = tpu.vector_load %arg6[%swap3A_145] {strides = array<i32>} : memref<640xf32, #tpu.memory_space<vmem>>, vector<16xf32>,
    %swap3A_147 = vector.shape_cast %swap3A_146 : vector<16xf32> to vector<16xf32>
    %swap3A_148 = vector.shape_cast %broadcast_in_dim3A_144 : vector<16xf32> to vector<16xf32>
    tpu.vector_store %arg6[%swap3A_145], %swap3A_148 {strides = array<i32>} : memref<640xf32, #tpu.memory_space<vmem>>, vector<16xf32>,
    %broadcast_in_dim3A_149 = arith.constant 0.000000e+00 : f32
    %broadcast_in_dim3A_150 = vector.broadcast %broadcast_in_dim3A_149 : f32 to vector<16xf32>
    %swap3A_151 = arith.constant 272 : index
    %swap3A_152 = tpu.vector_load %arg6[%swap3A_151] {strides = array<i32>} : memref<640xf32, #tpu.memory_space<vmem>>, vector<16xf32>,
    %swap3A_153 = vector.shape_cast %swap3A_152 : vector<16xf32> to vector<16xf32>
    %swap3A_154 = vector.shape_cast %broadcast_in_dim3A_150 : vector<16xf32> to vector<16xf32>
    tpu.vector_store %arg6[%swap3A_151], %swap3A_154 {strides = array<i32>} : memref<640xf32, #tpu.memory_space<vmem>>, vector<16xf32>,
    %broadcast_in_dim3A_155 = arith.constant 0.000000e+00 : f32
    %broadcast_in_dim3A_156 = vector.broadcast %broadcast_in_dim3A_155 : f32 to vector<16xf32>
    %swap3A_157 = arith.constant 288 : index
    %swap3A_158 = tpu.vector_load %arg6[%swap3A_157] {strides = array<i32>} : memref<640xf32, #tpu.memory_space<vmem>>, vector<16xf32>,
    %swap3A_159 = vector.shape_cast %swap3A_158 : vector<16xf32> to vector<16xf32>
    %swap3A_160 = vector.shape_cast %broadcast_in_dim3A_156 : vector<16xf32> to vector<16xf32>
    tpu.vector_store %arg6[%swap3A_157], %swap3A_160 {strides = array<i32>} : memref<640xf32, #tpu.memory_space<vmem>>, vector<16xf32>,
    %broadcast_in_dim3A_161 = arith.constant 0.000000e+00 : f32
    %broadcast_in_dim3A_162 = vector.broadcast %broadcast_in_dim3A_161 : f32 to vector<16xf32>
    %swap3A_163 = arith.constant 304 : index
    %swap3A_164 = tpu.vector_load %arg6[%swap3A_163] {strides = array<i32>} : memref<640xf32, #tpu.memory_space<vmem>>, vector<16xf32>,
    %swap3A_165 = vector.shape_cast %swap3A_164 : vector<16xf32> to vector<16xf32>
    %swap3A_166 = vector.shape_cast %broadcast_in_dim3A_162 : vector<16xf32> to vector<16xf32>
    tpu.vector_store %arg6[%swap3A_163], %swap3A_166 {strides = array<i32>} : memref<640xf32, #tpu.memory_space<vmem>>, vector<16xf32>,
    %broadcast_in_dim3A_167 = arith.constant 0.000000e+00 : f32
    %broadcast_in_dim3A_168 = vector.broadcast %broadcast_in_dim3A_167 : f32 to vector<16xf32>
    %swap3A_169 = arith.constant 320 : index
    %swap3A_170 = tpu.vector_load %arg6[%swap3A_169] {strides = array<i32>} : memref<640xf32, #tpu.memory_space<vmem>>, vector<16xf32>,
    %swap3A_171 = vector.shape_cast %swap3A_170 : vector<16xf32> to vector<16xf32>
    %swap3A_172 = vector.shape_cast %broadcast_in_dim3A_168 : vector<16xf32> to vector<16xf32>
    tpu.vector_store %arg6[%swap3A_169], %swap3A_172 {strides = array<i32>} : memref<640xf32, #tpu.memory_space<vmem>>, vector<16xf32>,
    %broadcast_in_dim3A_173 = arith.constant 0.000000e+00 : f32
    %broadcast_in_dim3A_174 = vector.broadcast %broadcast_in_dim3A_173 : f32 to vector<16xf32>
    %swap3A_175 = arith.constant 336 : index
    %swap3A_176 = tpu.vector_load %arg6[%swap3A_175] {strides = array<i32>} : memref<640xf32, #tpu.memory_space<vmem>>, vector<16xf32>,
    %swap3A_177 = vector.shape_cast %swap3A_176 : vector<16xf32> to vector<16xf32>
    %swap3A_178 = vector.shape_cast %broadcast_in_dim3A_174 : vector<16xf32> to vector<16xf32>
    tpu.vector_store %arg6[%swap3A_175], %swap3A_178 {strides = array<i32>} : memref<640xf32, #tpu.memory_space<vmem>>, vector<16xf32>,
    %broadcast_in_dim3A_179 = arith.constant 0.000000e+00 : f32
    %broadcast_in_dim3A_180 = vector.broadcast %broadcast_in_dim3A_179 : f32 to vector<16xf32>
    %swap3A_181 = arith.constant 352 : index
    %swap3A_182 = tpu.vector_load %arg6[%swap3A_181] {strides = array<i32>} : memref<640xf32, #tpu.memory_space<vmem>>, vector<16xf32>,
    %swap3A_183 = vector.shape_cast %swap3A_182 : vector<16xf32> to vector<16xf32>
    %swap3A_184 = vector.shape_cast %broadcast_in_dim3A_180 : vector<16xf32> to vector<16xf32>
    tpu.vector_store %arg6[%swap3A_181], %swap3A_184 {strides = array<i32>} : memref<640xf32, #tpu.memory_space<vmem>>, vector<16xf32>,
    %broadcast_in_dim3A_185 = arith.constant 0.000000e+00 : f32
    %broadcast_in_dim3A_186 = vector.broadcast %broadcast_in_dim3A_185 : f32 to vector<16xf32>
    %swap3A_187 = arith.constant 368 : index
    %swap3A_188 = tpu.vector_load %arg6[%swap3A_187] {strides = array<i32>} : memref<640xf32, #tpu.memory_space<vmem>>, vector<16xf32>,
    %swap3A_189 = vector.shape_cast %swap3A_188 : vector<16xf32> to vector<16xf32>
    %swap3A_190 = vector.shape_cast %broadcast_in_dim3A_186 : vector<16xf32> to vector<16xf32>
    tpu.vector_store %arg6[%swap3A_187], %swap3A_190 {strides = array<i32>} : memref<640xf32, #tpu.memory_space<vmem>>, vector<16xf32>,
    %broadcast_in_dim3A_191 = arith.constant 0.000000e+00 : f32
    %broadcast_in_dim3A_192 = vector.broadcast %broadcast_in_dim3A_191 : f32 to vector<16xf32>
    %swap3A_193 = arith.constant 384 : index
    %swap3A_194 = tpu.vector_load %arg6[%swap3A_193] {strides = array<i32>} : memref<640xf32, #tpu.memory_space<vmem>>, vector<16xf32>,
    %swap3A_195 = vector.shape_cast %swap3A_194 : vector<16xf32> to vector<16xf32>
    %swap3A_196 = vector.shape_cast %broadcast_in_dim3A_192 : vector<16xf32> to vector<16xf32>
    tpu.vector_store %arg6[%swap3A_193], %swap3A_196 {strides = array<i32>} : memref<640xf32, #tpu.memory_space<vmem>>, vector<16xf32>,
    %broadcast_in_dim3A_197 = arith.constant 0.000000e+00 : f32
    %broadcast_in_dim3A_198 = vector.broadcast %broadcast_in_dim3A_197 : f32 to vector<16xf32>
    %swap3A_199 = arith.constant 400 : index
    %swap3A_200 = tpu.vector_load %arg6[%swap3A_199] {strides = array<i32>} : memref<640xf32, #tpu.memory_space<vmem>>, vector<16xf32>,
    %swap3A_201 = vector.shape_cast %swap3A_200 : vector<16xf32> to vector<16xf32>
    %swap3A_202 = vector.shape_cast %broadcast_in_dim3A_198 : vector<16xf32> to vector<16xf32>
    tpu.vector_store %arg6[%swap3A_199], %swap3A_202 {strides = array<i32>} : memref<640xf32, #tpu.memory_space<vmem>>, vector<16xf32>,
    %broadcast_in_dim3A_203 = arith.constant 0.000000e+00 : f32
    %broadcast_in_dim3A_204 = vector.broadcast %broadcast_in_dim3A_203 : f32 to vector<16xf32>
    %swap3A_205 = arith.constant 416 : index
    %swap3A_206 = tpu.vector_load %arg6[%swap3A_205] {strides = array<i32>} : memref<640xf32, #tpu.memory_space<vmem>>, vector<16xf32>,
    %swap3A_207 = vector.shape_cast %swap3A_206 : vector<16xf32> to vector<16xf32>
    %swap3A_208 = vector.shape_cast %broadcast_in_dim3A_204 : vector<16xf32> to vector<16xf32>
    tpu.vector_store %arg6[%swap3A_205], %swap3A_208 {strides = array<i32>} : memref<640xf32, #tpu.memory_space<vmem>>, vector<16xf32>,
    %broadcast_in_dim3A_209 = arith.constant 0.000000e+00 : f32
    %broadcast_in_dim3A_210 = vector.broadcast %broadcast_in_dim3A_209 : f32 to vector<16xf32>
    %swap3A_211 = arith.constant 432 : index
    %swap3A_212 = tpu.vector_load %arg6[%swap3A_211] {strides = array<i32>} : memref<640xf32, #tpu.memory_space<vmem>>, vector<16xf32>,
    %swap3A_213 = vector.shape_cast %swap3A_212 : vector<16xf32> to vector<16xf32>
    %swap3A_214 = vector.shape_cast %broadcast_in_dim3A_210 : vector<16xf32> to vector<16xf32>
    tpu.vector_store %arg6[%swap3A_211], %swap3A_214 {strides = array<i32>} : memref<640xf32, #tpu.memory_space<vmem>>, vector<16xf32>,
    %broadcast_in_dim3A_215 = arith.constant 0.000000e+00 : f32
    %broadcast_in_dim3A_216 = vector.broadcast %broadcast_in_dim3A_215 : f32 to vector<16xf32>
    %swap3A_217 = arith.constant 448 : index
    %swap3A_218 = tpu.vector_load %arg6[%swap3A_217] {strides = array<i32>} : memref<640xf32, #tpu.memory_space<vmem>>, vector<16xf32>,
    %swap3A_219 = vector.shape_cast %swap3A_218 : vector<16xf32> to vector<16xf32>
    %swap3A_220 = vector.shape_cast %broadcast_in_dim3A_216 : vector<16xf32> to vector<16xf32>
    tpu.vector_store %arg6[%swap3A_217], %swap3A_220 {strides = array<i32>} : memref<640xf32, #tpu.memory_space<vmem>>, vector<16xf32>,
    %broadcast_in_dim3A_221 = arith.constant 0.000000e+00 : f32
    %broadcast_in_dim3A_222 = vector.broadcast %broadcast_in_dim3A_221 : f32 to vector<16xf32>
    %swap3A_223 = arith.constant 464 : index
    %swap3A_224 = tpu.vector_load %arg6[%swap3A_223] {strides = array<i32>} : memref<640xf32, #tpu.memory_space<vmem>>, vector<16xf32>,
    %swap3A_225 = vector.shape_cast %swap3A_224 : vector<16xf32> to vector<16xf32>
    %swap3A_226 = vector.shape_cast %broadcast_in_dim3A_222 : vector<16xf32> to vector<16xf32>
    tpu.vector_store %arg6[%swap3A_223], %swap3A_226 {strides = array<i32>} : memref<640xf32, #tpu.memory_space<vmem>>, vector<16xf32>,
    %broadcast_in_dim3A_227 = arith.constant 0.000000e+00 : f32
    %broadcast_in_dim3A_228 = vector.broadcast %broadcast_in_dim3A_227 : f32 to vector<16xf32>
    %swap3A_229 = arith.constant 480 : index
    %swap3A_230 = tpu.vector_load %arg6[%swap3A_229] {strides = array<i32>} : memref<640xf32, #tpu.memory_space<vmem>>, vector<16xf32>,
    %swap3A_231 = vector.shape_cast %swap3A_230 : vector<16xf32> to vector<16xf32>
    %swap3A_232 = vector.shape_cast %broadcast_in_dim3A_228 : vector<16xf32> to vector<16xf32>
    tpu.vector_store %arg6[%swap3A_229], %swap3A_232 {strides = array<i32>} : memref<640xf32, #tpu.memory_space<vmem>>, vector<16xf32>,
    %broadcast_in_dim3A_233 = arith.constant 0.000000e+00 : f32
    %broadcast_in_dim3A_234 = vector.broadcast %broadcast_in_dim3A_233 : f32 to vector<16xf32>
    %swap3A_235 = arith.constant 496 : index
    %swap3A_236 = tpu.vector_load %arg6[%swap3A_235] {strides = array<i32>} : memref<640xf32, #tpu.memory_space<vmem>>, vector<16xf32>,
    %swap3A_237 = vector.shape_cast %swap3A_236 : vector<16xf32> to vector<16xf32>
    %swap3A_238 = vector.shape_cast %broadcast_in_dim3A_234 : vector<16xf32> to vector<16xf32>
    tpu.vector_store %arg6[%swap3A_235], %swap3A_238 {strides = array<i32>} : memref<640xf32, #tpu.memory_space<vmem>>, vector<16xf32>,
    %broadcast_in_dim3A_239 = arith.constant 0.000000e+00 : f32
    %broadcast_in_dim3A_240 = vector.broadcast %broadcast_in_dim3A_239 : f32 to vector<16xf32>
    %swap3A_241 = arith.constant 512 : index
    %swap3A_242 = tpu.vector_load %arg6[%swap3A_241] {strides = array<i32>} : memref<640xf32, #tpu.memory_space<vmem>>, vector<16xf32>,
    %swap3A_243 = vector.shape_cast %swap3A_242 : vector<16xf32> to vector<16xf32>
    %swap3A_244 = vector.shape_cast %broadcast_in_dim3A_240 : vector<16xf32> to vector<16xf32>
    tpu.vector_store %arg6[%swap3A_241], %swap3A_244 {strides = array<i32>} : memref<640xf32, #tpu.memory_space<vmem>>, vector<16xf32>,
    %broadcast_in_dim3A_245 = arith.constant 0.000000e+00 : f32
    %broadcast_in_dim3A_246 = vector.broadcast %broadcast_in_dim3A_245 : f32 to vector<16xf32>
    %swap3A_247 = arith.constant 528 : index
    %swap3A_248 = tpu.vector_load %arg6[%swap3A_247] {strides = array<i32>} : memref<640xf32, #tpu.memory_space<vmem>>, vector<16xf32>,
    %swap3A_249 = vector.shape_cast %swap3A_248 : vector<16xf32> to vector<16xf32>
    %swap3A_250 = vector.shape_cast %broadcast_in_dim3A_246 : vector<16xf32> to vector<16xf32>
    tpu.vector_store %arg6[%swap3A_247], %swap3A_250 {strides = array<i32>} : memref<640xf32, #tpu.memory_space<vmem>>, vector<16xf32>,
    %broadcast_in_dim3A_251 = arith.constant 0.000000e+00 : f32
    %broadcast_in_dim3A_252 = vector.broadcast %broadcast_in_dim3A_251 : f32 to vector<16xf32>
    %swap3A_253 = arith.constant 544 : index
    %swap3A_254 = tpu.vector_load %arg6[%swap3A_253] {strides = array<i32>} : memref<640xf32, #tpu.memory_space<vmem>>, vector<16xf32>,
    %swap3A_255 = vector.shape_cast %swap3A_254 : vector<16xf32> to vector<16xf32>
    %swap3A_256 = vector.shape_cast %broadcast_in_dim3A_252 : vector<16xf32> to vector<16xf32>
    tpu.vector_store %arg6[%swap3A_253], %swap3A_256 {strides = array<i32>} : memref<640xf32, #tpu.memory_space<vmem>>, vector<16xf32>,
    %broadcast_in_dim3A_257 = arith.constant 0.000000e+00 : f32
    %broadcast_in_dim3A_258 = vector.broadcast %broadcast_in_dim3A_257 : f32 to vector<16xf32>
    %swap3A_259 = arith.constant 560 : index
    %swap3A_260 = tpu.vector_load %arg6[%swap3A_259] {strides = array<i32>} : memref<640xf32, #tpu.memory_space<vmem>>, vector<16xf32>,
    %swap3A_261 = vector.shape_cast %swap3A_260 : vector<16xf32> to vector<16xf32>
    %swap3A_262 = vector.shape_cast %broadcast_in_dim3A_258 : vector<16xf32> to vector<16xf32>
    tpu.vector_store %arg6[%swap3A_259], %swap3A_262 {strides = array<i32>} : memref<640xf32, #tpu.memory_space<vmem>>, vector<16xf32>,
    %broadcast_in_dim3A_263 = arith.constant 0.000000e+00 : f32
    %broadcast_in_dim3A_264 = vector.broadcast %broadcast_in_dim3A_263 : f32 to vector<16xf32>
    %swap3A_265 = arith.constant 576 : index
    %swap3A_266 = tpu.vector_load %arg6[%swap3A_265] {strides = array<i32>} : memref<640xf32, #tpu.memory_space<vmem>>, vector<16xf32>,
    %swap3A_267 = vector.shape_cast %swap3A_266 : vector<16xf32> to vector<16xf32>
    %swap3A_268 = vector.shape_cast %broadcast_in_dim3A_264 : vector<16xf32> to vector<16xf32>
    tpu.vector_store %arg6[%swap3A_265], %swap3A_268 {strides = array<i32>} : memref<640xf32, #tpu.memory_space<vmem>>, vector<16xf32>,
    %broadcast_in_dim3A_269 = arith.constant 0.000000e+00 : f32
    %broadcast_in_dim3A_270 = vector.broadcast %broadcast_in_dim3A_269 : f32 to vector<16xf32>
    %swap3A_271 = arith.constant 592 : index
    %swap3A_272 = tpu.vector_load %arg6[%swap3A_271] {strides = array<i32>} : memref<640xf32, #tpu.memory_space<vmem>>, vector<16xf32>,
    %swap3A_273 = vector.shape_cast %swap3A_272 : vector<16xf32> to vector<16xf32>
    %swap3A_274 = vector.shape_cast %broadcast_in_dim3A_270 : vector<16xf32> to vector<16xf32>
    tpu.vector_store %arg6[%swap3A_271], %swap3A_274 {strides = array<i32>} : memref<640xf32, #tpu.memory_space<vmem>>, vector<16xf32>,
    %broadcast_in_dim3A_275 = arith.constant 0.000000e+00 : f32
    %broadcast_in_dim3A_276 = vector.broadcast %broadcast_in_dim3A_275 : f32 to vector<16xf32>
    %swap3A_277 = arith.constant 608 : index
    %swap3A_278 = tpu.vector_load %arg6[%swap3A_277] {strides = array<i32>} : memref<640xf32, #tpu.memory_space<vmem>>, vector<16xf32>,
    %swap3A_279 = vector.shape_cast %swap3A_278 : vector<16xf32> to vector<16xf32>
    %swap3A_280 = vector.shape_cast %broadcast_in_dim3A_276 : vector<16xf32> to vector<16xf32>
    tpu.vector_store %arg6[%swap3A_277], %swap3A_280 {strides = array<i32>} : memref<640xf32, #tpu.memory_space<vmem>>, vector<16xf32>,
    %broadcast_in_dim3A_281 = arith.constant 0.000000e+00 : f32
    %broadcast_in_dim3A_282 = vector.broadcast %broadcast_in_dim3A_281 : f32 to vector<16xf32>
    %swap3A_283 = arith.constant 624 : index
    %swap3A_284 = tpu.vector_load %arg6[%swap3A_283] {strides = array<i32>} : memref<640xf32, #tpu.memory_space<vmem>>, vector<16xf32>,
    %swap3A_285 = vector.shape_cast %swap3A_284 : vector<16xf32> to vector<16xf32>
    %swap3A_286 = vector.shape_cast %broadcast_in_dim3A_282 : vector<16xf32> to vector<16xf32>
    tpu.vector_store %arg6[%swap3A_283], %swap3A_286 {strides = array<i32>} : memref<640xf32, #tpu.memory_space<vmem>>, vector<16xf32>,
    %mul3A_287 = arith.constant 640 : i32
    %mul3A_288 = arith.muli %arg1, %mul3A_287 : i32
    "tpu.region"() ({
      %run_scoped3A = tpu.sem_alloc : memref<!tpu.dma_semaphore, #tpu.memory_space<semaphore_mem>>
      %dma_start3A = tpu.memref_slice %arg7[%mul3A_288] : memref<10240xf32, #tpu.memory_space<vmem_shared>> -> memref<640xf32, #tpu.memory_space<vmem_shared>>
      %dma_start3A_303 = tpu.memref_slice %arg7[%mul3A_288] : memref<10240xf32, #tpu.memory_space<vmem_shared>> -> memref<640xf32, #tpu.memory_space<vmem_shared>>
      tpu.enqueue_dma source(%arg6 : memref<640xf32, #tpu.memory_space<vmem>>) target(%dma_start3A_303 : memref<640xf32, #tpu.memory_space<vmem_shared>>) target_semaphore(%run_scoped3A : memref<!tpu.dma_semaphore, #tpu.memory_space<semaphore_mem>>)
      %dma_wait3A = tpu.memref_slice %arg7[%mul3A_288] : memref<10240xf32, #tpu.memory_space<vmem_shared>> -> memref<640xf32, #tpu.memory_space<vmem_shared>>
      %dma_wait3A_304 = tpu.memref_slice %arg7[%mul3A_288] : memref<10240xf32, #tpu.memory_space<vmem_shared>> -> memref<640xf32, #tpu.memory_space<vmem_shared>>
      tpu.wait_dma2 semaphore(%run_scoped3A : memref<!tpu.dma_semaphore, #tpu.memory_space<semaphore_mem>>) src(%arg6 : memref<640xf32, #tpu.memory_space<vmem>>) dst(%dma_wait3A_304 : memref<640xf32, #tpu.memory_space<vmem_shared>>)
      tpu.yield
    }) : () -> ()
    %barrier3A = arith.constant 0 : index
    tpu.barrier barrier_id(%barrier3A)
    %mul3A_289 = arith.constant 80 : i32
    %mul3A_290 = arith.muli %add3A, %mul3A_289 : i32
    "tpu.region"() ({
      %run_scoped3A = tpu.sem_alloc : memref<!tpu.dma_semaphore, #tpu.memory_space<semaphore_mem>>
      %dma_start3A = arith.constant 0 : i32
      %dma_start3A_303 = tpu.memref_slice %arg2[%mul3A_290, %dma_start3A] : memref<2560x128xi32, #tpu.memory_space<hbm>> -> memref<80x128xi32, #tpu.memory_space<hbm>>
      %dma_start3A_304 = arith.constant 0 : i32
      %dma_start3A_305 = tpu.memref_slice %arg2[%mul3A_290, %dma_start3A_304] : memref<2560x128xi32, #tpu.memory_space<hbm>> -> memref<80x128xi32, #tpu.memory_space<hbm>>
      tpu.enqueue_dma source(%dma_start3A_305 : memref<80x128xi32, #tpu.memory_space<hbm>>) target(%arg4 : memref<80x128xi32, #tpu.memory_space<vmem>>) target_semaphore(%run_scoped3A : memref<!tpu.dma_semaphore, #tpu.memory_space<semaphore_mem>>)
      %dma_wait3A = arith.constant 0 : i32
      %dma_wait3A_306 = tpu.memref_slice %arg2[%mul3A_290, %dma_wait3A] : memref<2560x128xi32, #tpu.memory_space<hbm>> -> memref<80x128xi32, #tpu.memory_space<hbm>>
      %dma_wait3A_307 = arith.constant 0 : i32
      %dma_wait3A_308 = tpu.memref_slice %arg2[%mul3A_290, %dma_wait3A_307] : memref<2560x128xi32, #tpu.memory_space<hbm>> -> memref<80x128xi32, #tpu.memory_space<hbm>>
      tpu.wait_dma2 semaphore(%run_scoped3A : memref<!tpu.dma_semaphore, #tpu.memory_space<semaphore_mem>>) src(%dma_wait3A_308 : memref<80x128xi32, #tpu.memory_space<hbm>>) dst(%arg4 : memref<80x128xi32, #tpu.memory_space<vmem>>)
      tpu.yield
    }) : () -> ()
    %scan3A = arith.constant 0 : i32
    %scan3A_291 = arith.constant 0 : i32
    %scan3A_292 = arith.constant 80 : i32
    %scan3A_293 = arith.addi %scan3A_291, %scan3A_292 : i32
    %scan3A_294 = arith.constant 1 : i32
    scf.for %scan3A_303 = %scan3A_291 to %scan3A_293 step %scan3A_294  : i32 {
      "tpu.region"() ({
        %run_scoped3A = tpu.sem_alloc : memref<!tpu.dma_semaphore, #tpu.memory_space<semaphore_mem>>
        %dma_start3A = arith.constant 0 : i32
        %dma_start3A_304 = tpu.memref_slice %arg4[%scan3A_303, %dma_start3A] : memref<80x128xi32, #tpu.memory_space<vmem>> -> memref<1x128xi32, #tpu.memory_space<vmem>>
        %dma_start3A_305 = tpu.memref_squeeze %dma_start3A_304 : memref<1x128xi32, #tpu.memory_space<vmem>> -> memref<128xi32, #tpu.memory_space<vmem>>
        %dma_start3A_306 = arith.constant 0 : i32
        %dma_start3A_307 = tpu.memref_slice %arg7[%dma_start3A_306] : memref<10240xf32, #tpu.memory_space<vmem_shared>> -> memref<10240xf32, #tpu.memory_space<vmem_shared>>
        tpu.enqueue_indirect_dma source(%arg5 : memref<128xf32, #tpu.memory_space<vmem>>) target(%dma_start3A_307 : memref<10240xf32, #tpu.memory_space<vmem_shared>>) offsets(%dma_start3A_305 : memref<128xi32, #tpu.memory_space<vmem>>) semaphore(%run_scoped3A : memref<!tpu.dma_semaphore, #tpu.memory_space<semaphore_mem>>) {add = true}
        %dma_wait3A = arith.constant 0 : i32
        %dma_wait3A_308 = tpu.memref_slice %arg4[%scan3A_303, %dma_wait3A] : memref<80x128xi32, #tpu.memory_space<vmem>> -> memref<1x128xi32, #tpu.memory_space<vmem>>
        %dma_wait3A_309 = tpu.memref_squeeze %dma_wait3A_308 : memref<1x128xi32, #tpu.memory_space<vmem>> -> memref<128xi32, #tpu.memory_space<vmem>>
        %dma_wait3A_310 = arith.constant 0 : i32
        %dma_wait3A_311 = tpu.memref_slice %arg7[%dma_wait3A_310] : memref<10240xf32, #tpu.memory_space<vmem_shared>> -> memref<10240xf32, #tpu.memory_space<vmem_shared>>
        tpu.wait_indirect_dma semaphore(%run_scoped3A : memref<!tpu.dma_semaphore, #tpu.memory_space<semaphore_mem>>) src(%arg5 : memref<128xf32, #tpu.memory_space<vmem>>) dst(%dma_wait3A_311 : memref<10240xf32, #tpu.memory_space<vmem_shared>>)
        tpu.yield
      }) : () -> ()
    }
    %scan3A_295 = arith.constant 80 : i32
    %mul3A_296 = arith.constant 640 : i32
    %mul3A_297 = arith.muli %arg1, %mul3A_296 : i32
    "tpu.region"() ({
      %run_scoped3A = tpu.sem_alloc : memref<!tpu.dma_semaphore, #tpu.memory_space<semaphore_mem>>
      %dma_start3A = tpu.memref_slice %arg7[%mul3A_297] : memref<10240xf32, #tpu.memory_space<vmem_shared>> -> memref<128xf32, #tpu.memory_space<vmem_shared>>
      %dma_start3A_303 = tpu.memref_slice %arg7[%mul3A_297] : memref<10240xf32, #tpu.memory_space<vmem_shared>> -> memref<128xf32, #tpu.memory_space<vmem_shared>>
      tpu.enqueue_dma source(%dma_start3A_303 : memref<128xf32, #tpu.memory_space<vmem_shared>>) target(%arg5 : memref<128xf32, #tpu.memory_space<vmem>>) target_semaphore(%run_scoped3A : memref<!tpu.dma_semaphore, #tpu.memory_space<semaphore_mem>>)
      %dma_wait3A = tpu.memref_slice %arg7[%mul3A_297] : memref<10240xf32, #tpu.memory_space<vmem_shared>> -> memref<128xf32, #tpu.memory_space<vmem_shared>>
      %dma_wait3A_304 = tpu.memref_slice %arg7[%mul3A_297] : memref<10240xf32, #tpu.memory_space<vmem_shared>> -> memref<128xf32, #tpu.memory_space<vmem_shared>>
      tpu.wait_dma2 semaphore(%run_scoped3A : memref<!tpu.dma_semaphore, #tpu.memory_space<semaphore_mem>>) src(%dma_wait3A_304 : memref<128xf32, #tpu.memory_space<vmem_shared>>) dst(%arg5 : memref<128xf32, #tpu.memory_space<vmem>>)
      tpu.yield
    }) : () -> ()
    %barrier3A_298 = arith.constant 0 : index
    tpu.barrier barrier_id(%barrier3A_298)
    %mul3A_299 = arith.constant 640 : i32
    %mul3A_300 = arith.muli %arg1, %mul3A_299 : i32
    %mul3A_301 = arith.constant 640 : i32
    %mul3A_302 = arith.muli %arg1, %mul3A_301 : i32
    "tpu.region"() ({
      %run_scoped3A = tpu.sem_alloc : memref<!tpu.dma_semaphore, #tpu.memory_space<semaphore_mem>>
      %dma_start3A = tpu.memref_slice %arg3[%arg0, %mul3A_302] : memref<2x10240xf32, #tpu.memory_space<hbm>> -> memref<1x640xf32, #tpu.memory_space<hbm>>
      %dma_start3A_303 = tpu.memref_squeeze %dma_start3A : memref<1x640xf32, #tpu.memory_space<hbm>> -> memref<640xf32, #tpu.memory_space<hbm>>
      %dma_start3A_304 = tpu.memref_slice %arg7[%mul3A_300] : memref<10240xf32, #tpu.memory_space<vmem_shared>> -> memref<640xf32, #tpu.memory_space<vmem_shared>>
      tpu.enqueue_dma source(%dma_start3A_304 : memref<640xf32, #tpu.memory_space<vmem_shared>>) target(%dma_start3A_303 : memref<640xf32, #tpu.memory_space<hbm>>) target_semaphore(%run_scoped3A : memref<!tpu.dma_semaphore, #tpu.memory_space<semaphore_mem>>)
      %dma_wait3A = tpu.memref_slice %arg3[%arg0, %mul3A_302] : memref<2x10240xf32, #tpu.memory_space<hbm>> -> memref<1x640xf32, #tpu.memory_space<hbm>>
      %dma_wait3A_305 = tpu.memref_squeeze %dma_wait3A : memref<1x640xf32, #tpu.memory_space<hbm>> -> memref<640xf32, #tpu.memory_space<hbm>>
      %dma_wait3A_306 = tpu.memref_slice %arg7[%mul3A_300] : memref<10240xf32, #tpu.memory_space<vmem_shared>> -> memref<640xf32, #tpu.memory_space<vmem_shared>>
      tpu.wait_dma2 semaphore(%run_scoped3A : memref<!tpu.dma_semaphore, #tpu.memory_space<semaphore_mem>>) src(%dma_wait3A_306 : memref<640xf32, #tpu.memory_space<vmem_shared>>) dst(%dma_wait3A_305 : memref<640xf32, #tpu.memory_space<hbm>>)
      tpu.yield
    }) : () -> ()
    return
  }
}

#map = affine_map<(d0, d1) -> (0, 0)>
#map1 = affine_map<(d0, d1) -> (0, 0, 0)>
module attributes {stable_mosaic.version = 14 : i64} {
  func.func @_agg_body(%arg0: i32, %arg1: i32, %arg2: memref<10240x128xf32, #tpu.memory_space<hbm>>, %arg3: memref<32x82x128xi32, #tpu.memory_space<hbm>>, %arg4: memref<32x82x128xi32, #tpu.memory_space<hbm>>, %arg5: memref<10240x128xf32, #tpu.memory_space<hbm>>, %arg6: memref<10240x128xf32, #tpu.memory_space<hbm>>, %arg7: memref<2x2x128xi32, #tpu.memory_space<vmem>>, %arg8: memref<2x2x128xi32, #tpu.memory_space<vmem>>, %arg9: memref<128x128xf32, #tpu.memory_space<vmem>>, %arg10: memref<128x128xf32, #tpu.memory_space<vmem>>, %arg11: memref<10240x128xf32, #tpu.memory_space<vmem_shared>>, %arg12: memref<!tpu.dma_semaphore, #tpu.memory_space<semaphore_mem>>, %arg13: memref<!tpu.dma_semaphore, #tpu.memory_space<semaphore_mem>>, %arg14: memref<!tpu.dma_semaphore, #tpu.memory_space<semaphore_mem>>) attributes {dimension_semantics = [#tpu.dimension_semantics<core_parallel>, #tpu.dimension_semantics<subcore_parallel>], iteration_bounds = array<i64: 2, 16>, scalar_prefetch = 0 : i64, scratch_operands = 8 : i64, tpu.core_type = #tpu.core_type<sc_vector_subcore>, window_params = [{transform_indices = #map}, {transform_indices = #map1}, {transform_indices = #map1}, {transform_indices = #map}, {transform_indices = #map}]} {
    %mul3A = arith.constant 16 : i32
    %mul3A_0 = arith.muli %arg0, %mul3A : i32
    %add3A = arith.addi %mul3A_0, %arg1 : i32
    %scan3A = arith.constant 0 : i32
    %scan3A_1 = arith.constant 0 : i32
    %scan3A_2 = arith.constant 128 : i32
    %scan3A_3 = arith.addi %scan3A_1, %scan3A_2 : i32
    %scan3A_4 = arith.constant 1 : i32
    scf.for %scan3A_54 = %scan3A_1 to %scan3A_3 step %scan3A_4  : i32 {
      %broadcast_in_dim3A = arith.constant 0.000000e+00 : f32
      %broadcast_in_dim3A_55 = vector.broadcast %broadcast_in_dim3A : f32 to vector<16xf32>
      %swap3A = arith.index_cast %scan3A_54 : i32 to index
      %swap3A_56 = arith.constant 0 : index
      %swap3A_57 = tpu.vector_load %arg9[%swap3A, %swap3A_56] {strides = array<i32>} : memref<128x128xf32, #tpu.memory_space<vmem>>, vector<1x16xf32>,
      %swap3A_58 = vector.shape_cast %swap3A_57 : vector<1x16xf32> to vector<16xf32>
      %swap3A_59 = vector.shape_cast %broadcast_in_dim3A_55 : vector<16xf32> to vector<1x16xf32>
      tpu.vector_store %arg9[%swap3A, %swap3A_56], %swap3A_59 {strides = array<i32>} : memref<128x128xf32, #tpu.memory_space<vmem>>, vector<1x16xf32>,
      %broadcast_in_dim3A_60 = arith.constant 0.000000e+00 : f32
      %broadcast_in_dim3A_61 = vector.broadcast %broadcast_in_dim3A_60 : f32 to vector<16xf32>
      %swap3A_62 = arith.index_cast %scan3A_54 : i32 to index
      %swap3A_63 = arith.constant 16 : index
      %swap3A_64 = tpu.vector_load %arg9[%swap3A_62, %swap3A_63] {strides = array<i32>} : memref<128x128xf32, #tpu.memory_space<vmem>>, vector<1x16xf32>,
      %swap3A_65 = vector.shape_cast %swap3A_64 : vector<1x16xf32> to vector<16xf32>
      %swap3A_66 = vector.shape_cast %broadcast_in_dim3A_61 : vector<16xf32> to vector<1x16xf32>
      tpu.vector_store %arg9[%swap3A_62, %swap3A_63], %swap3A_66 {strides = array<i32>} : memref<128x128xf32, #tpu.memory_space<vmem>>, vector<1x16xf32>,
      %broadcast_in_dim3A_67 = arith.constant 0.000000e+00 : f32
      %broadcast_in_dim3A_68 = vector.broadcast %broadcast_in_dim3A_67 : f32 to vector<16xf32>
      %swap3A_69 = arith.index_cast %scan3A_54 : i32 to index
      %swap3A_70 = arith.constant 32 : index
      %swap3A_71 = tpu.vector_load %arg9[%swap3A_69, %swap3A_70] {strides = array<i32>} : memref<128x128xf32, #tpu.memory_space<vmem>>, vector<1x16xf32>,
      %swap3A_72 = vector.shape_cast %swap3A_71 : vector<1x16xf32> to vector<16xf32>
      %swap3A_73 = vector.shape_cast %broadcast_in_dim3A_68 : vector<16xf32> to vector<1x16xf32>
      tpu.vector_store %arg9[%swap3A_69, %swap3A_70], %swap3A_73 {strides = array<i32>} : memref<128x128xf32, #tpu.memory_space<vmem>>, vector<1x16xf32>,
      %broadcast_in_dim3A_74 = arith.constant 0.000000e+00 : f32
      %broadcast_in_dim3A_75 = vector.broadcast %broadcast_in_dim3A_74 : f32 to vector<16xf32>
      %swap3A_76 = arith.index_cast %scan3A_54 : i32 to index
      %swap3A_77 = arith.constant 48 : index
      %swap3A_78 = tpu.vector_load %arg9[%swap3A_76, %swap3A_77] {strides = array<i32>} : memref<128x128xf32, #tpu.memory_space<vmem>>, vector<1x16xf32>,
      %swap3A_79 = vector.shape_cast %swap3A_78 : vector<1x16xf32> to vector<16xf32>
      %swap3A_80 = vector.shape_cast %broadcast_in_dim3A_75 : vector<16xf32> to vector<1x16xf32>
      tpu.vector_store %arg9[%swap3A_76, %swap3A_77], %swap3A_80 {strides = array<i32>} : memref<128x128xf32, #tpu.memory_space<vmem>>, vector<1x16xf32>,
      %broadcast_in_dim3A_81 = arith.constant 0.000000e+00 : f32
      %broadcast_in_dim3A_82 = vector.broadcast %broadcast_in_dim3A_81 : f32 to vector<16xf32>
      %swap3A_83 = arith.index_cast %scan3A_54 : i32 to index
      %swap3A_84 = arith.constant 64 : index
      %swap3A_85 = tpu.vector_load %arg9[%swap3A_83, %swap3A_84] {strides = array<i32>} : memref<128x128xf32, #tpu.memory_space<vmem>>, vector<1x16xf32>,
      %swap3A_86 = vector.shape_cast %swap3A_85 : vector<1x16xf32> to vector<16xf32>
      %swap3A_87 = vector.shape_cast %broadcast_in_dim3A_82 : vector<16xf32> to vector<1x16xf32>
      tpu.vector_store %arg9[%swap3A_83, %swap3A_84], %swap3A_87 {strides = array<i32>} : memref<128x128xf32, #tpu.memory_space<vmem>>, vector<1x16xf32>,
      %broadcast_in_dim3A_88 = arith.constant 0.000000e+00 : f32
      %broadcast_in_dim3A_89 = vector.broadcast %broadcast_in_dim3A_88 : f32 to vector<16xf32>
      %swap3A_90 = arith.index_cast %scan3A_54 : i32 to index
      %swap3A_91 = arith.constant 80 : index
      %swap3A_92 = tpu.vector_load %arg9[%swap3A_90, %swap3A_91] {strides = array<i32>} : memref<128x128xf32, #tpu.memory_space<vmem>>, vector<1x16xf32>,
      %swap3A_93 = vector.shape_cast %swap3A_92 : vector<1x16xf32> to vector<16xf32>
      %swap3A_94 = vector.shape_cast %broadcast_in_dim3A_89 : vector<16xf32> to vector<1x16xf32>
      tpu.vector_store %arg9[%swap3A_90, %swap3A_91], %swap3A_94 {strides = array<i32>} : memref<128x128xf32, #tpu.memory_space<vmem>>, vector<1x16xf32>,
      %broadcast_in_dim3A_95 = arith.constant 0.000000e+00 : f32
      %broadcast_in_dim3A_96 = vector.broadcast %broadcast_in_dim3A_95 : f32 to vector<16xf32>
      %swap3A_97 = arith.index_cast %scan3A_54 : i32 to index
      %swap3A_98 = arith.constant 96 : index
      %swap3A_99 = tpu.vector_load %arg9[%swap3A_97, %swap3A_98] {strides = array<i32>} : memref<128x128xf32, #tpu.memory_space<vmem>>, vector<1x16xf32>,
      %swap3A_100 = vector.shape_cast %swap3A_99 : vector<1x16xf32> to vector<16xf32>
      %swap3A_101 = vector.shape_cast %broadcast_in_dim3A_96 : vector<16xf32> to vector<1x16xf32>
      tpu.vector_store %arg9[%swap3A_97, %swap3A_98], %swap3A_101 {strides = array<i32>} : memref<128x128xf32, #tpu.memory_space<vmem>>, vector<1x16xf32>,
      %broadcast_in_dim3A_102 = arith.constant 0.000000e+00 : f32
      %broadcast_in_dim3A_103 = vector.broadcast %broadcast_in_dim3A_102 : f32 to vector<16xf32>
      %swap3A_104 = arith.index_cast %scan3A_54 : i32 to index
      %swap3A_105 = arith.constant 112 : index
      %swap3A_106 = tpu.vector_load %arg9[%swap3A_104, %swap3A_105] {strides = array<i32>} : memref<128x128xf32, #tpu.memory_space<vmem>>, vector<1x16xf32>,
      %swap3A_107 = vector.shape_cast %swap3A_106 : vector<1x16xf32> to vector<16xf32>
      %swap3A_108 = vector.shape_cast %broadcast_in_dim3A_103 : vector<16xf32> to vector<1x16xf32>
      tpu.vector_store %arg9[%swap3A_104, %swap3A_105], %swap3A_108 {strides = array<i32>} : memref<128x128xf32, #tpu.memory_space<vmem>>, vector<1x16xf32>,
    }
    %scan3A_5 = arith.constant 128 : i32
    %mul3A_6 = arith.constant 640 : i32
    %mul3A_7 = arith.muli %arg1, %mul3A_6 : i32
    %add3A_8 = arith.constant 0 : i32
    %add3A_9 = arith.addi %mul3A_7, %add3A_8 : i32
    "tpu.region"() ({
      %run_scoped3A_54 = tpu.sem_alloc : memref<!tpu.dma_semaphore, #tpu.memory_space<semaphore_mem>>
      %dma_start3A_55 = arith.constant 0 : i32
      %dma_start3A_56 = tpu.memref_slice %arg11[%add3A_9, %dma_start3A_55] : memref<10240x128xf32, #tpu.memory_space<vmem_shared>> -> memref<128x128xf32, #tpu.memory_space<vmem_shared>>
      %dma_start3A_57 = arith.constant 0 : i32
      %dma_start3A_58 = tpu.memref_slice %arg11[%add3A_9, %dma_start3A_57] : memref<10240x128xf32, #tpu.memory_space<vmem_shared>> -> memref<128x128xf32, #tpu.memory_space<vmem_shared>>
      tpu.enqueue_dma source(%arg9 : memref<128x128xf32, #tpu.memory_space<vmem>>) target(%dma_start3A_58 : memref<128x128xf32, #tpu.memory_space<vmem_shared>>) target_semaphore(%run_scoped3A_54 : memref<!tpu.dma_semaphore, #tpu.memory_space<semaphore_mem>>)
      %dma_wait3A = arith.constant 0 : i32
      %dma_wait3A_59 = tpu.memref_slice %arg11[%add3A_9, %dma_wait3A] : memref<10240x128xf32, #tpu.memory_space<vmem_shared>> -> memref<128x128xf32, #tpu.memory_space<vmem_shared>>
      %dma_wait3A_60 = arith.constant 0 : i32
      %dma_wait3A_61 = tpu.memref_slice %arg11[%add3A_9, %dma_wait3A_60] : memref<10240x128xf32, #tpu.memory_space<vmem_shared>> -> memref<128x128xf32, #tpu.memory_space<vmem_shared>>
      tpu.wait_dma2 semaphore(%run_scoped3A_54 : memref<!tpu.dma_semaphore, #tpu.memory_space<semaphore_mem>>) src(%arg9 : memref<128x128xf32, #tpu.memory_space<vmem>>) dst(%dma_wait3A_61 : memref<128x128xf32, #tpu.memory_space<vmem_shared>>)
      tpu.yield
    }) : () -> ()
    %mul3A_10 = arith.constant 640 : i32
    %mul3A_11 = arith.muli %arg1, %mul3A_10 : i32
    %add3A_12 = arith.constant 128 : i32
    %add3A_13 = arith.addi %mul3A_11, %add3A_12 : i32
    "tpu.region"() ({
      %run_scoped3A_54 = tpu.sem_alloc : memref<!tpu.dma_semaphore, #tpu.memory_space<semaphore_mem>>
      %dma_start3A_55 = arith.constant 0 : i32
      %dma_start3A_56 = tpu.memref_slice %arg11[%add3A_13, %dma_start3A_55] : memref<10240x128xf32, #tpu.memory_space<vmem_shared>> -> memref<128x128xf32, #tpu.memory_space<vmem_shared>>
      %dma_start3A_57 = arith.constant 0 : i32
      %dma_start3A_58 = tpu.memref_slice %arg11[%add3A_13, %dma_start3A_57] : memref<10240x128xf32, #tpu.memory_space<vmem_shared>> -> memref<128x128xf32, #tpu.memory_space<vmem_shared>>
      tpu.enqueue_dma source(%arg9 : memref<128x128xf32, #tpu.memory_space<vmem>>) target(%dma_start3A_58 : memref<128x128xf32, #tpu.memory_space<vmem_shared>>) target_semaphore(%run_scoped3A_54 : memref<!tpu.dma_semaphore, #tpu.memory_space<semaphore_mem>>)
      %dma_wait3A = arith.constant 0 : i32
      %dma_wait3A_59 = tpu.memref_slice %arg11[%add3A_13, %dma_wait3A] : memref<10240x128xf32, #tpu.memory_space<vmem_shared>> -> memref<128x128xf32, #tpu.memory_space<vmem_shared>>
      %dma_wait3A_60 = arith.constant 0 : i32
      %dma_wait3A_61 = tpu.memref_slice %arg11[%add3A_13, %dma_wait3A_60] : memref<10240x128xf32, #tpu.memory_space<vmem_shared>> -> memref<128x128xf32, #tpu.memory_space<vmem_shared>>
      tpu.wait_dma2 semaphore(%run_scoped3A_54 : memref<!tpu.dma_semaphore, #tpu.memory_space<semaphore_mem>>) src(%arg9 : memref<128x128xf32, #tpu.memory_space<vmem>>) dst(%dma_wait3A_61 : memref<128x128xf32, #tpu.memory_space<vmem_shared>>)
      tpu.yield
    }) : () -> ()
    %mul3A_14 = arith.constant 640 : i32
    %mul3A_15 = arith.muli %arg1, %mul3A_14 : i32
    %add3A_16 = arith.constant 256 : i32
    %add3A_17 = arith.addi %mul3A_15, %add3A_16 : i32
    "tpu.region"() ({
      %run_scoped3A_54 = tpu.sem_alloc : memref<!tpu.dma_semaphore, #tpu.memory_space<semaphore_mem>>
      %dma_start3A_55 = arith.constant 0 : i32
      %dma_start3A_56 = tpu.memref_slice %arg11[%add3A_17, %dma_start3A_55] : memref<10240x128xf32, #tpu.memory_space<vmem_shared>> -> memref<128x128xf32, #tpu.memory_space<vmem_shared>>
      %dma_start3A_57 = arith.constant 0 : i32
      %dma_start3A_58 = tpu.memref_slice %arg11[%add3A_17, %dma_start3A_57] : memref<10240x128xf32, #tpu.memory_space<vmem_shared>> -> memref<128x128xf32, #tpu.memory_space<vmem_shared>>
      tpu.enqueue_dma source(%arg9 : memref<128x128xf32, #tpu.memory_space<vmem>>) target(%dma_start3A_58 : memref<128x128xf32, #tpu.memory_space<vmem_shared>>) target_semaphore(%run_scoped3A_54 : memref<!tpu.dma_semaphore, #tpu.memory_space<semaphore_mem>>)
      %dma_wait3A = arith.constant 0 : i32
      %dma_wait3A_59 = tpu.memref_slice %arg11[%add3A_17, %dma_wait3A] : memref<10240x128xf32, #tpu.memory_space<vmem_shared>> -> memref<128x128xf32, #tpu.memory_space<vmem_shared>>
      %dma_wait3A_60 = arith.constant 0 : i32
      %dma_wait3A_61 = tpu.memref_slice %arg11[%add3A_17, %dma_wait3A_60] : memref<10240x128xf32, #tpu.memory_space<vmem_shared>> -> memref<128x128xf32, #tpu.memory_space<vmem_shared>>
      tpu.wait_dma2 semaphore(%run_scoped3A_54 : memref<!tpu.dma_semaphore, #tpu.memory_space<semaphore_mem>>) src(%arg9 : memref<128x128xf32, #tpu.memory_space<vmem>>) dst(%dma_wait3A_61 : memref<128x128xf32, #tpu.memory_space<vmem_shared>>)
      tpu.yield
    }) : () -> ()
    %mul3A_18 = arith.constant 640 : i32
    %mul3A_19 = arith.muli %arg1, %mul3A_18 : i32
    %add3A_20 = arith.constant 384 : i32
    %add3A_21 = arith.addi %mul3A_19, %add3A_20 : i32
    "tpu.region"() ({
      %run_scoped3A_54 = tpu.sem_alloc : memref<!tpu.dma_semaphore, #tpu.memory_space<semaphore_mem>>
      %dma_start3A_55 = arith.constant 0 : i32
      %dma_start3A_56 = tpu.memref_slice %arg11[%add3A_21, %dma_start3A_55] : memref<10240x128xf32, #tpu.memory_space<vmem_shared>> -> memref<128x128xf32, #tpu.memory_space<vmem_shared>>
      %dma_start3A_57 = arith.constant 0 : i32
      %dma_start3A_58 = tpu.memref_slice %arg11[%add3A_21, %dma_start3A_57] : memref<10240x128xf32, #tpu.memory_space<vmem_shared>> -> memref<128x128xf32, #tpu.memory_space<vmem_shared>>
      tpu.enqueue_dma source(%arg9 : memref<128x128xf32, #tpu.memory_space<vmem>>) target(%dma_start3A_58 : memref<128x128xf32, #tpu.memory_space<vmem_shared>>) target_semaphore(%run_scoped3A_54 : memref<!tpu.dma_semaphore, #tpu.memory_space<semaphore_mem>>)
      %dma_wait3A = arith.constant 0 : i32
      %dma_wait3A_59 = tpu.memref_slice %arg11[%add3A_21, %dma_wait3A] : memref<10240x128xf32, #tpu.memory_space<vmem_shared>> -> memref<128x128xf32, #tpu.memory_space<vmem_shared>>
      %dma_wait3A_60 = arith.constant 0 : i32
      %dma_wait3A_61 = tpu.memref_slice %arg11[%add3A_21, %dma_wait3A_60] : memref<10240x128xf32, #tpu.memory_space<vmem_shared>> -> memref<128x128xf32, #tpu.memory_space<vmem_shared>>
      tpu.wait_dma2 semaphore(%run_scoped3A_54 : memref<!tpu.dma_semaphore, #tpu.memory_space<semaphore_mem>>) src(%arg9 : memref<128x128xf32, #tpu.memory_space<vmem>>) dst(%dma_wait3A_61 : memref<128x128xf32, #tpu.memory_space<vmem_shared>>)
      tpu.yield
    }) : () -> ()
    %mul3A_22 = arith.constant 640 : i32
    %mul3A_23 = arith.muli %arg1, %mul3A_22 : i32
    %add3A_24 = arith.constant 512 : i32
    %add3A_25 = arith.addi %mul3A_23, %add3A_24 : i32
    "tpu.region"() ({
      %run_scoped3A_54 = tpu.sem_alloc : memref<!tpu.dma_semaphore, #tpu.memory_space<semaphore_mem>>
      %dma_start3A_55 = arith.constant 0 : i32
      %dma_start3A_56 = tpu.memref_slice %arg11[%add3A_25, %dma_start3A_55] : memref<10240x128xf32, #tpu.memory_space<vmem_shared>> -> memref<128x128xf32, #tpu.memory_space<vmem_shared>>
      %dma_start3A_57 = arith.constant 0 : i32
      %dma_start3A_58 = tpu.memref_slice %arg11[%add3A_25, %dma_start3A_57] : memref<10240x128xf32, #tpu.memory_space<vmem_shared>> -> memref<128x128xf32, #tpu.memory_space<vmem_shared>>
      tpu.enqueue_dma source(%arg9 : memref<128x128xf32, #tpu.memory_space<vmem>>) target(%dma_start3A_58 : memref<128x128xf32, #tpu.memory_space<vmem_shared>>) target_semaphore(%run_scoped3A_54 : memref<!tpu.dma_semaphore, #tpu.memory_space<semaphore_mem>>)
      %dma_wait3A = arith.constant 0 : i32
      %dma_wait3A_59 = tpu.memref_slice %arg11[%add3A_25, %dma_wait3A] : memref<10240x128xf32, #tpu.memory_space<vmem_shared>> -> memref<128x128xf32, #tpu.memory_space<vmem_shared>>
      %dma_wait3A_60 = arith.constant 0 : i32
      %dma_wait3A_61 = tpu.memref_slice %arg11[%add3A_25, %dma_wait3A_60] : memref<10240x128xf32, #tpu.memory_space<vmem_shared>> -> memref<128x128xf32, #tpu.memory_space<vmem_shared>>
      tpu.wait_dma2 semaphore(%run_scoped3A_54 : memref<!tpu.dma_semaphore, #tpu.memory_space<semaphore_mem>>) src(%arg9 : memref<128x128xf32, #tpu.memory_space<vmem>>) dst(%dma_wait3A_61 : memref<128x128xf32, #tpu.memory_space<vmem_shared>>)
      tpu.yield
    }) : () -> ()
    %barrier3A = arith.constant 0 : index
    tpu.barrier barrier_id(%barrier3A)
    %run_scoped3A = arith.constant 0 : i32
    "tpu.region"() ({
      %run_scoped3A_54 = tpu.sem_alloc : memref<!tpu.dma_semaphore, #tpu.memory_space<semaphore_mem>>
      %dma_start3A_55 = arith.constant 0 : i32
      %dma_start3A_56 = arith.constant 0 : i32
      %dma_start3A_57 = tpu.memref_slice %arg7[%run_scoped3A, %dma_start3A_55, %dma_start3A_56] : memref<2x2x128xi32, #tpu.memory_space<vmem>> -> memref<1x2x128xi32, #tpu.memory_space<vmem>>
      %dma_start3A_58 = tpu.memref_squeeze %dma_start3A_57 : memref<1x2x128xi32, #tpu.memory_space<vmem>> -> memref<2x128xi32, #tpu.memory_space<vmem>>
      %dma_start3A_59 = arith.constant 0 : i32
      %dma_start3A_60 = arith.constant 0 : i32
      %dma_start3A_61 = tpu.memref_slice %arg3[%add3A, %dma_start3A_59, %dma_start3A_60] : memref<32x82x128xi32, #tpu.memory_space<hbm>> -> memref<1x2x128xi32, #tpu.memory_space<hbm>>
      %dma_start3A_62 = tpu.memref_squeeze %dma_start3A_61 : memref<1x2x128xi32, #tpu.memory_space<hbm>> -> memref<2x128xi32, #tpu.memory_space<hbm>>
      %dma_start3A_63 = arith.constant 0 : i32
      %dma_start3A_64 = arith.constant 0 : i32
      %dma_start3A_65 = tpu.memref_slice %arg7[%run_scoped3A, %dma_start3A_63, %dma_start3A_64] : memref<2x2x128xi32, #tpu.memory_space<vmem>> -> memref<1x2x128xi32, #tpu.memory_space<vmem>>
      %dma_start3A_66 = tpu.memref_squeeze %dma_start3A_65 : memref<1x2x128xi32, #tpu.memory_space<vmem>> -> memref<2x128xi32, #tpu.memory_space<vmem>>
      %dma_start3A_67 = arith.constant 0 : i32
      %dma_start3A_68 = arith.constant 0 : i32
      %dma_start3A_69 = tpu.memref_slice %arg3[%add3A, %dma_start3A_67, %dma_start3A_68] : memref<32x82x128xi32, #tpu.memory_space<hbm>> -> memref<1x2x128xi32, #tpu.memory_space<hbm>>
      %dma_start3A_70 = tpu.memref_squeeze %dma_start3A_69 : memref<1x2x128xi32, #tpu.memory_space<hbm>> -> memref<2x128xi32, #tpu.memory_space<hbm>>
      tpu.enqueue_dma source(%dma_start3A_70 : memref<2x128xi32, #tpu.memory_space<hbm>>) target(%dma_start3A_66 : memref<2x128xi32, #tpu.memory_space<vmem>>) target_semaphore(%run_scoped3A_54 : memref<!tpu.dma_semaphore, #tpu.memory_space<semaphore_mem>>)
      %dma_wait3A = arith.constant 0 : i32
      %dma_wait3A_71 = arith.constant 0 : i32
      %dma_wait3A_72 = tpu.memref_slice %arg7[%run_scoped3A, %dma_wait3A, %dma_wait3A_71] : memref<2x2x128xi32, #tpu.memory_space<vmem>> -> memref<1x2x128xi32, #tpu.memory_space<vmem>>
      %dma_wait3A_73 = tpu.memref_squeeze %dma_wait3A_72 : memref<1x2x128xi32, #tpu.memory_space<vmem>> -> memref<2x128xi32, #tpu.memory_space<vmem>>
      %dma_wait3A_74 = arith.constant 0 : i32
      %dma_wait3A_75 = arith.constant 0 : i32
      %dma_wait3A_76 = tpu.memref_slice %arg3[%add3A, %dma_wait3A_74, %dma_wait3A_75] : memref<32x82x128xi32, #tpu.memory_space<hbm>> -> memref<1x2x128xi32, #tpu.memory_space<hbm>>
      %dma_wait3A_77 = tpu.memref_squeeze %dma_wait3A_76 : memref<1x2x128xi32, #tpu.memory_space<hbm>> -> memref<2x128xi32, #tpu.memory_space<hbm>>
      %dma_wait3A_78 = arith.constant 0 : i32
      %dma_wait3A_79 = arith.constant 0 : i32
      %dma_wait3A_80 = tpu.memref_slice %arg7[%run_scoped3A, %dma_wait3A_78, %dma_wait3A_79] : memref<2x2x128xi32, #tpu.memory_space<vmem>> -> memref<1x2x128xi32, #tpu.memory_space<vmem>>
      %dma_wait3A_81 = tpu.memref_squeeze %dma_wait3A_80 : memref<1x2x128xi32, #tpu.memory_space<vmem>> -> memref<2x128xi32, #tpu.memory_space<vmem>>
      %dma_wait3A_82 = arith.constant 0 : i32
      %dma_wait3A_83 = arith.constant 0 : i32
      %dma_wait3A_84 = tpu.memref_slice %arg3[%add3A, %dma_wait3A_82, %dma_wait3A_83] : memref<32x82x128xi32, #tpu.memory_space<hbm>> -> memref<1x2x128xi32, #tpu.memory_space<hbm>>
      %dma_wait3A_85 = tpu.memref_squeeze %dma_wait3A_84 : memref<1x2x128xi32, #tpu.memory_space<hbm>> -> memref<2x128xi32, #tpu.memory_space<hbm>>
      tpu.wait_dma2 semaphore(%run_scoped3A_54 : memref<!tpu.dma_semaphore, #tpu.memory_space<semaphore_mem>>) src(%dma_wait3A_85 : memref<2x128xi32, #tpu.memory_space<hbm>>) dst(%dma_wait3A_81 : memref<2x128xi32, #tpu.memory_space<vmem>>)
      tpu.yield
    }) : () -> ()
    %run_scoped3A_26 = arith.constant 0 : i32
    "tpu.region"() ({
      %run_scoped3A_54 = tpu.sem_alloc : memref<!tpu.dma_semaphore, #tpu.memory_space<semaphore_mem>>
      %dma_start3A_55 = arith.constant 0 : i32
      %dma_start3A_56 = arith.constant 0 : i32
      %dma_start3A_57 = tpu.memref_slice %arg8[%run_scoped3A_26, %dma_start3A_55, %dma_start3A_56] : memref<2x2x128xi32, #tpu.memory_space<vmem>> -> memref<1x2x128xi32, #tpu.memory_space<vmem>>
      %dma_start3A_58 = tpu.memref_squeeze %dma_start3A_57 : memref<1x2x128xi32, #tpu.memory_space<vmem>> -> memref<2x128xi32, #tpu.memory_space<vmem>>
      %dma_start3A_59 = arith.constant 0 : i32
      %dma_start3A_60 = arith.constant 0 : i32
      %dma_start3A_61 = tpu.memref_slice %arg4[%add3A, %dma_start3A_59, %dma_start3A_60] : memref<32x82x128xi32, #tpu.memory_space<hbm>> -> memref<1x2x128xi32, #tpu.memory_space<hbm>>
      %dma_start3A_62 = tpu.memref_squeeze %dma_start3A_61 : memref<1x2x128xi32, #tpu.memory_space<hbm>> -> memref<2x128xi32, #tpu.memory_space<hbm>>
      %dma_start3A_63 = arith.constant 0 : i32
      %dma_start3A_64 = arith.constant 0 : i32
      %dma_start3A_65 = tpu.memref_slice %arg8[%run_scoped3A_26, %dma_start3A_63, %dma_start3A_64] : memref<2x2x128xi32, #tpu.memory_space<vmem>> -> memref<1x2x128xi32, #tpu.memory_space<vmem>>
      %dma_start3A_66 = tpu.memref_squeeze %dma_start3A_65 : memref<1x2x128xi32, #tpu.memory_space<vmem>> -> memref<2x128xi32, #tpu.memory_space<vmem>>
      %dma_start3A_67 = arith.constant 0 : i32
      %dma_start3A_68 = arith.constant 0 : i32
      %dma_start3A_69 = tpu.memref_slice %arg4[%add3A, %dma_start3A_67, %dma_start3A_68] : memref<32x82x128xi32, #tpu.memory_space<hbm>> -> memref<1x2x128xi32, #tpu.memory_space<hbm>>
      %dma_start3A_70 = tpu.memref_squeeze %dma_start3A_69 : memref<1x2x128xi32, #tpu.memory_space<hbm>> -> memref<2x128xi32, #tpu.memory_space<hbm>>
      tpu.enqueue_dma source(%dma_start3A_70 : memref<2x128xi32, #tpu.memory_space<hbm>>) target(%dma_start3A_66 : memref<2x128xi32, #tpu.memory_space<vmem>>) target_semaphore(%run_scoped3A_54 : memref<!tpu.dma_semaphore, #tpu.memory_space<semaphore_mem>>)
      %dma_wait3A = arith.constant 0 : i32
      %dma_wait3A_71 = arith.constant 0 : i32
      %dma_wait3A_72 = tpu.memref_slice %arg8[%run_scoped3A_26, %dma_wait3A, %dma_wait3A_71] : memref<2x2x128xi32, #tpu.memory_space<vmem>> -> memref<1x2x128xi32, #tpu.memory_space<vmem>>
      %dma_wait3A_73 = tpu.memref_squeeze %dma_wait3A_72 : memref<1x2x128xi32, #tpu.memory_space<vmem>> -> memref<2x128xi32, #tpu.memory_space<vmem>>
      %dma_wait3A_74 = arith.constant 0 : i32
      %dma_wait3A_75 = arith.constant 0 : i32
      %dma_wait3A_76 = tpu.memref_slice %arg4[%add3A, %dma_wait3A_74, %dma_wait3A_75] : memref<32x82x128xi32, #tpu.memory_space<hbm>> -> memref<1x2x128xi32, #tpu.memory_space<hbm>>
      %dma_wait3A_77 = tpu.memref_squeeze %dma_wait3A_76 : memref<1x2x128xi32, #tpu.memory_space<hbm>> -> memref<2x128xi32, #tpu.memory_space<hbm>>
      %dma_wait3A_78 = arith.constant 0 : i32
      %dma_wait3A_79 = arith.constant 0 : i32
      %dma_wait3A_80 = tpu.memref_slice %arg8[%run_scoped3A_26, %dma_wait3A_78, %dma_wait3A_79] : memref<2x2x128xi32, #tpu.memory_space<vmem>> -> memref<1x2x128xi32, #tpu.memory_space<vmem>>
      %dma_wait3A_81 = tpu.memref_squeeze %dma_wait3A_80 : memref<1x2x128xi32, #tpu.memory_space<vmem>> -> memref<2x128xi32, #tpu.memory_space<vmem>>
      %dma_wait3A_82 = arith.constant 0 : i32
      %dma_wait3A_83 = arith.constant 0 : i32
      %dma_wait3A_84 = tpu.memref_slice %arg4[%add3A, %dma_wait3A_82, %dma_wait3A_83] : memref<32x82x128xi32, #tpu.memory_space<hbm>> -> memref<1x2x128xi32, #tpu.memory_space<hbm>>
      %dma_wait3A_85 = tpu.memref_squeeze %dma_wait3A_84 : memref<1x2x128xi32, #tpu.memory_space<hbm>> -> memref<2x128xi32, #tpu.memory_space<hbm>>
      tpu.wait_dma2 semaphore(%run_scoped3A_54 : memref<!tpu.dma_semaphore, #tpu.memory_space<semaphore_mem>>) src(%dma_wait3A_85 : memref<2x128xi32, #tpu.memory_space<hbm>>) dst(%dma_wait3A_81 : memref<2x128xi32, #tpu.memory_space<vmem>>)
      tpu.yield
    }) : () -> ()
    %dma_start3A = arith.constant 0 : i32
    %dma_start3A_27 = arith.constant 0 : i32
    %dma_start3A_28 = arith.constant 0 : i32
    %dma_start3A_29 = arith.constant 0 : i32
    %dma_start3A_30 = tpu.memref_slice %arg7[%dma_start3A, %dma_start3A_28, %dma_start3A_29] : memref<2x2x128xi32, #tpu.memory_space<vmem>> -> memref<1x2x128xi32, #tpu.memory_space<vmem>>
    %dma_start3A_31 = tpu.memref_squeeze %dma_start3A_30 : memref<1x2x128xi32, #tpu.memory_space<vmem>> -> memref<2x128xi32, #tpu.memory_space<vmem>>
    %dma_start3A_32 = arith.constant 0 : i32
    %dma_start3A_33 = tpu.memref_slice %dma_start3A_31[%dma_start3A_27, %dma_start3A_32] : memref<2x128xi32, #tpu.memory_space<vmem>> -> memref<1x128xi32, #tpu.memory_space<vmem>>
    %dma_start3A_34 = tpu.memref_squeeze %dma_start3A_33 : memref<1x128xi32, #tpu.memory_space<vmem>> -> memref<128xi32, #tpu.memory_space<vmem>>
    %dma_start3A_35 = arith.constant 0 : i32
    %dma_start3A_36 = arith.constant 0 : i32
    %dma_start3A_37 = tpu.memref_slice %arg2[%dma_start3A_35, %dma_start3A_36] : memref<10240x128xf32, #tpu.memory_space<hbm>> -> memref<10240x128xf32, #tpu.memory_space<hbm>>
    tpu.enqueue_indirect_dma source(%dma_start3A_37 : memref<10240x128xf32, #tpu.memory_space<hbm>>) target(%arg9 : memref<128x128xf32, #tpu.memory_space<vmem>>) offsets(%dma_start3A_34 : memref<128xi32, #tpu.memory_space<vmem>>) semaphore(%arg13 : memref<!tpu.dma_semaphore, #tpu.memory_space<semaphore_mem>>)
    %scan3A_38 = arith.constant 0 : i32
    %scan3A_39 = arith.constant 0 : i32
    %scan3A_40 = arith.constant 41 : i32
    %scan3A_41 = arith.addi %scan3A_39, %scan3A_40 : i32
    %scan3A_42 = arith.constant 1 : i32
    scf.for %scan3A_54 = %scan3A_39 to %scan3A_41 step %scan3A_42  : i32 {
      %rem3A = arith.constant 2 : i32
      %rem3A_55 = arith.remsi %scan3A_54, %rem3A : i32
      %lt3A = arith.constant 40 : i32
      %lt3A_56 = arith.cmpi slt, %scan3A_54, %lt3A : i32
      %convert_element_type3A_57 = arith.extui %lt3A_56 : i1 to i32
      %cond3A_58 = arith.constant 0 : i32
      %cond3A_59 = arith.cmpi ne, %convert_element_type3A_57, %cond3A_58 : i32
      scf.if %cond3A_59 {
        %add3A_99 = arith.constant 1 : i32
        %add3A_100 = arith.addi %scan3A_54, %add3A_99 : i32
        %mul3A_101 = arith.constant 2 : i32
        %mul3A_102 = arith.muli %add3A_100, %mul3A_101 : i32
        %sub3A = arith.constant 1 : i32
        %sub3A_103 = arith.subi %sub3A, %rem3A_55 : i32
        %dma_start3A_104 = arith.constant 0 : i32
        %dma_start3A_105 = arith.constant 0 : i32
        %dma_start3A_106 = tpu.memref_slice %arg7[%sub3A_103, %dma_start3A_104, %dma_start3A_105] : memref<2x2x128xi32, #tpu.memory_space<vmem>> -> memref<1x2x128xi32, #tpu.memory_space<vmem>>
        %dma_start3A_107 = tpu.memref_squeeze %dma_start3A_106 : memref<1x2x128xi32, #tpu.memory_space<vmem>> -> memref<2x128xi32, #tpu.memory_space<vmem>>
        %dma_start3A_108 = arith.constant 0 : i32
        %dma_start3A_109 = tpu.memref_slice %arg3[%add3A, %mul3A_102, %dma_start3A_108] : memref<32x82x128xi32, #tpu.memory_space<hbm>> -> memref<1x2x128xi32, #tpu.memory_space<hbm>>
        %dma_start3A_110 = tpu.memref_squeeze %dma_start3A_109 : memref<1x2x128xi32, #tpu.memory_space<hbm>> -> memref<2x128xi32, #tpu.memory_space<hbm>>
        %dma_start3A_111 = arith.constant 0 : i32
        %dma_start3A_112 = arith.constant 0 : i32
        %dma_start3A_113 = tpu.memref_slice %arg7[%sub3A_103, %dma_start3A_111, %dma_start3A_112] : memref<2x2x128xi32, #tpu.memory_space<vmem>> -> memref<1x2x128xi32, #tpu.memory_space<vmem>>
        %dma_start3A_114 = tpu.memref_squeeze %dma_start3A_113 : memref<1x2x128xi32, #tpu.memory_space<vmem>> -> memref<2x128xi32, #tpu.memory_space<vmem>>
        %dma_start3A_115 = arith.constant 0 : i32
        %dma_start3A_116 = tpu.memref_slice %arg3[%add3A, %mul3A_102, %dma_start3A_115] : memref<32x82x128xi32, #tpu.memory_space<hbm>> -> memref<1x2x128xi32, #tpu.memory_space<hbm>>
        %dma_start3A_117 = tpu.memref_squeeze %dma_start3A_116 : memref<1x2x128xi32, #tpu.memory_space<hbm>> -> memref<2x128xi32, #tpu.memory_space<hbm>>
        tpu.enqueue_dma source(%dma_start3A_117 : memref<2x128xi32, #tpu.memory_space<hbm>>) target(%dma_start3A_114 : memref<2x128xi32, #tpu.memory_space<vmem>>) target_semaphore(%arg12 : memref<!tpu.dma_semaphore, #tpu.memory_space<semaphore_mem>>)
        %add3A_118 = arith.constant 1 : i32
        %add3A_119 = arith.addi %scan3A_54, %add3A_118 : i32
        %mul3A_120 = arith.constant 2 : i32
        %mul3A_121 = arith.muli %add3A_119, %mul3A_120 : i32
        %sub3A_122 = arith.constant 1 : i32
        %sub3A_123 = arith.subi %sub3A_122, %rem3A_55 : i32
        %dma_start3A_124 = arith.constant 0 : i32
        %dma_start3A_125 = arith.constant 0 : i32
        %dma_start3A_126 = tpu.memref_slice %arg8[%sub3A_123, %dma_start3A_124, %dma_start3A_125] : memref<2x2x128xi32, #tpu.memory_space<vmem>> -> memref<1x2x128xi32, #tpu.memory_space<vmem>>
        %dma_start3A_127 = tpu.memref_squeeze %dma_start3A_126 : memref<1x2x128xi32, #tpu.memory_space<vmem>> -> memref<2x128xi32, #tpu.memory_space<vmem>>
        %dma_start3A_128 = arith.constant 0 : i32
        %dma_start3A_129 = tpu.memref_slice %arg4[%add3A, %mul3A_121, %dma_start3A_128] : memref<32x82x128xi32, #tpu.memory_space<hbm>> -> memref<1x2x128xi32, #tpu.memory_space<hbm>>
        %dma_start3A_130 = tpu.memref_squeeze %dma_start3A_129 : memref<1x2x128xi32, #tpu.memory_space<hbm>> -> memref<2x128xi32, #tpu.memory_space<hbm>>
        %dma_start3A_131 = arith.constant 0 : i32
        %dma_start3A_132 = arith.constant 0 : i32
        %dma_start3A_133 = tpu.memref_slice %arg8[%sub3A_123, %dma_start3A_131, %dma_start3A_132] : memref<2x2x128xi32, #tpu.memory_space<vmem>> -> memref<1x2x128xi32, #tpu.memory_space<vmem>>
        %dma_start3A_134 = tpu.memref_squeeze %dma_start3A_133 : memref<1x2x128xi32, #tpu.memory_space<vmem>> -> memref<2x128xi32, #tpu.memory_space<vmem>>
        %dma_start3A_135 = arith.constant 0 : i32
        %dma_start3A_136 = tpu.memref_slice %arg4[%add3A, %mul3A_121, %dma_start3A_135] : memref<32x82x128xi32, #tpu.memory_space<hbm>> -> memref<1x2x128xi32, #tpu.memory_space<hbm>>
        %dma_start3A_137 = tpu.memref_squeeze %dma_start3A_136 : memref<1x2x128xi32, #tpu.memory_space<hbm>> -> memref<2x128xi32, #tpu.memory_space<hbm>>
        tpu.enqueue_dma source(%dma_start3A_137 : memref<2x128xi32, #tpu.memory_space<hbm>>) target(%dma_start3A_134 : memref<2x128xi32, #tpu.memory_space<vmem>>) target_semaphore(%arg12 : memref<!tpu.dma_semaphore, #tpu.memory_space<semaphore_mem>>)
      } else {
      }
      %dma_start3A_60 = arith.constant 1 : i32
      %dma_start3A_61 = arith.constant 0 : i32
      %dma_start3A_62 = arith.constant 0 : i32
      %dma_start3A_63 = tpu.memref_slice %arg7[%rem3A_55, %dma_start3A_61, %dma_start3A_62] : memref<2x2x128xi32, #tpu.memory_space<vmem>> -> memref<1x2x128xi32, #tpu.memory_space<vmem>>
      %dma_start3A_64 = tpu.memref_squeeze %dma_start3A_63 : memref<1x2x128xi32, #tpu.memory_space<vmem>> -> memref<2x128xi32, #tpu.memory_space<vmem>>
      %dma_start3A_65 = arith.constant 0 : i32
      %dma_start3A_66 = tpu.memref_slice %dma_start3A_64[%dma_start3A_60, %dma_start3A_65] : memref<2x128xi32, #tpu.memory_space<vmem>> -> memref<1x128xi32, #tpu.memory_space<vmem>>
      %dma_start3A_67 = tpu.memref_squeeze %dma_start3A_66 : memref<1x128xi32, #tpu.memory_space<vmem>> -> memref<128xi32, #tpu.memory_space<vmem>>
      %dma_start3A_68 = arith.constant 0 : i32
      %dma_start3A_69 = arith.constant 0 : i32
      %dma_start3A_70 = tpu.memref_slice %arg2[%dma_start3A_68, %dma_start3A_69] : memref<10240x128xf32, #tpu.memory_space<hbm>> -> memref<10240x128xf32, #tpu.memory_space<hbm>>
      tpu.enqueue_indirect_dma source(%dma_start3A_70 : memref<10240x128xf32, #tpu.memory_space<hbm>>) target(%arg10 : memref<128x128xf32, #tpu.memory_space<vmem>>) offsets(%dma_start3A_67 : memref<128xi32, #tpu.memory_space<vmem>>) semaphore(%arg14 : memref<!tpu.dma_semaphore, #tpu.memory_space<semaphore_mem>>)
      %dma_wait3A = arith.constant 0 : i32
      %dma_wait3A_71 = arith.constant 0 : i32
      %dma_wait3A_72 = arith.constant 0 : i32
      %dma_wait3A_73 = tpu.memref_slice %arg7[%rem3A_55, %dma_wait3A_71, %dma_wait3A_72] : memref<2x2x128xi32, #tpu.memory_space<vmem>> -> memref<1x2x128xi32, #tpu.memory_space<vmem>>
      %dma_wait3A_74 = tpu.memref_squeeze %dma_wait3A_73 : memref<1x2x128xi32, #tpu.memory_space<vmem>> -> memref<2x128xi32, #tpu.memory_space<vmem>>
      %dma_wait3A_75 = arith.constant 0 : i32
      %dma_wait3A_76 = tpu.memref_slice %dma_wait3A_74[%dma_wait3A, %dma_wait3A_75] : memref<2x128xi32, #tpu.memory_space<vmem>> -> memref<1x128xi32, #tpu.memory_space<vmem>>
      %dma_wait3A_77 = tpu.memref_squeeze %dma_wait3A_76 : memref<1x128xi32, #tpu.memory_space<vmem>> -> memref<128xi32, #tpu.memory_space<vmem>>
      %dma_wait3A_78 = arith.constant 0 : i32
      %dma_wait3A_79 = arith.constant 0 : i32
      %dma_wait3A_80 = tpu.memref_slice %arg2[%dma_wait3A_78, %dma_wait3A_79] : memref<10240x128xf32, #tpu.memory_space<hbm>> -> memref<10240x128xf32, #tpu.memory_space<hbm>>
      tpu.wait_indirect_dma semaphore(%arg13 : memref<!tpu.dma_semaphore, #tpu.memory_space<semaphore_mem>>) src(%dma_wait3A_80 : memref<10240x128xf32, #tpu.memory_space<hbm>>) dst(%arg9 : memref<128x128xf32, #tpu.memory_space<vmem>>)
      %run_scoped3A_81 = arith.constant 0 : i32
      "tpu.region"() ({
        %run_scoped3A_99 = tpu.sem_alloc : memref<!tpu.dma_semaphore, #tpu.memory_space<semaphore_mem>>
        %dma_start3A_100 = arith.constant 0 : i32
        %dma_start3A_101 = arith.constant 0 : i32
        %dma_start3A_102 = tpu.memref_slice %arg8[%rem3A_55, %dma_start3A_100, %dma_start3A_101] : memref<2x2x128xi32, #tpu.memory_space<vmem>> -> memref<1x2x128xi32, #tpu.memory_space<vmem>>
        %dma_start3A_103 = tpu.memref_squeeze %dma_start3A_102 : memref<1x2x128xi32, #tpu.memory_space<vmem>> -> memref<2x128xi32, #tpu.memory_space<vmem>>
        %dma_start3A_104 = arith.constant 0 : i32
        %dma_start3A_105 = tpu.memref_slice %dma_start3A_103[%run_scoped3A_81, %dma_start3A_104] : memref<2x128xi32, #tpu.memory_space<vmem>> -> memref<1x128xi32, #tpu.memory_space<vmem>>
        %dma_start3A_106 = tpu.memref_squeeze %dma_start3A_105 : memref<1x128xi32, #tpu.memory_space<vmem>> -> memref<128xi32, #tpu.memory_space<vmem>>
        %dma_start3A_107 = arith.constant 0 : i32
        %dma_start3A_108 = arith.constant 0 : i32
        %dma_start3A_109 = tpu.memref_slice %arg11[%dma_start3A_107, %dma_start3A_108] : memref<10240x128xf32, #tpu.memory_space<vmem_shared>> -> memref<10240x128xf32, #tpu.memory_space<vmem_shared>>
        tpu.enqueue_indirect_dma source(%arg9 : memref<128x128xf32, #tpu.memory_space<vmem>>) target(%dma_start3A_109 : memref<10240x128xf32, #tpu.memory_space<vmem_shared>>) offsets(%dma_start3A_106 : memref<128xi32, #tpu.memory_space<vmem>>) semaphore(%run_scoped3A_99 : memref<!tpu.dma_semaphore, #tpu.memory_space<semaphore_mem>>) {add = true}
        %dma_wait3A_110 = arith.constant 0 : i32
        %dma_wait3A_111 = arith.constant 0 : i32
        %dma_wait3A_112 = tpu.memref_slice %arg8[%rem3A_55, %dma_wait3A_110, %dma_wait3A_111] : memref<2x2x128xi32, #tpu.memory_space<vmem>> -> memref<1x2x128xi32, #tpu.memory_space<vmem>>
        %dma_wait3A_113 = tpu.memref_squeeze %dma_wait3A_112 : memref<1x2x128xi32, #tpu.memory_space<vmem>> -> memref<2x128xi32, #tpu.memory_space<vmem>>
        %dma_wait3A_114 = arith.constant 0 : i32
        %dma_wait3A_115 = tpu.memref_slice %dma_wait3A_113[%run_scoped3A_81, %dma_wait3A_114] : memref<2x128xi32, #tpu.memory_space<vmem>> -> memref<1x128xi32, #tpu.memory_space<vmem>>
        %dma_wait3A_116 = tpu.memref_squeeze %dma_wait3A_115 : memref<1x128xi32, #tpu.memory_space<vmem>> -> memref<128xi32, #tpu.memory_space<vmem>>
        %dma_wait3A_117 = arith.constant 0 : i32
        %dma_wait3A_118 = arith.constant 0 : i32
        %dma_wait3A_119 = tpu.memref_slice %arg11[%dma_wait3A_117, %dma_wait3A_118] : memref<10240x128xf32, #tpu.memory_space<vmem_shared>> -> memref<10240x128xf32, #tpu.memory_space<vmem_shared>>
        tpu.wait_indirect_dma semaphore(%run_scoped3A_99 : memref<!tpu.dma_semaphore, #tpu.memory_space<semaphore_mem>>) src(%arg9 : memref<128x128xf32, #tpu.memory_space<vmem>>) dst(%dma_wait3A_119 : memref<10240x128xf32, #tpu.memory_space<vmem_shared>>)
        tpu.yield
      }) : () -> ()
      %lt3A_82 = arith.constant 40 : i32
      %lt3A_83 = arith.cmpi slt, %scan3A_54, %lt3A_82 : i32
      %convert_element_type3A_84 = arith.extui %lt3A_83 : i1 to i32
      %cond3A_85 = arith.constant 0 : i32
      %cond3A_86 = arith.cmpi ne, %convert_element_type3A_84, %cond3A_85 : i32
      scf.if %cond3A_86 {
        %sub3A = arith.constant 1 : i32
        %sub3A_99 = arith.subi %sub3A, %rem3A_55 : i32
        %dma_wait3A_100 = arith.constant 0 : i32
        %dma_wait3A_101 = arith.constant 0 : i32
        %dma_wait3A_102 = tpu.memref_slice %arg7[%sub3A_99, %dma_wait3A_100, %dma_wait3A_101] : memref<2x2x128xi32, #tpu.memory_space<vmem>> -> memref<1x2x128xi32, #tpu.memory_space<vmem>>
        %dma_wait3A_103 = tpu.memref_squeeze %dma_wait3A_102 : memref<1x2x128xi32, #tpu.memory_space<vmem>> -> memref<2x128xi32, #tpu.memory_space<vmem>>
        %dma_wait3A_104 = arith.constant 0 : i32
        %dma_wait3A_105 = arith.constant 0 : i32
        %dma_wait3A_106 = tpu.memref_slice %arg3[%add3A, %dma_wait3A_104, %dma_wait3A_105] : memref<32x82x128xi32, #tpu.memory_space<hbm>> -> memref<1x2x128xi32, #tpu.memory_space<hbm>>
        %dma_wait3A_107 = tpu.memref_squeeze %dma_wait3A_106 : memref<1x2x128xi32, #tpu.memory_space<hbm>> -> memref<2x128xi32, #tpu.memory_space<hbm>>
        %dma_wait3A_108 = arith.constant 0 : i32
        %dma_wait3A_109 = arith.constant 0 : i32
        %dma_wait3A_110 = tpu.memref_slice %arg7[%sub3A_99, %dma_wait3A_108, %dma_wait3A_109] : memref<2x2x128xi32, #tpu.memory_space<vmem>> -> memref<1x2x128xi32, #tpu.memory_space<vmem>>
        %dma_wait3A_111 = tpu.memref_squeeze %dma_wait3A_110 : memref<1x2x128xi32, #tpu.memory_space<vmem>> -> memref<2x128xi32, #tpu.memory_space<vmem>>
        %dma_wait3A_112 = arith.constant 0 : i32
        %dma_wait3A_113 = arith.constant 0 : i32
        %dma_wait3A_114 = tpu.memref_slice %arg3[%add3A, %dma_wait3A_112, %dma_wait3A_113] : memref<32x82x128xi32, #tpu.memory_space<hbm>> -> memref<1x2x128xi32, #tpu.memory_space<hbm>>
        %dma_wait3A_115 = tpu.memref_squeeze %dma_wait3A_114 : memref<1x2x128xi32, #tpu.memory_space<hbm>> -> memref<2x128xi32, #tpu.memory_space<hbm>>
        tpu.wait_dma2 semaphore(%arg12 : memref<!tpu.dma_semaphore, #tpu.memory_space<semaphore_mem>>) src(%dma_wait3A_115 : memref<2x128xi32, #tpu.memory_space<hbm>>) dst(%dma_wait3A_111 : memref<2x128xi32, #tpu.memory_space<vmem>>)
        %sub3A_116 = arith.constant 1 : i32
        %sub3A_117 = arith.subi %sub3A_116, %rem3A_55 : i32
        %dma_wait3A_118 = arith.constant 0 : i32
        %dma_wait3A_119 = arith.constant 0 : i32
        %dma_wait3A_120 = tpu.memref_slice %arg8[%sub3A_117, %dma_wait3A_118, %dma_wait3A_119] : memref<2x2x128xi32, #tpu.memory_space<vmem>> -> memref<1x2x128xi32, #tpu.memory_space<vmem>>
        %dma_wait3A_121 = tpu.memref_squeeze %dma_wait3A_120 : memref<1x2x128xi32, #tpu.memory_space<vmem>> -> memref<2x128xi32, #tpu.memory_space<vmem>>
        %dma_wait3A_122 = arith.constant 0 : i32
        %dma_wait3A_123 = arith.constant 0 : i32
        %dma_wait3A_124 = tpu.memref_slice %arg4[%add3A, %dma_wait3A_122, %dma_wait3A_123] : memref<32x82x128xi32, #tpu.memory_space<hbm>> -> memref<1x2x128xi32, #tpu.memory_space<hbm>>
        %dma_wait3A_125 = tpu.memref_squeeze %dma_wait3A_124 : memref<1x2x128xi32, #tpu.memory_space<hbm>> -> memref<2x128xi32, #tpu.memory_space<hbm>>
        %dma_wait3A_126 = arith.constant 0 : i32
        %dma_wait3A_127 = arith.constant 0 : i32
        %dma_wait3A_128 = tpu.memref_slice %arg8[%sub3A_117, %dma_wait3A_126, %dma_wait3A_127] : memref<2x2x128xi32, #tpu.memory_space<vmem>> -> memref<1x2x128xi32, #tpu.memory_space<vmem>>
        %dma_wait3A_129 = tpu.memref_squeeze %dma_wait3A_128 : memref<1x2x128xi32, #tpu.memory_space<vmem>> -> memref<2x128xi32, #tpu.memory_space<vmem>>
        %dma_wait3A_130 = arith.constant 0 : i32
        %dma_wait3A_131 = arith.constant 0 : i32
        %dma_wait3A_132 = tpu.memref_slice %arg4[%add3A, %dma_wait3A_130, %dma_wait3A_131] : memref<32x82x128xi32, #tpu.memory_space<hbm>> -> memref<1x2x128xi32, #tpu.memory_space<hbm>>
        %dma_wait3A_133 = tpu.memref_squeeze %dma_wait3A_132 : memref<1x2x128xi32, #tpu.memory_space<hbm>> -> memref<2x128xi32, #tpu.memory_space<hbm>>
        tpu.wait_dma2 semaphore(%arg12 : memref<!tpu.dma_semaphore, #tpu.memory_space<semaphore_mem>>) src(%dma_wait3A_133 : memref<2x128xi32, #tpu.memory_space<hbm>>) dst(%dma_wait3A_129 : memref<2x128xi32, #tpu.memory_space<vmem>>)
        %sub3A_134 = arith.constant 1 : i32
        %sub3A_135 = arith.subi %sub3A_134, %rem3A_55 : i32
        %dma_start3A_136 = arith.constant 0 : i32
        %dma_start3A_137 = arith.constant 0 : i32
        %dma_start3A_138 = arith.constant 0 : i32
        %dma_start3A_139 = tpu.memref_slice %arg7[%sub3A_135, %dma_start3A_137, %dma_start3A_138] : memref<2x2x128xi32, #tpu.memory_space<vmem>> -> memref<1x2x128xi32, #tpu.memory_space<vmem>>
        %dma_start3A_140 = tpu.memref_squeeze %dma_start3A_139 : memref<1x2x128xi32, #tpu.memory_space<vmem>> -> memref<2x128xi32, #tpu.memory_space<vmem>>
        %dma_start3A_141 = arith.constant 0 : i32
        %dma_start3A_142 = tpu.memref_slice %dma_start3A_140[%dma_start3A_136, %dma_start3A_141] : memref<2x128xi32, #tpu.memory_space<vmem>> -> memref<1x128xi32, #tpu.memory_space<vmem>>
        %dma_start3A_143 = tpu.memref_squeeze %dma_start3A_142 : memref<1x128xi32, #tpu.memory_space<vmem>> -> memref<128xi32, #tpu.memory_space<vmem>>
        %dma_start3A_144 = arith.constant 0 : i32
        %dma_start3A_145 = arith.constant 0 : i32
        %dma_start3A_146 = tpu.memref_slice %arg2[%dma_start3A_144, %dma_start3A_145] : memref<10240x128xf32, #tpu.memory_space<hbm>> -> memref<10240x128xf32, #tpu.memory_space<hbm>>
        tpu.enqueue_indirect_dma source(%dma_start3A_146 : memref<10240x128xf32, #tpu.memory_space<hbm>>) target(%arg9 : memref<128x128xf32, #tpu.memory_space<vmem>>) offsets(%dma_start3A_143 : memref<128xi32, #tpu.memory_space<vmem>>) semaphore(%arg13 : memref<!tpu.dma_semaphore, #tpu.memory_space<semaphore_mem>>)
      } else {
      }
      %dma_wait3A_87 = arith.constant 1 : i32
      %dma_wait3A_88 = arith.constant 0 : i32
      %dma_wait3A_89 = arith.constant 0 : i32
      %dma_wait3A_90 = tpu.memref_slice %arg7[%rem3A_55, %dma_wait3A_88, %dma_wait3A_89] : memref<2x2x128xi32, #tpu.memory_space<vmem>> -> memref<1x2x128xi32, #tpu.memory_space<vmem>>
      %dma_wait3A_91 = tpu.memref_squeeze %dma_wait3A_90 : memref<1x2x128xi32, #tpu.memory_space<vmem>> -> memref<2x128xi32, #tpu.memory_space<vmem>>
      %dma_wait3A_92 = arith.constant 0 : i32
      %dma_wait3A_93 = tpu.memref_slice %dma_wait3A_91[%dma_wait3A_87, %dma_wait3A_92] : memref<2x128xi32, #tpu.memory_space<vmem>> -> memref<1x128xi32, #tpu.memory_space<vmem>>
      %dma_wait3A_94 = tpu.memref_squeeze %dma_wait3A_93 : memref<1x128xi32, #tpu.memory_space<vmem>> -> memref<128xi32, #tpu.memory_space<vmem>>
      %dma_wait3A_95 = arith.constant 0 : i32
      %dma_wait3A_96 = arith.constant 0 : i32
      %dma_wait3A_97 = tpu.memref_slice %arg2[%dma_wait3A_95, %dma_wait3A_96] : memref<10240x128xf32, #tpu.memory_space<hbm>> -> memref<10240x128xf32, #tpu.memory_space<hbm>>
      tpu.wait_indirect_dma semaphore(%arg14 : memref<!tpu.dma_semaphore, #tpu.memory_space<semaphore_mem>>) src(%dma_wait3A_97 : memref<10240x128xf32, #tpu.memory_space<hbm>>) dst(%arg10 : memref<128x128xf32, #tpu.memory_space<vmem>>)
      %run_scoped3A_98 = arith.constant 1 : i32
      "tpu.region"() ({
        %run_scoped3A_99 = tpu.sem_alloc : memref<!tpu.dma_semaphore, #tpu.memory_space<semaphore_mem>>
        %dma_start3A_100 = arith.constant 0 : i32
        %dma_start3A_101 = arith.constant 0 : i32
        %dma_start3A_102 = tpu.memref_slice %arg8[%rem3A_55, %dma_start3A_100, %dma_start3A_101] : memref<2x2x128xi32, #tpu.memory_space<vmem>> -> memref<1x2x128xi32, #tpu.memory_space<vmem>>
        %dma_start3A_103 = tpu.memref_squeeze %dma_start3A_102 : memref<1x2x128xi32, #tpu.memory_space<vmem>> -> memref<2x128xi32, #tpu.memory_space<vmem>>
        %dma_start3A_104 = arith.constant 0 : i32
        %dma_start3A_105 = tpu.memref_slice %dma_start3A_103[%run_scoped3A_98, %dma_start3A_104] : memref<2x128xi32, #tpu.memory_space<vmem>> -> memref<1x128xi32, #tpu.memory_space<vmem>>
        %dma_start3A_106 = tpu.memref_squeeze %dma_start3A_105 : memref<1x128xi32, #tpu.memory_space<vmem>> -> memref<128xi32, #tpu.memory_space<vmem>>
        %dma_start3A_107 = arith.constant 0 : i32
        %dma_start3A_108 = arith.constant 0 : i32
        %dma_start3A_109 = tpu.memref_slice %arg11[%dma_start3A_107, %dma_start3A_108] : memref<10240x128xf32, #tpu.memory_space<vmem_shared>> -> memref<10240x128xf32, #tpu.memory_space<vmem_shared>>
        tpu.enqueue_indirect_dma source(%arg10 : memref<128x128xf32, #tpu.memory_space<vmem>>) target(%dma_start3A_109 : memref<10240x128xf32, #tpu.memory_space<vmem_shared>>) offsets(%dma_start3A_106 : memref<128xi32, #tpu.memory_space<vmem>>) semaphore(%run_scoped3A_99 : memref<!tpu.dma_semaphore, #tpu.memory_space<semaphore_mem>>) {add = true}
        %dma_wait3A_110 = arith.constant 0 : i32
        %dma_wait3A_111 = arith.constant 0 : i32
        %dma_wait3A_112 = tpu.memref_slice %arg8[%rem3A_55, %dma_wait3A_110, %dma_wait3A_111] : memref<2x2x128xi32, #tpu.memory_space<vmem>> -> memref<1x2x128xi32, #tpu.memory_space<vmem>>
        %dma_wait3A_113 = tpu.memref_squeeze %dma_wait3A_112 : memref<1x2x128xi32, #tpu.memory_space<vmem>> -> memref<2x128xi32, #tpu.memory_space<vmem>>
        %dma_wait3A_114 = arith.constant 0 : i32
        %dma_wait3A_115 = tpu.memref_slice %dma_wait3A_113[%run_scoped3A_98, %dma_wait3A_114] : memref<2x128xi32, #tpu.memory_space<vmem>> -> memref<1x128xi32, #tpu.memory_space<vmem>>
        %dma_wait3A_116 = tpu.memref_squeeze %dma_wait3A_115 : memref<1x128xi32, #tpu.memory_space<vmem>> -> memref<128xi32, #tpu.memory_space<vmem>>
        %dma_wait3A_117 = arith.constant 0 : i32
        %dma_wait3A_118 = arith.constant 0 : i32
        %dma_wait3A_119 = tpu.memref_slice %arg11[%dma_wait3A_117, %dma_wait3A_118] : memref<10240x128xf32, #tpu.memory_space<vmem_shared>> -> memref<10240x128xf32, #tpu.memory_space<vmem_shared>>
        tpu.wait_indirect_dma semaphore(%run_scoped3A_99 : memref<!tpu.dma_semaphore, #tpu.memory_space<semaphore_mem>>) src(%arg10 : memref<128x128xf32, #tpu.memory_space<vmem>>) dst(%dma_wait3A_119 : memref<10240x128xf32, #tpu.memory_space<vmem_shared>>)
        tpu.yield
      }) : () -> ()
    }
    %scan3A_43 = arith.constant 41 : i32
    %mul3A_44 = arith.constant 640 : i32
    %mul3A_45 = arith.muli %arg1, %mul3A_44 : i32
    "tpu.region"() ({
      %run_scoped3A_54 = tpu.sem_alloc : memref<!tpu.dma_semaphore, #tpu.memory_space<semaphore_mem>>
      %dma_start3A_55 = arith.constant 0 : i32
      %dma_start3A_56 = tpu.memref_slice %arg11[%mul3A_45, %dma_start3A_55] : memref<10240x128xf32, #tpu.memory_space<vmem_shared>> -> memref<128x128xf32, #tpu.memory_space<vmem_shared>>
      %dma_start3A_57 = arith.constant 0 : i32
      %dma_start3A_58 = tpu.memref_slice %arg11[%mul3A_45, %dma_start3A_57] : memref<10240x128xf32, #tpu.memory_space<vmem_shared>> -> memref<128x128xf32, #tpu.memory_space<vmem_shared>>
      tpu.enqueue_dma source(%dma_start3A_58 : memref<128x128xf32, #tpu.memory_space<vmem_shared>>) target(%arg9 : memref<128x128xf32, #tpu.memory_space<vmem>>) target_semaphore(%run_scoped3A_54 : memref<!tpu.dma_semaphore, #tpu.memory_space<semaphore_mem>>)
      %dma_wait3A = arith.constant 0 : i32
      %dma_wait3A_59 = tpu.memref_slice %arg11[%mul3A_45, %dma_wait3A] : memref<10240x128xf32, #tpu.memory_space<vmem_shared>> -> memref<128x128xf32, #tpu.memory_space<vmem_shared>>
      %dma_wait3A_60 = arith.constant 0 : i32
      %dma_wait3A_61 = tpu.memref_slice %arg11[%mul3A_45, %dma_wait3A_60] : memref<10240x128xf32, #tpu.memory_space<vmem_shared>> -> memref<128x128xf32, #tpu.memory_space<vmem_shared>>
      tpu.wait_dma2 semaphore(%run_scoped3A_54 : memref<!tpu.dma_semaphore, #tpu.memory_space<semaphore_mem>>) src(%dma_wait3A_61 : memref<128x128xf32, #tpu.memory_space<vmem_shared>>) dst(%arg9 : memref<128x128xf32, #tpu.memory_space<vmem>>)
      tpu.yield
    }) : () -> ()
    %barrier3A_46 = arith.constant 0 : index
    tpu.barrier barrier_id(%barrier3A_46)
    %eq3A = arith.constant 0 : i32
    %eq3A_47 = arith.cmpi eq, %arg0, %eq3A : i32
    %convert_element_type3A = arith.extui %eq3A_47 : i1 to i32
    %cond3A = arith.constant 0 : i32
    %cond3A_48 = arith.cmpi ne, %convert_element_type3A, %cond3A : i32
    scf.if %cond3A_48 {
      %mul3A_54 = arith.constant 640 : i32
      %mul3A_55 = arith.muli %arg1, %mul3A_54 : i32
      %mul3A_56 = arith.constant 640 : i32
      %mul3A_57 = arith.muli %arg1, %mul3A_56 : i32
      "tpu.region"() ({
        %run_scoped3A_58 = tpu.sem_alloc : memref<!tpu.dma_semaphore, #tpu.memory_space<semaphore_mem>>
        %dma_start3A_59 = arith.constant 0 : i32
        %dma_start3A_60 = tpu.memref_slice %arg5[%mul3A_57, %dma_start3A_59] : memref<10240x128xf32, #tpu.memory_space<hbm>> -> memref<640x128xf32, #tpu.memory_space<hbm>>
        %dma_start3A_61 = arith.constant 0 : i32
        %dma_start3A_62 = tpu.memref_slice %arg11[%mul3A_55, %dma_start3A_61] : memref<10240x128xf32, #tpu.memory_space<vmem_shared>> -> memref<640x128xf32, #tpu.memory_space<vmem_shared>>
        tpu.enqueue_dma source(%dma_start3A_62 : memref<640x128xf32, #tpu.memory_space<vmem_shared>>) target(%dma_start3A_60 : memref<640x128xf32, #tpu.memory_space<hbm>>) target_semaphore(%run_scoped3A_58 : memref<!tpu.dma_semaphore, #tpu.memory_space<semaphore_mem>>)
        %dma_wait3A = arith.constant 0 : i32
        %dma_wait3A_63 = tpu.memref_slice %arg5[%mul3A_57, %dma_wait3A] : memref<10240x128xf32, #tpu.memory_space<hbm>> -> memref<640x128xf32, #tpu.memory_space<hbm>>
        %dma_wait3A_64 = arith.constant 0 : i32
        %dma_wait3A_65 = tpu.memref_slice %arg11[%mul3A_55, %dma_wait3A_64] : memref<10240x128xf32, #tpu.memory_space<vmem_shared>> -> memref<640x128xf32, #tpu.memory_space<vmem_shared>>
        tpu.wait_dma2 semaphore(%run_scoped3A_58 : memref<!tpu.dma_semaphore, #tpu.memory_space<semaphore_mem>>) src(%dma_wait3A_65 : memref<640x128xf32, #tpu.memory_space<vmem_shared>>) dst(%dma_wait3A_63 : memref<640x128xf32, #tpu.memory_space<hbm>>)
        tpu.yield
      }) : () -> ()
    } else {
    }
    %eq3A_49 = arith.constant 1 : i32
    %eq3A_50 = arith.cmpi eq, %arg0, %eq3A_49 : i32
    %convert_element_type3A_51 = arith.extui %eq3A_50 : i1 to i32
    %cond3A_52 = arith.constant 0 : i32
    %cond3A_53 = arith.cmpi ne, %convert_element_type3A_51, %cond3A_52 : i32
    scf.if %cond3A_53 {
      %mul3A_54 = arith.constant 640 : i32
      %mul3A_55 = arith.muli %arg1, %mul3A_54 : i32
      %mul3A_56 = arith.constant 640 : i32
      %mul3A_57 = arith.muli %arg1, %mul3A_56 : i32
      "tpu.region"() ({
        %run_scoped3A_58 = tpu.sem_alloc : memref<!tpu.dma_semaphore, #tpu.memory_space<semaphore_mem>>
        %dma_start3A_59 = arith.constant 0 : i32
        %dma_start3A_60 = tpu.memref_slice %arg6[%mul3A_57, %dma_start3A_59] : memref<10240x128xf32, #tpu.memory_space<hbm>> -> memref<640x128xf32, #tpu.memory_space<hbm>>
        %dma_start3A_61 = arith.constant 0 : i32
        %dma_start3A_62 = tpu.memref_slice %arg11[%mul3A_55, %dma_start3A_61] : memref<10240x128xf32, #tpu.memory_space<vmem_shared>> -> memref<640x128xf32, #tpu.memory_space<vmem_shared>>
        tpu.enqueue_dma source(%dma_start3A_62 : memref<640x128xf32, #tpu.memory_space<vmem_shared>>) target(%dma_start3A_60 : memref<640x128xf32, #tpu.memory_space<hbm>>) target_semaphore(%run_scoped3A_58 : memref<!tpu.dma_semaphore, #tpu.memory_space<semaphore_mem>>)
        %dma_wait3A = arith.constant 0 : i32
        %dma_wait3A_63 = tpu.memref_slice %arg6[%mul3A_57, %dma_wait3A] : memref<10240x128xf32, #tpu.memory_space<hbm>> -> memref<640x128xf32, #tpu.memory_space<hbm>>
        %dma_wait3A_64 = arith.constant 0 : i32
        %dma_wait3A_65 = tpu.memref_slice %arg11[%mul3A_55, %dma_wait3A_64] : memref<10240x128xf32, #tpu.memory_space<vmem_shared>> -> memref<640x128xf32, #tpu.memory_space<vmem_shared>>
        tpu.wait_dma2 semaphore(%run_scoped3A_58 : memref<!tpu.dma_semaphore, #tpu.memory_space<semaphore_mem>>) src(%dma_wait3A_65 : memref<640x128xf32, #tpu.memory_space<vmem_shared>>) dst(%dma_wait3A_63 : memref<640x128xf32, #tpu.memory_space<hbm>>)
        tpu.yield
      }) : () -> ()
    } else {
    }
    return
  }
}

module attributes {stable_mosaic.version = 14 : i64} {
  func.func @_d1_body(%arg0: i32, %arg1: memref<1024x128xf32, #tpu.memory_space<vmem>>, %arg2: memref<2x1024xf32, #tpu.memory_space<vmem>>, %arg3: memref<128x128xf32, #tpu.memory_space<vmem>>, %arg4: memref<1024x128xf32, #tpu.memory_space<vmem>>) attributes {dimension_semantics = [#tpu.dimension_semantics<arbitrary>], iteration_bounds = array<i64: 10>, scalar_prefetch = 0 : i64, scratch_operands = 0 : i64, tpu.core_type = #tpu.core_type<tc>, window_params = [{transform_indices = @transform_0, window_bounds = array<i64: 1024, 128>}, {transform_indices = @transform_1, window_bounds = array<i64: 2, 1024>}, {pipeline_mode = #tpu.pipeline_mode<synchronous>, transform_indices = @transform_2, window_bounds = array<i64: 128, 128>}, {transform_indices = @transform_3, window_bounds = array<i64: 1024, 128>}]} {
    %get3A = arith.constant 0 : index
    %get3A_0 = arith.constant 0 : index
    %get3A_1 = vector.load %arg1[%get3A, %get3A_0] : memref<1024x128xf32, #tpu.memory_space<vmem>>, vector<1024x128xf32>
    %get3A_2 = arith.constant 0 : index
    %get3A_3 = arith.constant 0 : index
    %get3A_4 = vector.load %arg3[%get3A_2, %get3A_3] : memref<128x128xf32, #tpu.memory_space<vmem>>, vector<128x128xf32>
    %dot_general3A = arith.constant dense<0.000000e+00> : vector<1024x128xf32>
    %dot_general3A_5 = tpu.matmul %get3A_1, %get3A_4, %dot_general3A {dimension_numbers = #tpu.dot_dimension_numbers<[1], [0], [0], [1], [0, 0, 1, 1], [], []>, transpose_lhs_hint = false} : vector<1024x128xf32>, vector<128x128xf32>, vector<1024x128xf32> -> vector<1024x128xf32>
    %get3A_6 = arith.constant 0 : index
    %get3A_7 = arith.constant 0 : index
    %get3A_8 = vector.load %arg2[%get3A_6, %get3A_7] : memref<2x1024xf32, #tpu.memory_space<vmem>>, vector<1x1024xf32>
    %get3A_9 = vector.shape_cast %get3A_8 : vector<1x1024xf32> to vector<1024xf32>
    %get3A_10 = arith.constant 1 : index
    %get3A_11 = arith.constant 0 : index
    %get3A_12 = vector.load %arg2[%get3A_10, %get3A_11] : memref<2x1024xf32, #tpu.memory_space<vmem>>, vector<1x1024xf32>
    %get3A_13 = vector.shape_cast %get3A_12 : vector<1x1024xf32> to vector<1024xf32>
    %add3A = arith.addf %get3A_9, %get3A_13 : vector<1024xf32>
    %add3A_14 = arith.constant 1.000000e+00 : f32
    %add3A_15 = vector.broadcast %add3A_14 : f32 to vector<1024xf32>
    %add3A_16 = arith.addf %add3A, %add3A_15 : vector<1024xf32>
    %rsqrt3A = math.rsqrt %add3A_16 : vector<1024xf32>
    %broadcast_in_dim3A = vector.shape_cast %rsqrt3A : vector<1024xf32> to vector<1024x1xf32>
    %mul3A = vector.broadcast %broadcast_in_dim3A : vector<1024x1xf32> to vector<1024x128xf32>
    %mul3A_17 = arith.mulf %dot_general3A_5, %mul3A : vector<1024x128xf32>
    %swap3A = arith.constant 0 : index
    %swap3A_18 = arith.constant 0 : index
    %swap3A_19 = vector.load %arg4[%swap3A, %swap3A_18] : memref<1024x128xf32, #tpu.memory_space<vmem>>, vector<1024x128xf32>
    tpu.vector_store %arg4[%swap3A, %swap3A_18], %mul3A_17 {strides = array<i32>} : memref<1024x128xf32, #tpu.memory_space<vmem>>, vector<1024x128xf32>,
    return
  }
  func.func @transform_0(%arg0: i32) -> (i32, i32) {
    %c0_i32 = arith.constant 0 : i32
    %c0_i32_0 = arith.constant 0 : i32
    return %arg0, %c0_i32 : i32, i32
  }
  func.func @transform_1(%arg0: i32) -> (i32, i32) {
    %c0_i32 = arith.constant 0 : i32
    %c0_i32_0 = arith.constant 0 : i32
    return %c0_i32, %arg0 : i32, i32
  }
  func.func @transform_2(%arg0: i32) -> (i32, i32) {
    %c0_i32 = arith.constant 0 : i32
    %c0_i32_0 = arith.constant 0 : i32
    %c0_i32_1 = arith.constant 0 : i32
    return %c0_i32, %c0_i32_0 : i32, i32
  }
  func.func @transform_3(%arg0: i32) -> (i32, i32) {
    %c0_i32 = arith.constant 0 : i32
    %c0_i32_0 = arith.constant 0 : i32
    return %arg0, %c0_i32 : i32, i32
  }
}

module attributes {stable_mosaic.version = 14 : i64} {
  func.func @_d2_body(%arg0: i32, %arg1: memref<1024x128xf32, #tpu.memory_space<vmem>>, %arg2: memref<1024x128xf32, #tpu.memory_space<vmem>>, %arg3: memref<2x1024xf32, #tpu.memory_space<vmem>>, %arg4: memref<128x1xf32, #tpu.memory_space<vmem>>, %arg5: memref<128xf32, #tpu.memory_space<vmem>>, %arg6: memref<1024xf32, #tpu.memory_space<vmem>>) attributes {dimension_semantics = [#tpu.dimension_semantics<arbitrary>], iteration_bounds = array<i64: 10>, scalar_prefetch = 0 : i64, scratch_operands = 0 : i64, tpu.core_type = #tpu.core_type<tc>, window_params = [{transform_indices = @transform_0, window_bounds = array<i64: 1024, 128>}, {transform_indices = @transform_1, window_bounds = array<i64: 1024, 128>}, {transform_indices = @transform_2, window_bounds = array<i64: 2, 1024>}, {pipeline_mode = #tpu.pipeline_mode<synchronous>, transform_indices = @transform_3, window_bounds = array<i64: 128, 1>}, {pipeline_mode = #tpu.pipeline_mode<synchronous>, transform_indices = @transform_4, window_bounds = array<i64: 128>}, {transform_indices = @transform_5, window_bounds = array<i64: 1024>}]} {
    %get3A = arith.constant 0 : index
    %get3A_0 = arith.constant 0 : index
    %get3A_1 = vector.load %arg3[%get3A, %get3A_0] : memref<2x1024xf32, #tpu.memory_space<vmem>>, vector<1x1024xf32>
    %get3A_2 = vector.shape_cast %get3A_1 : vector<1x1024xf32> to vector<1024xf32>
    %get3A_3 = arith.constant 1 : index
    %get3A_4 = arith.constant 0 : index
    %get3A_5 = vector.load %arg3[%get3A_3, %get3A_4] : memref<2x1024xf32, #tpu.memory_space<vmem>>, vector<1x1024xf32>
    %get3A_6 = vector.shape_cast %get3A_5 : vector<1x1024xf32> to vector<1024xf32>
    %add3A = arith.addf %get3A_2, %get3A_6 : vector<1024xf32>
    %add3A_7 = arith.constant 1.000000e+00 : f32
    %add3A_8 = vector.broadcast %add3A_7 : f32 to vector<1024xf32>
    %add3A_9 = arith.addf %add3A, %add3A_8 : vector<1024xf32>
    %rsqrt3A = math.rsqrt %add3A_9 : vector<1024xf32>
    %get3A_10 = arith.constant 0 : index
    %get3A_11 = arith.constant 0 : index
    %get3A_12 = vector.load %arg1[%get3A_10, %get3A_11] : memref<1024x128xf32, #tpu.memory_space<vmem>>, vector<1024x128xf32>
    %get3A_13 = arith.constant 0 : index
    %get3A_14 = arith.constant 0 : index
    %get3A_15 = vector.load %arg2[%get3A_13, %get3A_14] : memref<1024x128xf32, #tpu.memory_space<vmem>>, vector<1024x128xf32>
    %add3A_16 = arith.addf %get3A_12, %get3A_15 : vector<1024x128xf32>
    %broadcast_in_dim3A = vector.shape_cast %rsqrt3A : vector<1024xf32> to vector<1024x1xf32>
    %mul3A = vector.broadcast %broadcast_in_dim3A : vector<1024x1xf32> to vector<1024x128xf32>
    %mul3A_17 = arith.mulf %add3A_16, %mul3A : vector<1024x128xf32>
    %get3A_18 = arith.constant 0 : index
    %get3A_19 = vector.load %arg5[%get3A_18] : memref<128xf32, #tpu.memory_space<vmem>>, vector<128xf32>
    %broadcast_in_dim3A_20 = vector.shape_cast %get3A_19 : vector<128xf32> to vector<1x128xf32>
    %add3A_21 = vector.broadcast %broadcast_in_dim3A_20 : vector<1x128xf32> to vector<1024x128xf32>
    %add3A_22 = arith.addf %mul3A_17, %add3A_21 : vector<1024x128xf32>
    %max3A = arith.constant 0.000000e+00 : f32
    %max3A_23 = vector.broadcast %max3A : f32 to vector<1024x128xf32>
    %max3A_24 = arith.maximumf %add3A_22, %max3A_23 : vector<1024x128xf32>
    %get3A_25 = arith.constant 0 : index
    %get3A_26 = arith.constant 0 : index
    %get3A_27 = vector.load %arg4[%get3A_25, %get3A_26] : memref<128x1xf32, #tpu.memory_space<vmem>>, vector<128x1xf32>
    %dot_general3A = arith.constant dense<0.000000e+00> : vector<1024x1xf32>
    %dot_general3A_28 = tpu.matmul %max3A_24, %get3A_27, %dot_general3A {dimension_numbers = #tpu.dot_dimension_numbers<[1], [0], [0], [1], [0, 0, 1, 1], [], []>, transpose_lhs_hint = false} : vector<1024x128xf32>, vector<128x1xf32>, vector<1024x1xf32> -> vector<1024x1xf32>
    %squeeze3A = vector.shape_cast %dot_general3A_28 : vector<1024x1xf32> to vector<1024xf32>
    %mul3A_29 = arith.mulf %squeeze3A, %rsqrt3A : vector<1024xf32>
    %swap3A = arith.constant 0 : index
    %swap3A_30 = vector.load %arg6[%swap3A] : memref<1024xf32, #tpu.memory_space<vmem>>, vector<1024xf32>
    tpu.vector_store %arg6[%swap3A], %mul3A_29 {strides = array<i32>} : memref<1024xf32, #tpu.memory_space<vmem>>, vector<1024xf32>,
    return
  }
  func.func @transform_0(%arg0: i32) -> (i32, i32) {
    %c0_i32 = arith.constant 0 : i32
    %c0_i32_0 = arith.constant 0 : i32
    return %arg0, %c0_i32 : i32, i32
  }
  func.func @transform_1(%arg0: i32) -> (i32, i32) {
    %c0_i32 = arith.constant 0 : i32
    %c0_i32_0 = arith.constant 0 : i32
    return %arg0, %c0_i32 : i32, i32
  }
  func.func @transform_2(%arg0: i32) -> (i32, i32) {
    %c0_i32 = arith.constant 0 : i32
    %c0_i32_0 = arith.constant 0 : i32
    return %c0_i32, %arg0 : i32, i32
  }
  func.func @transform_3(%arg0: i32) -> (i32, i32) {
    %c0_i32 = arith.constant 0 : i32
    %c0_i32_0 = arith.constant 0 : i32
    %c0_i32_1 = arith.constant 0 : i32
    return %c0_i32, %c0_i32_0 : i32, i32
  }
  func.func @transform_4(%arg0: i32) -> i32 {
    %c0_i32 = arith.constant 0 : i32
    %c0_i32_0 = arith.constant 0 : i32
    return %c0_i32 : i32
  }
  func.func @transform_5(%arg0: i32) -> i32 {
    %c0_i32 = arith.constant 0 : i32
    return %arg0 : i32
  }
}

module attributes {stable_mosaic.version = 14 : i64} {
  func.func @_d3_body(%arg0: i32, %arg1: memref<1024xf32, #tpu.memory_space<vmem>>, %arg2: memref<1024xf32, #tpu.memory_space<vmem>>, %arg3: memref<2x1024xf32, #tpu.memory_space<vmem>>, %arg4: memref<1024xi32, #tpu.memory_space<vmem>>, %arg5: memref<1xf32, #tpu.memory_space<vmem>>, %arg6: memref<64x1xf32, #tpu.memory_space<vmem>>) attributes {dimension_semantics = [#tpu.dimension_semantics<arbitrary>], iteration_bounds = array<i64: 10>, scalar_prefetch = 0 : i64, scratch_operands = 0 : i64, tpu.core_type = #tpu.core_type<tc>, window_params = [{transform_indices = @transform_0, window_bounds = array<i64: 1024>}, {transform_indices = @transform_1, window_bounds = array<i64: 1024>}, {transform_indices = @transform_2, window_bounds = array<i64: 2, 1024>}, {transform_indices = @transform_3, window_bounds = array<i64: 1024>}, {pipeline_mode = #tpu.pipeline_mode<synchronous>, transform_indices = @transform_4, window_bounds = array<i64: 1>}, {pipeline_mode = #tpu.pipeline_mode<synchronous>, transform_indices = @transform_5, window_bounds = array<i64: 64, 1>}]} {
    %get3A = arith.constant 0 : index
    %get3A_0 = arith.constant 0 : index
    %get3A_1 = vector.load %arg3[%get3A, %get3A_0] : memref<2x1024xf32, #tpu.memory_space<vmem>>, vector<1x1024xf32>
    %get3A_2 = vector.shape_cast %get3A_1 : vector<1x1024xf32> to vector<1024xf32>
    %get3A_3 = arith.constant 1 : index
    %get3A_4 = arith.constant 0 : index
    %get3A_5 = vector.load %arg3[%get3A_3, %get3A_4] : memref<2x1024xf32, #tpu.memory_space<vmem>>, vector<1x1024xf32>
    %get3A_6 = vector.shape_cast %get3A_5 : vector<1x1024xf32> to vector<1024xf32>
    %add3A = arith.addf %get3A_2, %get3A_6 : vector<1024xf32>
    %add3A_7 = arith.constant 1.000000e+00 : f32
    %add3A_8 = vector.broadcast %add3A_7 : f32 to vector<1024xf32>
    %add3A_9 = arith.addf %add3A, %add3A_8 : vector<1024xf32>
    %rsqrt3A = math.rsqrt %add3A_9 : vector<1024xf32>
    %get3A_10 = arith.constant 0 : index
    %get3A_11 = vector.load %arg1[%get3A_10] : memref<1024xf32, #tpu.memory_space<vmem>>, vector<1024xf32>
    %get3A_12 = arith.constant 0 : index
    %get3A_13 = vector.load %arg2[%get3A_12] : memref<1024xf32, #tpu.memory_space<vmem>>, vector<1024xf32>
    %add3A_14 = arith.addf %get3A_11, %get3A_13 : vector<1024xf32>
    %mul3A = arith.mulf %rsqrt3A, %add3A_14 : vector<1024xf32>
    %get3A_15 = arith.constant 0 : index
    %get3A_16 = vector.load %arg5[%get3A_15] : memref<1xf32, #tpu.memory_space<vmem>>, vector<1xf32>
    %add3A_17 = vector.broadcast %get3A_16 : vector<1xf32> to vector<1024xf32>
    %add3A_18 = arith.addf %mul3A, %add3A_17 : vector<1024xf32>
    %get3A_19 = arith.constant 0 : index
    %get3A_20 = vector.load %arg4[%get3A_19] : memref<1024xi32, #tpu.memory_space<vmem>>, vector<1024xi32>
    %broadcast_in_dim3A = vector.shape_cast %get3A_20 : vector<1024xi32> to vector<1024x1xi32>
    %iota3A = tpu.iota {dimensions = array<i32: 1>} : vector<1024x64xi32>
    %eq3A = vector.broadcast %broadcast_in_dim3A : vector<1024x1xi32> to vector<1024x64xi32>
    %eq3A_21 = arith.cmpi eq, %eq3A, %iota3A : vector<1024x64xi32>
    %convert_element_type3A = arith.extui %eq3A_21 : vector<1024x64xi1> to vector<1024x64xi32>
    %convert_element_type3A_22 = arith.sitofp %convert_element_type3A : vector<1024x64xi32> to vector<1024x64xf32>
    %broadcast_in_dim3A_23 = vector.shape_cast %add3A_18 : vector<1024xf32> to vector<1024x1xf32>
    %dot_general3A = arith.constant dense<0.000000e+00> : vector<64x1xf32>
    %dot_general3A_24 = tpu.matmul %convert_element_type3A_22, %broadcast_in_dim3A_23, %dot_general3A {dimension_numbers = #tpu.dot_dimension_numbers<[0], [0], [1], [1], [0, 1, 1, 1], [], []>, transpose_lhs_hint = false} : vector<1024x64xf32>, vector<1024x1xf32>, vector<64x1xf32> -> vector<64x1xf32>
    %eq3A_25 = arith.constant 0 : i32
    %eq3A_26 = arith.cmpi eq, %arg0, %eq3A_25 : i32
    %convert_element_type3A_27 = arith.extui %eq3A_26 : i1 to i32
    %cond3A = arith.constant 0 : i32
    %cond3A_28 = arith.cmpi ne, %convert_element_type3A_27, %cond3A : i32
    scf.if %cond3A_28 {
      %swap3A = arith.constant 0 : index
      %swap3A_33 = arith.constant 0 : index
      %swap3A_34 = vector.load %arg6[%swap3A, %swap3A_33] : memref<64x1xf32, #tpu.memory_space<vmem>>, vector<64x1xf32>
      tpu.vector_store %arg6[%swap3A, %swap3A_33], %dot_general3A_24 {strides = array<i32>} : memref<64x1xf32, #tpu.memory_space<vmem>>, vector<64x1xf32>,
    } else {
    }
    %gt3A = arith.constant 0 : i32
    %gt3A_29 = arith.cmpi sgt, %arg0, %gt3A : i32
    %convert_element_type3A_30 = arith.extui %gt3A_29 : i1 to i32
    %cond3A_31 = arith.constant 0 : i32
    %cond3A_32 = arith.cmpi ne, %convert_element_type3A_30, %cond3A_31 : i32
    scf.if %cond3A_32 {
      %get3A_33 = arith.constant 0 : index
      %get3A_34 = arith.constant 0 : index
      %get3A_35 = vector.load %arg6[%get3A_33, %get3A_34] : memref<64x1xf32, #tpu.memory_space<vmem>>, vector<64x1xf32>
      %add3A_36 = arith.addf %get3A_35, %dot_general3A_24 : vector<64x1xf32>
      %swap3A = arith.constant 0 : index
      %swap3A_37 = arith.constant 0 : index
      %swap3A_38 = vector.load %arg6[%swap3A, %swap3A_37] : memref<64x1xf32, #tpu.memory_space<vmem>>, vector<64x1xf32>
      tpu.vector_store %arg6[%swap3A, %swap3A_37], %add3A_36 {strides = array<i32>} : memref<64x1xf32, #tpu.memory_space<vmem>>, vector<64x1xf32>,
    } else {
    }
    return
  }
  func.func @transform_0(%arg0: i32) -> i32 {
    %c0_i32 = arith.constant 0 : i32
    return %arg0 : i32
  }
  func.func @transform_1(%arg0: i32) -> i32 {
    %c0_i32 = arith.constant 0 : i32
    return %arg0 : i32
  }
  func.func @transform_2(%arg0: i32) -> (i32, i32) {
    %c0_i32 = arith.constant 0 : i32
    %c0_i32_0 = arith.constant 0 : i32
    return %c0_i32, %arg0 : i32, i32
  }
  func.func @transform_3(%arg0: i32) -> i32 {
    %c0_i32 = arith.constant 0 : i32
    return %arg0 : i32
  }
  func.func @transform_4(%arg0: i32) -> i32 {
    %c0_i32 = arith.constant 0 : i32
    %c0_i32_0 = arith.constant 0 : i32
    return %c0_i32 : i32
  }
  func.func @transform_5(%arg0: i32) -> (i32, i32) {
    %c0_i32 = arith.constant 0 : i32
    %c0_i32_0 = arith.constant 0 : i32
    %c0_i32_1 = arith.constant 0 : i32
    return %c0_i32, %c0_i32_0 : i32, i32
  }
}

</mosaic_0001>

<sc_bundles>
// kernel: kernel.11.cloned.1.call-start
scs
__scs_entry_jumppad:
0x0: {  	(pc) =	sbr.rel $0x88, $3  }
0x1: {  	(tag) =	ssettag $0x0;
	lr =	simm.s32 $0x1  }
0x2: {  	[smem:$0x3F9A] =	sst lr;
	_ =	strace $0xD0000000  }
0x3: {  	_ = 	snop  }
0x4: {  	_ = 	snop  }
0x5: {  	_ = 	snop  }
0x6: {  	_ = 	snop  }
0x7: {  	_ = 	snop  }
__scs_overlays_trampoline_lowered:
0x8: {  	[smem:$0x3FA9] =	sst s0  }
0x9: {  	[smem:$0x3FAA] =	sst s1  }
0xa: {  	[smem:$0x3FAB] =	sst s2  }
0xb: {  	[smem:$0x3FAC] =	sst s3  }
0xc: {  	[smem:$0x3FAD] =	sst s4  }
0xd: {  	[smem:$0x3FAE] =	sst s5  }
0xe: {  	[smem:$0x3FAF] =	sst s6  }
0xf: {  	[smem:$0x3FB0] =	sst s7  }
0x10: {  	[smem:$0x3FB1] =	sst s8  }
0x11: {  	[smem:$0x3FB2] =	sst s9;
	s0 =	simm.s32 @!p0 $0x0  }
0x12: {  	s1 =	sld [smem:$0x3F98];
	s0 =	simm.s32 @p0 $0x1  }
0x13: {  	[smem:$0x3FB3] =	sst s0;
	s0 =	simm.s32 @!p1 $0x0  }
0x14: {  	s2 =	sld [smem:$0x3F97];
	s0 =	simm.s32 @p1 $0x1  }
0x15: {  	[smem:$0x3FB4] =	sst s0;
	s0 =	simm.s32 @!p2 $0x0  }
0x16: {  	s3 =	sld [smem:$0x3FDB];
	s0 =	simm.s32 @p2 $0x1  }
0x17: {  	s4 =	simm.s32 $0x1BF5;
	[smem:$0x3FB6] =	sst s0  }
0x18: {  	s0 =	sld [smem:$0x3F99];
	_ =	swait.ge [sflag:s4], $0x0  }
0x19: {  	s7 =	sld [smem:$0x3F9A]  }
0x1a: {  	s8 =	sadd.s32 $0xFFFFE003, lr  }
0x1b: {  	s9 =	sadd.s32 $0xFFFFFEF7, lr;
	s5 =	simm.s32 $0xFFFFFFFF;
	p2 =	slt.u32 s8, $0xFFFFF086  }
0x1c: {  	p1 =	slt.u32 s9, $0xF7A;
	s5 =	simm.s32 @!p2 $0x0  }
0x1d: {  	s5 =	simm.s32 @p1 $0x1;
	p0 =	seq.s32 s7, s2  }
0x1e: {  	s7 =	smul.u32 @!p0 $0xF7A, s2;
	p2 =	seq.s32 @!p0 s5, $0x0  }
0x1f: {  	s9 =	smul.u32 $0xF7A, s1;
	s8 =	simm.s32 @!p0 $0x1BF5;
	p2 =	por !p2, p0  }
0x20: {  	[sflag:s8] =	ssyncset.s32 @!p0 $0xFFFFF086;
	s6 =	sadd.s32 @!p0 s3, s7;
	s7 =	simm.s32 @!p0 $0x108  }
0x21: {  	s3 =	sadd.s32 s3, s9;
	s6 =	sadd.s32 @!p0 $0x88, s6;
	s7 =	simm.s32 @p2 $0x1082  }
0x22: {  	[simem:s7], [sflag:s8] =	dma.local @!p0 [hbm:s6], $0xF7A  }
0x23: {  	s9 =	sor.u32 $0xD0000000, s2;
	s6 =	simm.s32 $0x108;
	_ =	swait.ge @!p0 [sflag:s8], $0x0  }
0x24: {  	s3 =	sadd.s32 $0x88, s3;
	s6 =	simm.s32 @!p1 $0x1082;
	[sflag:s4] =	ssyncset.s32 $0xFFFFF086  }
0x25: {  	[simem:s6], [sflag:s4] =	dma.local [hbm:s3], $0xF7A  }
0x26: {  	[smem:$0x3F9A] =	sst s1;
	(tag) =	ssettag s2;
	_ =	strace s9  }
0x27: {  	s1 =	sld [smem:$0x3FAA]  }
0x28: {  	s2 =	sld [smem:$0x3FAB]  }
0x29: {  	s4 =	sld [smem:$0x3FAD]  }
0x2a: {  	p0 =	seq.s32 s5, $0x0;
	s5 =	sld [smem:$0x3FAE]  }
0x2b: {  	s6 =	sld [smem:$0x3FAF]  }
0x2c: {  	s7 =	sld [smem:$0x3FB0]  }
0x2d: {  	s3 =	simm.s32 $0x108;
	s8 =	sld [smem:$0x3FB1]  }
0x2e: {  	s3 =	simm.s32 @!p0 $0x1082;
	s9 =	sld [smem:$0x3FB2]  }
0x2f: {  	lr =	sadd.s32 s0, s3;
	s0 =	sld [smem:$0x3FA9]  }
0x30: {  	s3 =	sld [smem:$0x3FAC]  }
0x31: {  	[smem:$0x3FB5] =	sst s10  }
0x32: {  	s10 =	sld [smem:$0x3FB3];
	_ =	sdelay $0x3  }
0x33: {  	p0 =	seq.s32 s10, $0x1;
	s10 =	sld [smem:$0x3FB5];
	_ =	sdelay $0x3  }
0x34: {  	[smem:$0x3FB5] =	sst s10  }
0x35: {  	s10 =	sld [smem:$0x3FB4];
	_ =	sdelay $0x3  }
0x36: {  	p1 =	seq.s32 s10, $0x1;
	s10 =	sld [smem:$0x3FB5];
	_ =	sdelay $0x3  }
0x37: {  	[smem:$0x3FB5] =	sst s10  }
0x38: {  	s10 =	sld [smem:$0x3FB6]  }
0x39: {  	_ = 	snop;
	(pc) =	sbr.ind lr, $3  }
0x3a: {  	_ = 	snop  }
0x3b: {  	_ = 	snop  }
0x3c: {  	p2 =	seq.s32 s10, $0x1;
	s10 =	sld [smem:$0x3FB5]  }
0x3d: {  	_ =	shalt  }
0x3e: {  	_ =	shalt  }
0x3f: {  	_ =	shalt  }
0x40: {  	_ =	shalt  }
0x41: {  	_ =	shalt  }
0x42: {  	_ =	shalt  }
0x43: {  	_ =	shalt  }
0x44: {  	_ =	shalt  }
0x45: {  	_ =	shalt  }
0x46: {  	_ =	shalt  }
0x47: {  	_ =	shalt  }
0x48: {  	_ =	shalt  }
0x49: {  	_ =	shalt  }
0x4a: {  	_ =	shalt  }
0x4b: {  	_ =	shalt  }
0x4c: {  	_ =	shalt  }
0x4d: {  	_ =	shalt  }
0x4e: {  	_ =	shalt  }
0x4f: {  	_ =	shalt  }
0x50: {  	_ =	shalt  }
0x51: {  	_ =	shalt  }
0x52: {  	_ =	shalt  }
0x53: {  	_ =	shalt  }
0x54: {  	_ =	shalt  }
0x55: {  	_ =	shalt  }
0x56: {  	_ =	shalt  }
0x57: {  	_ =	shalt  }
0x58: {  	_ =	shalt  }
0x59: {  	_ =	shalt  }
0x5a: {  	_ =	shalt  }
0x5b: {  	_ =	shalt  }
0x5c: {  	_ =	shalt  }
0x5d: {  	_ =	shalt  }
0x5e: {  	_ =	shalt  }
0x5f: {  	_ =	shalt  }
0x60: {  	_ =	shalt  }
0x61: {  	_ =	shalt  }
0x62: {  	_ =	shalt  }
0x63: {  	_ =	shalt  }
0x64: {  	_ =	shalt  }
0x65: {  	_ =	shalt  }
0x66: {  	_ =	shalt  }
0x67: {  	_ =	shalt  }
0x68: {  	_ =	shalt  }
0x69: {  	_ =	shalt  }
0x6a: {  	_ =	shalt  }
0x6b: {  	_ =	shalt  }
0x6c: {  	_ =	shalt  }
0x6d: {  	_ =	shalt  }
0x6e: {  	_ =	shalt  }
0x6f: {  	_ =	shalt  }
0x70: {  	_ =	shalt  }
0x71: {  	_ =	shalt  }
0x72: {  	_ =	shalt  }
0x73: {  	_ =	shalt  }
0x74: {  	_ =	shalt  }
0x75: {  	_ =	shalt  }
0x76: {  	_ =	shalt  }
0x77: {  	_ =	shalt  }
0x78: {  	_ =	shalt  }
0x79: {  	_ =	shalt  }
0x7a: {  	_ =	shalt  }
0x7b: {  	_ =	shalt  }
0x7c: {  	_ =	shalt  }
0x7d: {  	_ =	shalt  }
0x7e: {  	_ =	shalt  }
0x7f: {  	_ =	shalt  }
0x80: {  	_ =	shalt  }
0x81: {  	_ =	shalt  }
0x82: {  	_ =	shalt  }
0x83: {  	_ =	shalt  }
0x84: {  	_ =	shalt  }
0x85: {  	_ =	shalt  }
0x86: {  	_ =	shalt  }
0x87: {  	_ =	shalt  }
.Lfunc_end0:
.L_simem_size_0:
called_computation.1_lowered:
.L_overlay_start_0:
0x88: {  	s2 =	sld [smem:$0x3FD9]  }
0x89: {  	s3 =	sld [smem:$0x3FFE];
	_ =	sdelay $0x1  }
0x8a: {  	s1 =	srdreg.scid  }
0x8b: {  	s0 =	sand.u32 $0x1, s1  }
0x8c: {  	s16 =	sshll.u32 s0, $0xA;
	s2 =	sadd.s32 s3, s2  }
0x8d: {  	s2 =	sadd.s32 s2, s16  }
0x8e: {  	[smem:$0x3FC1] =	sst s2  }
0x8f: {  	_ = 	snop  }
0x90: {  	(tm) =	ssettm $0x1  }
0x91: {  	s17 =	sld [smem:$0x3FFB];
	_ =	sdelay $0x3  }
0x92: {  	_ =	strace s17  }
0x93: {  	s2 =	sld [smem:$0x3FFC];
	_ =	sdelay $0x3  }
0x94: {  	_ =	strace s2  }
0x95: {  	s2 =	sld [smem:$0x3FFD];
	_ =	sdelay $0x3  }
0x96: {  	_ =	strace s2  }
0x97: {  	_ =	strace $0x8FFFFFFF  }
0x98: {  	s18 =	sld [smem:$0x3FDB];
	_ =	sdelay $0x1  }
0x99: {  	s19 =	simm.s32 $_scs_section_size  }
0x9a: {  	s4 =	simm.s32 $_size__tile_overlayer_lowered;
	s5 =	simm.s32 $_tile_overlayer_lowered  }
0x9b: {  	s22 =	simm.s32 $0x1BFF;
	s21 =	sshll.u32 s5, $0x1;
	s2 =	sadd.s32 s19, s18  }
0x9c: {  	s6 =	simm.s32 $0x0;
	s20 =	sshll.u32 s4, $0x1;
	s4 =	sadd.s32 s21, s2  }
0x9d: {  	[timem:s6], [sflag:s22] =	dma.local [hbm:s4], s20  }
0x9e: {  	_ =	swait.ge [sflag:s22], s20  }
0x9f: {  	s3 =	ssub.s32 $0x0, s20;
	[sflag:s22] =	ssyncset.done $0x0  }
0xa0: {  	[sflag:s22] =	ssyncadd.s32 s3;
	_ =	sdelay $0x1  }
0xa1: {  	s23 =	simm.s32 $0x1B8B  }
0xa2: {  	_ =	swait.ge [sflag:s23], $0x1  }
0xa3: {  	[sflag:s23] =	ssyncset.done $0x0  }
0xa4: {  	s25 =	simm.s32 $0x1B8E;
	s24 =	sld [smem:$0x3FFE];
	[sflag:s23] =	ssyncadd.s32 $0xFFFFFFFF  }
0xa5: {  	s26 =	simm.s32 $execute0_lowered;
	[smem:$0x3FD2] =	sst s25  }
0xa6: {  	s4 =	sshll.u32 s26, $0x1;
	_ =	strace $0x80000049;
	[dreg:$0x1] =	wrdreg $0xFFFFFFFF  }
0xa7: {  	s28 =	simm.s32 $_size_execute0_lowered;
	s2 =	sadd.s32 s2, s4;
	[dreg:$0x0] =	wrdreg $0x0  }
0xa8: {  	s4 =	sshll.u32 s28, $0x1;
	[dreg:$0x2] =	wrdreg s2  }
0xa9: {  	[dreg:$0x3] =	wrdreg s4  }
0xaa: {  	[dreg:$0x4] =	wrdreg $0xC0  }
0xab: {  	_ =	task [dreg:s6], $0x5FFFF  }
0xac: {  	[dreg:$0x1] =	wrdreg $0xFFFFFFFF  }
0xad: {  	[dreg:$0x0] =	wrdreg $0x60  }
0xae: {  	[dreg:$0x2] =	wrdreg s24  }
0xaf: {  	[dreg:$0x3] =	wrdreg $0x84000  }
0xb0: {  	[dreg:$0x4] =	wrdreg $0x9  }
0xb1: {  	_ =	task.clear_ibuf [dreg:s6], $0x5FFFF;
	_ =	strace $0x90000049  }
0xb2: {  	s29 =	simm.s32 $0x9;
	_ =	strace $0x8000004B  }
0xb3: {  	_ =	swait.ge [sflag:s29], $0x1  }
0xb4: {  	[sflag:s29] =	ssyncadd.s32 $0xFFFFFFFF  }
0xb5: {  	_ =	strace $0x9000004B  }
0xb6: {  	_ =	sfence  }
0xb7: {  	s30 =	sld [smem:$0x0];
	_ =	sdelay $0x2  }
0xb8: {  	s31 =	sshll.u32 s1, $0xD;
	s1 =	sshrl.u32 s1, $0x2  }
0xb9: {  	s3 =	sand.u32 $0x4000, s31;
	s1 =	sadd.s32 s1, s30  }
0xba: {  	s0 =	sor.u32 s3, s0;
	s1 =	sshll.u32 s1, $0x11  }
0xbb: {  	s0 =	sor.u32 s1, s0  }
0xbc: {  	s0 =	sadd.s32 $0x8F2B, s0  }
0xbd: {  	[sflag:s0] =	ssyncadd.remote.s32 $0x1  }
0xbe: {  	_ =	sfence.sel $0xFFFF  }
0xbf: {  	[dreg:$0x0] =	wrdreg $0xFFFFFFFF;
	(pc) =	sbr.abs _section_cstart, $3  }
0xc0: {  	[dreg:$0x1] =	wrdreg $0xFFFFFFFF  }
0xc1: {  	_ =	task.clear_ibuf [dreg:s6], $0x2FFFF;
	_ =	strace $0x9FFFFFFF  }
0xc2: {  	(tm) =	ssettm $0x7FFFFFFF  }
0xc3: {  	_ =	shalt  }
tec
execute0_lowered:
.L_overlay_start_1:
0x0: {  	(tag) =	ssettag $0x1  }
0x1: {  	s15 =	rddreg [dreg:$0x0]  }
0x2: {  	s2 =	rddreg [dreg:$0x1];
	s3 =	simm.s32 $0x0;
	s0 =	stileid.u32  }
0x3: {  	s6 =	srdreg.scid;
	s17 =	simm.s32 $0x73600;
	s19 =	simm.s32 $0x200  }
0x4: {  	s20 =	simm.s32 $0x80;
	s21 =	simm.s32 $0x4400;
	s22 =	simm.s32 $0x2  }
0x5: {  	s23 =	simm.s32 $0x1;
	s24 =	simm.s32 $0x3;
	s26 =	simm.s32 $0x0  }
0x6: {  	[smem:$0x7FF] =	sst s3;
	s7 =	smul.u32 $0x50000, s0;
	s4 =	sadd.s32 $0x23600, s15  }
0x7: {  	s5 =	sadd.s32 $0xD600, s15;
	s13 =	sand.u32 $0x1, s6;
	s6 =	sadd.s32 $0x18600, s15  }
0x8: {  	s18 =	smul.u32 $0x2800, s0;
	_ =	strace $0x8000004A;
	s8 =	ssub.s32 $0x2, s13  }
0x9: {  	s10 =	sshll.u32 s13, $0x4;
	p0 =	seq.s32 s13, $0x1;
	s7 =	sshrl.u32 s7, $0x2  }
0xa: {  	s9 =	sshrl.u32 s8, $0x1;
	s11 =	sor.u32 s0, s10;
	s17 =	simm.s32 @!p0 $0x4B600  }
0xb: {  	s7 =	sadd.s32 s7, s2;
	s16 =	ssub.s32 s8, s9;
	s11 =	smul.u32 $0x2C00, s11  }
0xc: {  	s17 =	sadd.s32 s17, s15;
	s8 =	sadd.s32 $0x4000, s7;
	s9 =	sadd.s32 $0x8000, s7  }
0xd: {  	s10 =	sadd.s32 $0xC000, s7;
	s12 =	sadd.s32 $0x10000, s7;
	s15 =	smax.u32 s16, $0x1  }
0xe: {  	s16 =	sadd.s32 s17, s18;
	s17 =	simm.s32 $0x400;
	s14 =	sshrl.u32 s11, $0x3  }
0xf: {  	v0 =	vimm.f32 $0.0e+00;
	s18 =	simm.s32 $0x4;
	s13 =	sadd.s32 s5, s14;
	s14 =	sadd.s32 s6, s14  }
.LBB2_1:
0x10: {  	s28 =	simm.s32 $0x0;
	s29 =	simm.s32 $0x200  }
.LBB2_2:
0x11: {  	p0 =	sne.s32 s29, $0xFE00;
	[tilespmem:s28+$0x470] =	vst v0  }
0x12: {  	[tilespmem:s28+$0x400] =	vst v0  }
0x13: {  	[tilespmem:s28+$0x410] =	vst v0  }
.Ltmp0:
0x14: {  	[tilespmem:s28+$0x420] =	vst v0;
	(pc) =	sbr.rel @p0 .LBB2_2-.Ltmp0, $4  }
0x15: {  	[tilespmem:s28+$0x430] =	vst v0  }
0x16: {  	[tilespmem:s28+$0x440] =	vst v0  }
0x17: {  	[tilespmem:s28+$0x450] =	vst v0  }
0x18: {  	[tilespmem:s28+$0x460] =	vst v0;
	s28 =	sshra.s32 s29, $0x2;
	s29 =	sadd.s32 $0x200, s29  }
0x19: {  	[tilespmem:s28+$0x470] =	vst v0  }
0x1a: {  	[tilespmem:s28+$0x400] =	vst v0  }
0x1b: {  	[tilespmem:s28+$0x410] =	vst v0  }
0x1c: {  	[tilespmem:s28+$0x420] =	vst v0  }
0x1d: {  	[tilespmem:s28+$0x430] =	vst v0  }
0x1e: {  	[tilespmem:s28+$0x440] =	vst v0  }
0x1f: {  	[tilespmem:s28+$0x450] =	vst v0  }
0x20: {  	[tilespmem:s28+$0x460] =	vst v0  }
0x21: {  	[spmem:s7] =	stream.linear.scatter [tilespmem:s17], [sflag:$0x4], $0x4000, $0x38;
	[tilespmem:$0x1C400] =	vst v63  }
0x22: {  	_ =	swait.ge [sflag:s18], $0x4000  }
0x23: {  	[sflag:s18] =	ssyncset.done $0x0  }
0x24: {  	[sflag:s18] =	ssyncadd.s32 $0xFFFFC000  }
0x25: {  	[spmem:s8] =	stream.linear.scatter [tilespmem:s17], [sflag:$0x4], $0x4000, $0x38;
	[tilespmem:$0x1C400] =	vst v63  }
0x26: {  	_ =	swait.ge [sflag:s18], $0x4000  }
0x27: {  	[sflag:s18] =	ssyncset.done $0x0  }
0x28: {  	[sflag:s18] =	ssyncadd.s32 $0xFFFFC000  }
0x29: {  	[spmem:s9] =	stream.linear.scatter [tilespmem:s17], [sflag:$0x4], $0x4000, $0x38;
	[tilespmem:$0x1C400] =	vst v63  }
0x2a: {  	_ =	swait.ge [sflag:s18], $0x4000  }
0x2b: {  	[sflag:s18] =	ssyncset.done $0x0  }
0x2c: {  	[sflag:s18] =	ssyncadd.s32 $0xFFFFC000  }
0x2d: {  	[spmem:s10] =	stream.linear.scatter [tilespmem:s17], [sflag:$0x4], $0x4000, $0x38;
	[tilespmem:$0x1C400] =	vst v63  }
0x2e: {  	_ =	swait.ge [sflag:s18], $0x4000  }
0x2f: {  	[sflag:s18] =	ssyncset.done $0x0  }
0x30: {  	[sflag:s18] =	ssyncadd.s32 $0xFFFFC000  }
0x31: {  	[spmem:s12] =	stream.linear.scatter [tilespmem:s17], [sflag:$0x4], $0x4000, $0x38;
	[tilespmem:$0x1C400] =	vst v63  }
0x32: {  	_ =	swait.ge [sflag:s18], $0x4000  }
0x33: {  	[sflag:s18] =	ssyncset.done $0x0  }
0x34: {  	[sflag:s18] =	ssyncadd.s32 $0xFFFFC000  }
0x35: {  	[bflag:$0x0] =	sbarrier.arrive $0xFFFF  }
0x36: {  	[tilespmem:s3], [sflag:$0x4] =	stream.linear.gather [hbm4b:s13+s3], $0x100, $0x38;
	[tilespmem:$0x1C400] =	vst v63  }
0x37: {  	_ =	swait.ge [sflag:s18], $0x100  }
0x38: {  	s28 =	simm.s32 $0x100;
	[sflag:s18] =	ssyncset.done $0x0  }
0x39: {  	s29 =	sand.u32 $0x7C00, s28;
	[sflag:s18] =	ssyncadd.s32 $0xFFFFFF00  }
0x3a: {  	[tilespmem:s19], [sflag:$0x4] =	stream.linear.gather [hbm4b:s14+s3], $0x100, $0x38;
	[tilespmem:$0x1C400] =	vst v63  }
0x3b: {  	s28 =	sand.u32 $0x300, s28;
	s29 =	sadd.s32 s11, s29;
	_ =	swait.ge [sflag:s18], $0x100  }
0x3c: {  	s30 =	simm.s32 $0x0;
	s28 =	sor.u32 s28, s29;
	[sflag:s18] =	ssyncset.done $0x0  }
0x3d: {  	s29 =	sand.u32 $0x100, s30;
	s28 =	sshrl.u32 s28, $0x3;
	[sflag:s18] =	ssyncadd.s32 $0xFFFFFF00  }
0x3e: {  	[tilespmem:s17], [sflag:$0x2] =	stream.indirect.gather [hbm4b:s4+s20], $0x80, s3, s20, $0xb8;
	[tilespmem:$0x1C400] =	vst v63  }
0x3f: {  	s30 =	sxor.u32 $0x100, s29;
	s31 =	sadd.s32 s5, s28  }
0x40: {  	[tilespmem:s30], [sflag:$0x1] =	stream.linear.gather [hbm4b:s31+s3], $0x100, $0x38;
	[tilespmem:$0x1C400] =	vst v63  }
0x41: {  	s25 =	sxor.u32 $0x300, s29;
	s28 =	sadd.s32 s6, s28  }
0x42: {  	[tilespmem:s25], [sflag:$0x1] =	stream.linear.gather [hbm4b:s28+s3], $0x100, $0x38;
	[tilespmem:$0x1C400] =	vst v63  }
0x43: {  	s28 =	sor.u32 $0x80, s29  }
0x44: {  	[tilespmem:s21], [sflag:$0x3] =	stream.indirect.gather [hbm4b:s4+s20], $0x80, s28, s20, $0xb8;
	[tilespmem:$0x1C400] =	vst v63  }
0x45: {  	_ =	swait.ge [sflag:s22], $0x4000  }
0x46: {  	[sflag:s22] =	ssyncset.done $0x0  }
0x47: {  	s28 =	sor.u32 $0x200, s29;
	[sflag:s22] =	ssyncadd.s32 $0xFFFFC000  }
0x48: {  	[spmem:s2] =	stream.indirect.scatter.add.f32 [tilespmem:s17], [sflag:$0x4], $0x80, s28, s20, $0xb8;
	[tilespmem:$0x1C400] =	vst v63  }
0x49: {  	_ =	swait.ge [sflag:s18], $0x4000  }
0x4a: {  	[sflag:s18] =	ssyncset.done $0x0  }
0x4b: {  	[sflag:s18] =	ssyncadd.s32 $0xFFFFC000  }
0x4c: {  	_ =	swait.ge [sflag:s23], $0x100  }
0x4d: {  	[sflag:s23] =	ssyncset.done $0x0  }
0x4e: {  	[sflag:s23] =	ssyncadd.s32 $0xFFFFFF00  }
0x4f: {  	_ =	swait.ge [sflag:s23], $0x100  }
0x50: {  	[sflag:s23] =	ssyncset.done $0x0  }
0x51: {  	[sflag:s23] =	ssyncadd.s32 $0xFFFFFF00  }
0x52: {  	[tilespmem:s17], [sflag:$0x2] =	stream.indirect.gather [hbm4b:s4+s20], $0x80, s30, s20, $0xb8;
	[tilespmem:$0x1C400] =	vst v63  }
0x53: {  	s30 =	simm.s32 $0x200;
	_ =	swait.ge [sflag:s24], $0x4000  }
0x54: {  	s28 =	sor.u32 $0x280, s29;
	s29 =	sand.u32 $0x7C00, s30;
	[sflag:s24] =	ssyncset.done $0x0  }
0x55: {  	s30 =	sand.u32 $0x300, s30;
	s29 =	sadd.s32 s11, s29;
	[sflag:s24] =	ssyncadd.s32 $0xFFFFC000  }
0x56: {  	[spmem:s2] =	stream.indirect.scatter.add.f32 [tilespmem:s21], [sflag:$0x4], $0x80, s28, s20, $0xb8;
	[tilespmem:$0x1C400] =	vst v63  }
0x57: {  	s29 =	sor.u32 s30, s29;
	_ =	swait.ge [sflag:s18], $0x4000  }
0x58: {  	s30 =	simm.s32 $0x100;
	s28 =	simm.s32 $0x300;
	[sflag:s18] =	ssyncset.done $0x0  }
.LBB2_4:
0x59: {  	s30 =	sand.u32 $0x100, s30  }
0x5a: {  	s29 =	sshrl.u32 s29, $0x3;
	[sflag:s18] =	ssyncadd.s32 $0xFFFFC000;
	s31 =	smov.u32 s28  }
0x5b: {  	s0 =	sadd.s32 $0x100, s28;
	s1 =	sxor.u32 $0x100, s30;
	s25 =	sadd.s32 s5, s29  }
0x5c: {  	[tilespmem:s1], [sflag:$0x1] =	stream.linear.gather [hbm4b:s25+s3], $0x100, $0x38;
	[tilespmem:$0x1C400] =	vst v63  }
0x5d: {  	p0 =	sne.s32 s28, $0x2800;
	s28 =	sadd.s32 s6, s29;
	s25 =	sxor.u32 $0x300, s30  }
0x5e: {  	[tilespmem:s25], [sflag:$0x1] =	stream.linear.gather [hbm4b:s28+s3], $0x100, $0x38;
	[tilespmem:$0x1C400] =	vst v63  }
0x5f: {  	s25 =	sor.u32 $0x80, s30  }
0x60: {  	[tilespmem:s21], [sflag:$0x3] =	stream.indirect.gather [hbm4b:s4+s20], $0x80, s25, s20, $0xb8;
	[tilespmem:$0x1C400] =	vst v63  }
0x61: {  	_ =	swait.ge [sflag:s22], $0x4000  }
0x62: {  	[sflag:s22] =	ssyncset.done $0x0  }
0x63: {  	s25 =	sor.u32 $0x200, s30;
	[sflag:s22] =	ssyncadd.s32 $0xFFFFC000  }
0x64: {  	[spmem:s2] =	stream.indirect.scatter.add.f32 [tilespmem:s17], [sflag:$0x4], $0x80, s25, s20, $0xb8;
	[tilespmem:$0x1C400] =	vst v63  }
0x65: {  	_ =	swait.ge [sflag:s18], $0x4000  }
0x66: {  	[sflag:s18] =	ssyncset.done $0x0  }
0x67: {  	[sflag:s18] =	ssyncadd.s32 $0xFFFFC000  }
0x68: {  	_ =	swait.ge [sflag:s23], $0x100  }
0x69: {  	[sflag:s23] =	ssyncset.done $0x0  }
0x6a: {  	[sflag:s23] =	ssyncadd.s32 $0xFFFFFF00  }
0x6b: {  	_ =	swait.ge [sflag:s23], $0x100  }
0x6c: {  	[sflag:s23] =	ssyncset.done $0x0  }
0x6d: {  	[sflag:s23] =	ssyncadd.s32 $0xFFFFFF00  }
0x6e: {  	[tilespmem:s17], [sflag:$0x2] =	stream.indirect.gather [hbm4b:s4+s20], $0x80, s1, s20, $0xb8;
	[tilespmem:$0x1C400] =	vst v63  }
0x6f: {  	_ =	swait.ge [sflag:s24], $0x4000  }
.Ltmp1:
0x70: {  	s28 =	smov.u32 s0;
	[sflag:s24] =	ssyncset.done $0x0;
	(pc) =	sbr.rel @p0 .LBB2_4-.Ltmp1, $4  }
0x71: {  	s25 =	sor.u32 $0x280, s30;
	s1 =	sand.u32 $0x7C00, s31;
	[sflag:s24] =	ssyncadd.s32 $0xFFFFC000  }
0x72: {  	[spmem:s2] =	stream.indirect.scatter.add.f32 [tilespmem:s21], [sflag:$0x4], $0x80, s25, s20, $0xb8;
	[tilespmem:$0x1C400] =	vst v63  }
0x73: {  	s1 =	sadd.s32 s11, s1;
	s25 =	sand.u32 $0x300, s31;
	_ =	swait.ge [sflag:s18], $0x4000  }
0x74: {  	s30 =	sadd.s32 $0xFFFFFF00, s31;
	s29 =	sor.u32 s25, s1;
	[sflag:s18] =	ssyncset.done $0x0  }
0x75: {  	s0 =	sand.u32 $0x100, s30;
	s1 =	sshrl.u32 s29, $0x3  }
0x76: {  	[sflag:s18] =	ssyncadd.s32 $0xFFFFC000;
	s25 =	sxor.u32 $0x100, s0;
	s28 =	sadd.s32 s5, s1  }
0x77: {  	[tilespmem:s25], [sflag:$0x1] =	stream.linear.gather [hbm4b:s28+s3], $0x100, $0x38;
	[tilespmem:$0x1C400] =	vst v63  }
0x78: {  	s30 =	sxor.u32 $0x300, s0;
	s1 =	sadd.s32 s6, s1  }
0x79: {  	[tilespmem:s30], [sflag:$0x1] =	stream.linear.gather [hbm4b:s1+s3], $0x100, $0x38;
	[tilespmem:$0x1C400] =	vst v63  }
0x7a: {  	s31 =	sor.u32 $0x80, s0  }
0x7b: {  	[tilespmem:s21], [sflag:$0x3] =	stream.indirect.gather [hbm4b:s4+s20], $0x80, s31, s20, $0xb8;
	[tilespmem:$0x1C400] =	vst v63  }
0x7c: {  	_ =	swait.ge [sflag:s22], $0x4000  }
0x7d: {  	[sflag:s22] =	ssyncset.done $0x0  }
0x7e: {  	s28 =	sor.u32 $0x200, s0;
	[sflag:s22] =	ssyncadd.s32 $0xFFFFC000  }
0x7f: {  	[spmem:s2] =	stream.indirect.scatter.add.f32 [tilespmem:s17], [sflag:$0x4], $0x80, s28, s20, $0xb8;
	[tilespmem:$0x1C400] =	vst v63  }
0x80: {  	_ =	swait.ge [sflag:s18], $0x4000  }
0x81: {  	[sflag:s18] =	ssyncset.done $0x0  }
0x82: {  	[sflag:s18] =	ssyncadd.s32 $0xFFFFC000  }
0x83: {  	_ =	swait.ge [sflag:s23], $0x100  }
0x84: {  	[sflag:s23] =	ssyncset.done $0x0  }
0x85: {  	[sflag:s23] =	ssyncadd.s32 $0xFFFFFF00  }
0x86: {  	_ =	swait.ge [sflag:s23], $0x100  }
0x87: {  	[sflag:s23] =	ssyncset.done $0x0  }
0x88: {  	[sflag:s23] =	ssyncadd.s32 $0xFFFFFF00  }
0x89: {  	[tilespmem:s17], [sflag:$0x2] =	stream.indirect.gather [hbm4b:s4+s20], $0x80, s25, s20, $0xb8;
	[tilespmem:$0x1C400] =	vst v63  }
0x8a: {  	_ =	swait.ge [sflag:s24], $0x4000  }
0x8b: {  	[sflag:s24] =	ssyncset.done $0x0  }
0x8c: {  	s0 =	sor.u32 $0x280, s0;
	[sflag:s24] =	ssyncadd.s32 $0xFFFFC000  }
0x8d: {  	[spmem:s2] =	stream.indirect.scatter.add.f32 [tilespmem:s21], [sflag:$0x4], $0x80, s0, s20, $0xb8;
	[tilespmem:$0x1C400] =	vst v63  }
0x8e: {  	_ =	swait.ge [sflag:s18], $0x4000  }
0x8f: {  	[sflag:s18] =	ssyncset.done $0x0  }
0x90: {  	[sflag:s18] =	ssyncadd.s32 $0xFFFFC000  }
0x91: {  	[tilespmem:s21], [sflag:$0x3] =	stream.indirect.gather [hbm4b:s4+s20], $0x80, s20, s20, $0xb8;
	[tilespmem:$0x1C400] =	vst v63  }
0x92: {  	_ =	swait.ge [sflag:s22], $0x4000  }
0x93: {  	[sflag:s22] =	ssyncset.done $0x0  }
0x94: {  	[sflag:s22] =	ssyncadd.s32 $0xFFFFC000  }
0x95: {  	[spmem:s2] =	stream.indirect.scatter.add.f32 [tilespmem:s17], [sflag:$0x4], $0x80, s19, s20, $0xb8;
	[tilespmem:$0x1C400] =	vst v63  }
0x96: {  	_ =	swait.ge [sflag:s18], $0x4000  }
0x97: {  	[sflag:s18] =	ssyncset.done $0x0  }
0x98: {  	[sflag:s18] =	ssyncadd.s32 $0xFFFFC000  }
0x99: {  	_ =	swait.ge [sflag:s24], $0x4000  }
0x9a: {  	[sflag:s24] =	ssyncset.done $0x0  }
0x9b: {  	s29 =	simm.s32 $0x280;
	[sflag:s24] =	ssyncadd.s32 $0xFFFFC000  }
0x9c: {  	[spmem:s2] =	stream.indirect.scatter.add.f32 [tilespmem:s21], [sflag:$0x4], $0x80, s29, s20, $0xb8;
	[tilespmem:$0x1C400] =	vst v63  }
0x9d: {  	_ =	swait.ge [sflag:s18], $0x4000  }
0x9e: {  	[sflag:s18] =	ssyncset.done $0x0  }
0x9f: {  	[sflag:s18] =	ssyncadd.s32 $0xFFFFC000  }
0xa0: {  	[tilespmem:s17], [sflag:$0x4] =	stream.linear.gather [spmem:s7], $0x4000, $0x38;
	[tilespmem:$0x1C400] =	vst v63  }
0xa1: {  	s26 =	sadd.s32 $0x1, s26;
	_ =	swait.ge [sflag:s18], $0x4000  }
0xa2: {  	p0 =	sne.s32 s26, s15;
	s30 =	stileid.u32;
	[sflag:s18] =	ssyncset.done $0x0  }
0xa3: {  	s31 =	sshrl.u32 s7, $0x3;
	s0 =	sshll.u32 s30, $0x6;
	[sflag:s18] =	ssyncadd.s32 $0xFFFFC000  }
.Ltmp2:
0xa4: {  	s0 =	sor.u32 $0x1C04, s0;
	[bflag:$0x0] =	sbarrier.arrive $0xFFFF;
	(pc) =	sbr.rel @p0 .LBB2_1-.Ltmp2, $4  }
0xa5: {  	[hbm:s16], [sflag:s0] =	dma.local [spmem:s31], $0x2800  }
0xa6: {  	_ =	swait.ge [sflag:s18], $0x2800  }
0xa7: {  	[sflag:s18] =	ssyncset.done $0x0  }
0xa8: {  	[sflag:s18] =	ssyncadd.s32 $0xFFFFD800  }
0xa9: {  	_ =	sfence.sel $0x180000  }
0xaa: {  	[bflag:$0x0] =	sbarrier.arrive $0xFFFF  }
0xab: {  	_ =	strace $0x9000004A  }
0xac: {  	s0 =	stileid.u32;
	[bflag:$0x2] =	sbarrier.arrive $0xFFFF  }
0xad: {  	p0 =	sne.s32 s0, $0x0;
	s0 =	rddreg [dreg:$0x2]  }
0xae: {  	s0 =	sadd.s32 @!p0 $0x100000, s0  }
0xaf: {  	[sflag:s0] =	ssyncadd.tile.s32 @!p0 $0x1;
	_ =	shalt  }
.Lfunc_end2:
_tile_overlayer_lowered:
.L_overlay_start_2:
0xb0: {  	(tag) =	ssettag $0x2  }
0xb1: {  	s0 =	rddreg [dreg:$0x0];
	s2 =	stileid.u32  }
0xb2: {  	s1 =	rddreg [dreg:$0x1];
	p0 =	sne.s32 s2, $0x0  }
0xb3: {  	s3 =	rddreg [dreg:$0x2];
	[bflag:$0x3] =	sbarrier.arrive $0xFFFF;
	s2 =	simm.s32 @!p0 $0x1C04  }
0xb4: {  	[timem:s3], [sflag:s2] =	dma.local @!p0 [hbm:s0], s1  }
0xb5: {  	s0 =	simm.s32 @!p0 $0x4  }
0xb6: {  	_ =	swait.ge @!p0 [sflag:s0], s1  }
0xb7: {  	s1 =	ssub.s32 @!p0 $0x0, s1;
	[sflag:s0] =	ssyncset.done @!p0 $0x0  }
0xb8: {  	[sflag:s0] =	ssyncadd.s32 @!p0 s1  }
0xb9: {  	[bflag:$0x3] =	sbarrier.arrive $0xFFFF  }
0xba: {  	_ =	shalt  }

// kernel: kernel.14.cloned.1.call-start
scs
__scs_entry_jumppad:
0x0: {  	(pc) =	sbr.rel $0x88, $3  }
0x1: {  	(tag) =	ssettag $0x0;
	lr =	simm.s32 $0x1  }
0x2: {  	[smem:$0x3F9A] =	sst lr;
	_ =	strace $0xD0000000  }
0x3: {  	_ = 	snop  }
0x4: {  	_ = 	snop  }
0x5: {  	_ = 	snop  }
0x6: {  	_ = 	snop  }
0x7: {  	_ = 	snop  }
__scs_overlays_trampoline_lowered:
0x8: {  	[smem:$0x3FA9] =	sst s0  }
0x9: {  	[smem:$0x3FAA] =	sst s1  }
0xa: {  	[smem:$0x3FAB] =	sst s2  }
0xb: {  	[smem:$0x3FAC] =	sst s3  }
0xc: {  	[smem:$0x3FAD] =	sst s4  }
0xd: {  	[smem:$0x3FAE] =	sst s5  }
0xe: {  	[smem:$0x3FAF] =	sst s6  }
0xf: {  	[smem:$0x3FB0] =	sst s7  }
0x10: {  	[smem:$0x3FB1] =	sst s8  }
0x11: {  	[smem:$0x3FB2] =	sst s9;
	s0 =	simm.s32 @!p0 $0x0  }
0x12: {  	s1 =	sld [smem:$0x3F98];
	s0 =	simm.s32 @p0 $0x1  }
0x13: {  	[smem:$0x3FB3] =	sst s0;
	s0 =	simm.s32 @!p1 $0x0  }
0x14: {  	s2 =	sld [smem:$0x3F97];
	s0 =	simm.s32 @p1 $0x1  }
0x15: {  	[smem:$0x3FB4] =	sst s0;
	s0 =	simm.s32 @!p2 $0x0  }
0x16: {  	s3 =	sld [smem:$0x3FDB];
	s0 =	simm.s32 @p2 $0x1  }
0x17: {  	s4 =	simm.s32 $0x1BF5;
	[smem:$0x3FB6] =	sst s0  }
0x18: {  	s0 =	sld [smem:$0x3F99];
	_ =	swait.ge [sflag:s4], $0x0  }
0x19: {  	s7 =	sld [smem:$0x3F9A]  }
0x1a: {  	s8 =	sadd.s32 $0xFFFFE003, lr  }
0x1b: {  	s9 =	sadd.s32 $0xFFFFFEF7, lr;
	s5 =	simm.s32 $0xFFFFFFFF;
	p2 =	slt.u32 s8, $0xFFFFF086  }
0x1c: {  	p1 =	slt.u32 s9, $0xF7A;
	s5 =	simm.s32 @!p2 $0x0  }
0x1d: {  	s5 =	simm.s32 @p1 $0x1;
	p0 =	seq.s32 s7, s2  }
0x1e: {  	s7 =	smul.u32 @!p0 $0xF7A, s2;
	p2 =	seq.s32 @!p0 s5, $0x0  }
0x1f: {  	s9 =	smul.u32 $0xF7A, s1;
	s8 =	simm.s32 @!p0 $0x1BF5;
	p2 =	por !p2, p0  }
0x20: {  	[sflag:s8] =	ssyncset.s32 @!p0 $0xFFFFF086;
	s6 =	sadd.s32 @!p0 s3, s7;
	s7 =	simm.s32 @!p0 $0x108  }
0x21: {  	s3 =	sadd.s32 s3, s9;
	s6 =	sadd.s32 @!p0 $0x88, s6;
	s7 =	simm.s32 @p2 $0x1082  }
0x22: {  	[simem:s7], [sflag:s8] =	dma.local @!p0 [hbm:s6], $0xF7A  }
0x23: {  	s9 =	sor.u32 $0xD0000000, s2;
	s6 =	simm.s32 $0x108;
	_ =	swait.ge @!p0 [sflag:s8], $0x0  }
0x24: {  	s3 =	sadd.s32 $0x88, s3;
	s6 =	simm.s32 @!p1 $0x1082;
	[sflag:s4] =	ssyncset.s32 $0xFFFFF086  }
0x25: {  	[simem:s6], [sflag:s4] =	dma.local [hbm:s3], $0xF7A  }
0x26: {  	[smem:$0x3F9A] =	sst s1;
	(tag) =	ssettag s2;
	_ =	strace s9  }
0x27: {  	s1 =	sld [smem:$0x3FAA]  }
0x28: {  	s2 =	sld [smem:$0x3FAB]  }
0x29: {  	s4 =	sld [smem:$0x3FAD]  }
0x2a: {  	p0 =	seq.s32 s5, $0x0;
	s5 =	sld [smem:$0x3FAE]  }
0x2b: {  	s6 =	sld [smem:$0x3FAF]  }
0x2c: {  	s7 =	sld [smem:$0x3FB0]  }
0x2d: {  	s3 =	simm.s32 $0x108;
	s8 =	sld [smem:$0x3FB1]  }
0x2e: {  	s3 =	simm.s32 @!p0 $0x1082;
	s9 =	sld [smem:$0x3FB2]  }
0x2f: {  	lr =	sadd.s32 s0, s3;
	s0 =	sld [smem:$0x3FA9]  }
0x30: {  	s3 =	sld [smem:$0x3FAC]  }
0x31: {  	[smem:$0x3FB5] =	sst s10  }
0x32: {  	s10 =	sld [smem:$0x3FB3];
	_ =	sdelay $0x3  }
0x33: {  	p0 =	seq.s32 s10, $0x1;
	s10 =	sld [smem:$0x3FB5];
	_ =	sdelay $0x3  }
0x34: {  	[smem:$0x3FB5] =	sst s10  }
0x35: {  	s10 =	sld [smem:$0x3FB4];
	_ =	sdelay $0x3  }
0x36: {  	p1 =	seq.s32 s10, $0x1;
	s10 =	sld [smem:$0x3FB5];
	_ =	sdelay $0x3  }
0x37: {  	[smem:$0x3FB5] =	sst s10  }
0x38: {  	s10 =	sld [smem:$0x3FB6]  }
0x39: {  	_ = 	snop;
	(pc) =	sbr.ind lr, $3  }
0x3a: {  	_ = 	snop  }
0x3b: {  	_ = 	snop  }
0x3c: {  	p2 =	seq.s32 s10, $0x1;
	s10 =	sld [smem:$0x3FB5]  }
0x3d: {  	_ =	shalt  }
0x3e: {  	_ =	shalt  }
0x3f: {  	_ =	shalt  }
0x40: {  	_ =	shalt  }
0x41: {  	_ =	shalt  }
0x42: {  	_ =	shalt  }
0x43: {  	_ =	shalt  }
0x44: {  	_ =	shalt  }
0x45: {  	_ =	shalt  }
0x46: {  	_ =	shalt  }
0x47: {  	_ =	shalt  }
0x48: {  	_ =	shalt  }
0x49: {  	_ =	shalt  }
0x4a: {  	_ =	shalt  }
0x4b: {  	_ =	shalt  }
0x4c: {  	_ =	shalt  }
0x4d: {  	_ =	shalt  }
0x4e: {  	_ =	shalt  }
0x4f: {  	_ =	shalt  }
0x50: {  	_ =	shalt  }
0x51: {  	_ =	shalt  }
0x52: {  	_ =	shalt  }
0x53: {  	_ =	shalt  }
0x54: {  	_ =	shalt  }
0x55: {  	_ =	shalt  }
0x56: {  	_ =	shalt  }
0x57: {  	_ =	shalt  }
0x58: {  	_ =	shalt  }
0x59: {  	_ =	shalt  }
0x5a: {  	_ =	shalt  }
0x5b: {  	_ =	shalt  }
0x5c: {  	_ =	shalt  }
0x5d: {  	_ =	shalt  }
0x5e: {  	_ =	shalt  }
0x5f: {  	_ =	shalt  }
0x60: {  	_ =	shalt  }
0x61: {  	_ =	shalt  }
0x62: {  	_ =	shalt  }
0x63: {  	_ =	shalt  }
0x64: {  	_ =	shalt  }
0x65: {  	_ =	shalt  }
0x66: {  	_ =	shalt  }
0x67: {  	_ =	shalt  }
0x68: {  	_ =	shalt  }
0x69: {  	_ =	shalt  }
0x6a: {  	_ =	shalt  }
0x6b: {  	_ =	shalt  }
0x6c: {  	_ =	shalt  }
0x6d: {  	_ =	shalt  }
0x6e: {  	_ =	shalt  }
0x6f: {  	_ =	shalt  }
0x70: {  	_ =	shalt  }
0x71: {  	_ =	shalt  }
0x72: {  	_ =	shalt  }
0x73: {  	_ =	shalt  }
0x74: {  	_ =	shalt  }
0x75: {  	_ =	shalt  }
0x76: {  	_ =	shalt  }
0x77: {  	_ =	shalt  }
0x78: {  	_ =	shalt  }
0x79: {  	_ =	shalt  }
0x7a: {  	_ =	shalt  }
0x7b: {  	_ =	shalt  }
0x7c: {  	_ =	shalt  }
0x7d: {  	_ =	shalt  }
0x7e: {  	_ =	shalt  }
0x7f: {  	_ =	shalt  }
0x80: {  	_ =	shalt  }
0x81: {  	_ =	shalt  }
0x82: {  	_ =	shalt  }
0x83: {  	_ =	shalt  }
0x84: {  	_ =	shalt  }
0x85: {  	_ =	shalt  }
0x86: {  	_ =	shalt  }
0x87: {  	_ =	shalt  }
.Lfunc_end0:
.L_simem_size_0:
called_computation.2_lowered:
.L_overlay_start_0:
0x88: {  	s2 =	sld [smem:$0x3FD9]  }
0x89: {  	s3 =	sld [smem:$0x3FFE];
	_ =	sdelay $0x1  }
0x8a: {  	s1 =	srdreg.scid  }
0x8b: {  	s0 =	sand.u32 $0x1, s1  }
0x8c: {  	s16 =	sshll.u32 s0, $0xA;
	s2 =	sadd.s32 s3, s2  }
0x8d: {  	s2 =	sadd.s32 s2, s16  }
0x8e: {  	[smem:$0x3FC1] =	sst s2  }
0x8f: {  	_ = 	snop  }
0x90: {  	(tm) =	ssettm $0x1  }
0x91: {  	s17 =	sld [smem:$0x3FFB];
	_ =	sdelay $0x3  }
0x92: {  	_ =	strace s17  }
0x93: {  	s2 =	sld [smem:$0x3FFC];
	_ =	sdelay $0x3  }
0x94: {  	_ =	strace s2  }
0x95: {  	s2 =	sld [smem:$0x3FFD];
	_ =	sdelay $0x3  }
0x96: {  	_ =	strace s2  }
0x97: {  	_ =	strace $0x8FFFFFFF  }
0x98: {  	s18 =	sld [smem:$0x3FDB];
	_ =	sdelay $0x1  }
0x99: {  	s19 =	simm.s32 $_scs_section_size  }
0x9a: {  	s4 =	simm.s32 $_size__tile_overlayer_lowered;
	s5 =	simm.s32 $_tile_overlayer_lowered  }
0x9b: {  	s22 =	simm.s32 $0x1BFF;
	s21 =	sshll.u32 s5, $0x1;
	s2 =	sadd.s32 s19, s18  }
0x9c: {  	s6 =	simm.s32 $0x0;
	s20 =	sshll.u32 s4, $0x1;
	s4 =	sadd.s32 s21, s2  }
0x9d: {  	[timem:s6], [sflag:s22] =	dma.local [hbm:s4], s20  }
0x9e: {  	_ =	swait.ge [sflag:s22], s20  }
0x9f: {  	s3 =	ssub.s32 $0x0, s20;
	[sflag:s22] =	ssyncset.done $0x0  }
0xa0: {  	[sflag:s22] =	ssyncadd.s32 s3;
	_ =	sdelay $0x1  }
0xa1: {  	s23 =	simm.s32 $0x1B8B  }
0xa2: {  	_ =	swait.ge [sflag:s23], $0x1  }
0xa3: {  	[sflag:s23] =	ssyncset.done $0x0  }
0xa4: {  	s25 =	simm.s32 $0x1B8E;
	s24 =	sld [smem:$0x3FFE];
	[sflag:s23] =	ssyncadd.s32 $0xFFFFFFFF  }
0xa5: {  	s26 =	simm.s32 $execute0_lowered;
	[smem:$0x3FD2] =	sst s25  }
0xa6: {  	s4 =	sshll.u32 s26, $0x1;
	_ =	strace $0x8000004C;
	[dreg:$0x1] =	wrdreg $0xFFFFFFFF  }
0xa7: {  	s28 =	simm.s32 $_size_execute0_lowered;
	s2 =	sadd.s32 s2, s4;
	[dreg:$0x0] =	wrdreg $0x0  }
0xa8: {  	s4 =	sshll.u32 s28, $0x1;
	[dreg:$0x2] =	wrdreg s2  }
0xa9: {  	[dreg:$0x3] =	wrdreg s4  }
0xaa: {  	[dreg:$0x4] =	wrdreg $0xC0  }
0xab: {  	_ =	task [dreg:s6], $0x5FFFF  }
0xac: {  	[dreg:$0x1] =	wrdreg $0xFFFFFFFF  }
0xad: {  	[dreg:$0x0] =	wrdreg $0x60  }
0xae: {  	[dreg:$0x2] =	wrdreg s24  }
0xaf: {  	[dreg:$0x3] =	wrdreg $0x59000  }
0xb0: {  	[dreg:$0x4] =	wrdreg $0x5B800  }
0xb1: {  	[dreg:$0x5] =	wrdreg $0x9  }
0xb2: {  	_ =	task.clear_ibuf [dreg:s6], $0x6FFFF;
	_ =	strace $0x9000004C  }
0xb3: {  	s29 =	simm.s32 $0x9;
	_ =	strace $0x8000004E  }
0xb4: {  	_ =	swait.ge [sflag:s29], $0x1  }
0xb5: {  	[sflag:s29] =	ssyncadd.s32 $0xFFFFFFFF  }
0xb6: {  	_ =	strace $0x9000004E  }
0xb7: {  	_ =	sfence  }
0xb8: {  	s30 =	sld [smem:$0x0];
	_ =	sdelay $0x2  }
0xb9: {  	s31 =	sshll.u32 s1, $0xD;
	s1 =	sshrl.u32 s1, $0x2  }
0xba: {  	s3 =	sand.u32 $0x4000, s31;
	s1 =	sadd.s32 s1, s30  }
0xbb: {  	s0 =	sor.u32 s3, s0;
	s1 =	sshll.u32 s1, $0x11  }
0xbc: {  	s0 =	sor.u32 s1, s0  }
0xbd: {  	s0 =	sadd.s32 $0x8F2B, s0  }
0xbe: {  	[sflag:s0] =	ssyncadd.remote.s32 $0x1  }
0xbf: {  	_ =	sfence.sel $0xFFFF  }
0xc0: {  	[dreg:$0x0] =	wrdreg $0xFFFFFFFF;
	(pc) =	sbr.abs _section_cstart, $3  }
0xc1: {  	[dreg:$0x1] =	wrdreg $0xFFFFFFFF  }
0xc2: {  	_ =	task.clear_ibuf [dreg:s6], $0x2FFFF;
	_ =	strace $0x9FFFFFFF  }
0xc3: {  	(tm) =	ssettm $0x7FFFFFFF  }
tec
execute0_lowered:
.L_overlay_start_1:
0x0: {  	(tag) =	ssettag $0x1  }
0x1: {  	s13 =	rddreg [dreg:$0x0]  }
0x2: {  	s0 =	srdreg.scid;
	s1 =	rddreg [dreg:$0x1]  }
0x3: {  	s2 =	stileid.u32;
	s3 =	rddreg [dreg:$0x2];
	s4 =	simm.s32 $0x0  }
0x4: {  	s16 =	simm.s32 $0x3800;
	s18 =	simm.s32 $0x2C00;
	s19 =	simm.s32 $0x80  }
0x5: {  	s20 =	simm.s32 $0x5880;
	s21 =	simm.s32 $0x1;
	s22 =	simm.s32 $0x2  }
0x6: {  	s23 =	simm.s32 $0x2880;
	s24 =	simm.s32 $0x5400;
	s25 =	simm.s32 $0x5480  }
0x7: {  	s26 =	simm.s32 $0x0;
	s10 =	sand.u32 $0x1, s0;
	[smem:$0x7FF] =	sst s4  }
0x8: {  	s14 =	smul.u32 $0x280, s2;
	s0 =	sshll.u32 s10, $0x4;
	_ =	strace $0x8000004D  }
0x9: {  	s7 =	ssub.s32 $0x2, s10;
	p0 =	seq.s32 s10, $0x1;
	s5 =	sor.u32 s2, s0  }
0xa: {  	s8 =	sshrl.u32 s7, $0x1;
	s16 =	simm.s32 @!p0 $0x3200;
	s6 =	smul.u32 $0x580, s5  }
0xb: {  	p0 =	sne.s32 s2, $0x0;
	s5 =	sadd.s32 $0x2C00, s13;
	s15 =	ssub.s32 s7, s8  }
0xc: {  	s16 =	sadd.s32 s16, s13;
	s17 =	sshrl.u32 @!p0 s3, $0x3;
	s12 =	sadd.s32 s6, s13  }
0xd: {  	s6 =	sadd.s32 s14, s1;
	s14 =	sshrl.u32 s14, $0x3;
	s13 =	smax.u32 s15, $0x1  }
0xe: {  	s15 =	simm.s32 $0x5800;
	s7 =	sadd.s32 $0x80, s6;
	s8 =	sadd.s32 $0x100, s6  }
0xf: {  	s9 =	sadd.s32 $0x180, s6;
	s10 =	sadd.s32 $0x200, s6;
	s11 =	sadd.s32 $0xD600, s12  }
0x10: {  	v0 =	vimm.f32 $0.0e+00;
	s12 =	sadd.s32 $0x18600, s12;
	s14 =	sadd.s32 s16, s14;
	s16 =	simm.s32 $0x3  }
.LBB2_1:
0x11: {  	[tilespmem:$0x5800] =	vst v0  }
0x12: {  	[tilespmem:$0x5810] =	vst v0  }
0x13: {  	[tilespmem:$0x5820] =	vst v0  }
0x14: {  	[tilespmem:$0x5830] =	vst v0  }
0x15: {  	[tilespmem:$0x5840] =	vst v0  }
0x16: {  	[tilespmem:$0x5850] =	vst v0  }
0x17: {  	[tilespmem:$0x5860] =	vst v0  }
0x18: {  	[tilespmem:$0x5870] =	vst v0  }
0x19: {  	[spmem:s6] =	stream.linear.scatter [tilespmem:s15], [sflag:$0x3], $0x80, $0x38;
	[tilespmem:$0x5E00] =	vst v63  }
0x1a: {  	_ =	swait.ge [sflag:s16], $0x80  }
0x1b: {  	[sflag:s16] =	ssyncset.done $0x0  }
0x1c: {  	[sflag:s16] =	ssyncadd.s32 $0xFFFFFF80  }
0x1d: {  	[spmem:s7] =	stream.linear.scatter [tilespmem:s15], [sflag:$0x3], $0x80, $0x38;
	[tilespmem:$0x5E00] =	vst v63  }
0x1e: {  	_ =	swait.ge [sflag:s16], $0x80  }
0x1f: {  	[sflag:s16] =	ssyncset.done $0x0  }
0x20: {  	[sflag:s16] =	ssyncadd.s32 $0xFFFFFF80  }
0x21: {  	[spmem:s8] =	stream.linear.scatter [tilespmem:s15], [sflag:$0x3], $0x80, $0x38;
	[tilespmem:$0x5E00] =	vst v63  }
0x22: {  	_ =	swait.ge [sflag:s16], $0x80  }
0x23: {  	[sflag:s16] =	ssyncset.done $0x0  }
0x24: {  	[sflag:s16] =	ssyncadd.s32 $0xFFFFFF80  }
0x25: {  	[spmem:s9] =	stream.linear.scatter [tilespmem:s15], [sflag:$0x3], $0x80, $0x38;
	[tilespmem:$0x5E00] =	vst v63  }
0x26: {  	_ =	swait.ge [sflag:s16], $0x80  }
0x27: {  	[sflag:s16] =	ssyncset.done $0x0  }
0x28: {  	[sflag:s16] =	ssyncadd.s32 $0xFFFFFF80  }
0x29: {  	[spmem:s10] =	stream.linear.scatter [tilespmem:s15], [sflag:$0x3], $0x80, $0x38;
	[tilespmem:$0x5E00] =	vst v63  }
0x2a: {  	_ =	swait.ge [sflag:s16], $0x80  }
0x2b: {  	[sflag:s16] =	ssyncset.done $0x0  }
0x2c: {  	s28 =	simm.s32 @!p0 $0x1C03;
	[sflag:s16] =	ssyncadd.s32 $0xFFFFFF80  }
0x2d: {  	[spmem:s17], [sflag:s28] =	dma.local @!p0 [hbm:s5], $0x500  }
0x2e: {  	s28 =	simm.s32 @!p0 $0x3  }
0x2f: {  	_ =	swait.ge @!p0 [sflag:s28], $0x500  }
0x30: {  	[sflag:s28] =	ssyncset.done @!p0 $0x0  }
0x31: {  	[sflag:s28] =	ssyncadd.s32 @!p0 $0xFFFFFB00  }
0x32: {  	[bflag:$0x0] =	sbarrier.arrive $0xFFFF  }
0x33: {  	[tilespmem:s4], [sflag:$0x3] =	stream.linear.gather [hbm4b:s11+s4], $0x2900, $0x38;
	[tilespmem:$0x5E00] =	vst v63  }
0x34: {  	_ =	swait.ge [sflag:s16], $0x2900  }
0x35: {  	[sflag:s16] =	ssyncset.done $0x0  }
0x36: {  	[sflag:s16] =	ssyncadd.s32 $0xFFFFD700  }
0x37: {  	[tilespmem:s18], [sflag:$0x3] =	stream.linear.gather [hbm4b:s12+s4], $0x2900, $0x38;
	[tilespmem:$0x5E00] =	vst v63  }
0x38: {  	_ =	swait.ge [sflag:s16], $0x2900  }
0x39: {  	[sflag:s16] =	ssyncset.done $0x0  }
0x3a: {  	[sflag:s16] =	ssyncadd.s32 $0xFFFFD700  }
0x3b: {  	[tilespmem:s15], [sflag:$0x1] =	stream.indirect.gather [spmem:s3], $0x1, s4, s19, $0xb8;
	[tilespmem:$0x5E00] =	vst v63  }
0x3c: {  	s28 =	simm.s32 $0x80  }
0x3d: {  	[tilespmem:s20], [sflag:$0x2] =	stream.indirect.gather [spmem:s3], $0x1, s28, s19, $0xb8;
	[tilespmem:$0x5E00] =	vst v63  }
0x3e: {  	_ =	swait.ge [sflag:s21], $0x80  }
0x3f: {  	[sflag:s21] =	ssyncset.done $0x0  }
0x40: {  	s28 =	simm.s32 $0x2C00;
	[sflag:s21] =	ssyncadd.s32 $0xFFFFFF80  }
0x41: {  	[spmem:s1] =	stream.indirect.scatter.add.f32 [tilespmem:s15], [sflag:$0x3], $0x1, s28, s19, $0xb8;
	[tilespmem:$0x5E00] =	vst v63  }
0x42: {  	_ =	swait.ge [sflag:s16], $0x80  }
0x43: {  	[sflag:s16] =	ssyncset.done $0x0  }
0x44: {  	s28 =	simm.s32 $0x100;
	[sflag:s16] =	ssyncadd.s32 $0xFFFFFF80  }
0x45: {  	[tilespmem:s15], [sflag:$0x1] =	stream.indirect.gather [spmem:s3], $0x1, s28, s19, $0xb8;
	[tilespmem:$0x5E00] =	vst v63  }
0x46: {  	_ =	swait.ge [sflag:s22], $0x80  }
0x47: {  	[sflag:s22] =	ssyncset.done $0x0  }
0x48: {  	s28 =	simm.s32 $0x2C80;
	[sflag:s22] =	ssyncadd.s32 $0xFFFFFF80  }
0x49: {  	[spmem:s1] =	stream.indirect.scatter.add.f32 [tilespmem:s20], [sflag:$0x3], $0x1, s28, s19, $0xb8;
	[tilespmem:$0x5E00] =	vst v63  }
0x4a: {  	_ =	swait.ge [sflag:s16], $0x80  }
0x4b: {  	s29 =	simm.s32 $0x800;
	s28 =	simm.s32 $0x100;
	[sflag:s16] =	ssyncset.done $0x0  }
.LBB2_2:
0x4c: {  	s30 =	sadd.s32 $0x80, s28  }
0x4d: {  	[sflag:s16] =	ssyncadd.s32 $0xFFFFFF80;
	s31 =	smov.u32 s29;
	s0 =	sadd.s32 $0x400, s29  }
0x4e: {  	[tilespmem:s20], [sflag:$0x2] =	stream.indirect.gather [spmem:s3], $0x1, s30, s19, $0xb8;
	[tilespmem:$0x5E00] =	vst v63  }
0x4f: {  	p1 =	sne.s32 s29, $0x9C00;
	_ =	swait.ge [sflag:s21], $0x80  }
0x50: {  	[sflag:s21] =	ssyncset.done $0x0  }
0x51: {  	s29 =	sadd.s32 $0x2C00, s28;
	[sflag:s21] =	ssyncadd.s32 $0xFFFFFF80  }
0x52: {  	[spmem:s1] =	stream.indirect.scatter.add.f32 [tilespmem:s15], [sflag:$0x3], $0x1, s29, s19, $0xb8;
	[tilespmem:$0x5E00] =	vst v63  }
0x53: {  	_ =	swait.ge [sflag:s16], $0x80  }
0x54: {  	[sflag:s16] =	ssyncset.done $0x0  }
0x55: {  	s29 =	sadd.s32 $0x100, s28;
	[sflag:s16] =	ssyncadd.s32 $0xFFFFFF80  }
0x56: {  	[tilespmem:s15], [sflag:$0x1] =	stream.indirect.gather [spmem:s3], $0x1, s29, s19, $0xb8;
	[tilespmem:$0x5E00] =	vst v63  }
0x57: {  	_ =	swait.ge [sflag:s22], $0x80  }
.Ltmp0:
0x58: {  	[sflag:s22] =	ssyncset.done $0x0;
	(pc) =	sbr.rel @p1 .LBB2_2-.Ltmp0, $4  }
0x59: {  	s28 =	sadd.s32 $0x2C80, s28;
	[sflag:s22] =	ssyncadd.s32 $0xFFFFFF80  }
0x5a: {  	[spmem:s1] =	stream.indirect.scatter.add.f32 [tilespmem:s20], [sflag:$0x3], $0x1, s28, s19, $0xb8;
	[tilespmem:$0x5E00] =	vst v63  }
0x5b: {  	_ =	swait.ge [sflag:s16], $0x80  }
0x5c: {  	s29 =	smov.u32 s0;
	s28 =	sshra.s32 s31, $0x2;
	[sflag:s16] =	ssyncset.done $0x0  }
0x5d: {  	s0 =	sadd.s32 $0x80, s28;
	[sflag:s16] =	ssyncadd.s32 $0xFFFFFF80  }
0x5e: {  	[tilespmem:s20], [sflag:$0x2] =	stream.indirect.gather [spmem:s3], $0x1, s0, s19, $0xb8;
	[tilespmem:$0x5E00] =	vst v63  }
0x5f: {  	_ =	swait.ge [sflag:s21], $0x80  }
0x60: {  	[sflag:s21] =	ssyncset.done $0x0  }
0x61: {  	s30 =	sadd.s32 $0x2C00, s28;
	[sflag:s21] =	ssyncadd.s32 $0xFFFFFF80  }
0x62: {  	[spmem:s1] =	stream.indirect.scatter.add.f32 [tilespmem:s15], [sflag:$0x3], $0x1, s30, s19, $0xb8;
	[tilespmem:$0x5E00] =	vst v63  }
0x63: {  	_ =	swait.ge [sflag:s16], $0x80  }
0x64: {  	[sflag:s16] =	ssyncset.done $0x0  }
0x65: {  	s31 =	sadd.s32 $0x100, s28;
	[sflag:s16] =	ssyncadd.s32 $0xFFFFFF80  }
0x66: {  	[tilespmem:s15], [sflag:$0x1] =	stream.indirect.gather [spmem:s3], $0x1, s31, s19, $0xb8;
	[tilespmem:$0x5E00] =	vst v63  }
0x67: {  	_ =	swait.ge [sflag:s22], $0x80  }
0x68: {  	[sflag:s22] =	ssyncset.done $0x0  }
0x69: {  	s29 =	sadd.s32 $0x2C80, s28;
	[sflag:s22] =	ssyncadd.s32 $0xFFFFFF80  }
0x6a: {  	[spmem:s1] =	stream.indirect.scatter.add.f32 [tilespmem:s20], [sflag:$0x3], $0x1, s29, s19, $0xb8;
	[tilespmem:$0x5E00] =	vst v63  }
0x6b: {  	_ =	swait.ge [sflag:s16], $0x80  }
0x6c: {  	[sflag:s16] =	ssyncset.done $0x0  }
0x6d: {  	[sflag:s16] =	ssyncadd.s32 $0xFFFFFF80  }
0x6e: {  	[tilespmem:s20], [sflag:$0x2] =	stream.indirect.gather [spmem:s3], $0x1, s23, s19, $0xb8;
	[tilespmem:$0x5E00] =	vst v63  }
0x6f: {  	_ =	swait.ge [sflag:s21], $0x80  }
0x70: {  	[sflag:s21] =	ssyncset.done $0x0  }
0x71: {  	[sflag:s21] =	ssyncadd.s32 $0xFFFFFF80  }
0x72: {  	[spmem:s1] =	stream.indirect.scatter.add.f32 [tilespmem:s15], [sflag:$0x3], $0x1, s24, s19, $0xb8;
	[tilespmem:$0x5E00] =	vst v63  }
0x73: {  	_ =	swait.ge [sflag:s16], $0x80  }
0x74: {  	[sflag:s16] =	ssyncset.done $0x0  }
0x75: {  	[sflag:s16] =	ssyncadd.s32 $0xFFFFFF80  }
0x76: {  	_ =	swait.ge [sflag:s22], $0x80  }
0x77: {  	[sflag:s22] =	ssyncset.done $0x0  }
0x78: {  	[sflag:s22] =	ssyncadd.s32 $0xFFFFFF80  }
0x79: {  	[spmem:s1] =	stream.indirect.scatter.add.f32 [tilespmem:s20], [sflag:$0x3], $0x1, s25, s19, $0xb8;
	[tilespmem:$0x5E00] =	vst v63  }
0x7a: {  	_ =	swait.ge [sflag:s16], $0x80  }
0x7b: {  	[sflag:s16] =	ssyncset.done $0x0  }
0x7c: {  	[sflag:s16] =	ssyncadd.s32 $0xFFFFFF80  }
0x7d: {  	[tilespmem:s15], [sflag:$0x3] =	stream.linear.gather [spmem:s6], $0x80, $0x38;
	[tilespmem:$0x5E00] =	vst v63  }
0x7e: {  	_ =	swait.ge [sflag:s16], $0x80  }
0x7f: {  	s26 =	sadd.s32 $0x1, s26;
	s30 =	sshll.u32 s2, $0x6;
	[sflag:s16] =	ssyncset.done $0x0  }
0x80: {  	p1 =	sne.s32 s26, s13;
	s0 =	sor.u32 $0x1C03, s30;
	[sflag:s16] =	ssyncadd.s32 $0xFFFFFF80  }
.Ltmp1:
0x81: {  	s31 =	sshrl.u32 s6, $0x3;
	[bflag:$0x0] =	sbarrier.arrive $0xFFFF;
	(pc) =	sbr.rel @p1 .LBB2_1-.Ltmp1, $4  }
0x82: {  	[hbm:s14], [sflag:s0] =	dma.local [spmem:s31], $0x50  }
0x83: {  	_ =	swait.ge [sflag:s16], $0x50  }
0x84: {  	[sflag:s16] =	ssyncset.done $0x0  }
0x85: {  	[sflag:s16] =	ssyncadd.s32 $0xFFFFFFB0  }
0x86: {  	_ =	sfence.sel $0x180000  }
0x87: {  	[bflag:$0x0] =	sbarrier.arrive $0xFFFF  }
0x88: {  	_ =	strace $0x9000004D  }
0x89: {  	[bflag:$0x2] =	sbarrier.arrive $0xFFFF  }
0x8a: {  	s0 =	rddreg [dreg:$0x3]  }
0x8b: {  	s0 =	sadd.s32 @!p0 $0x100000, s0  }
0x8c: {  	[sflag:s0] =	ssyncadd.tile.s32 @!p0 $0x1;
	_ =	shalt  }
.Lfunc_end2:
_tile_overlayer_lowered:
.L_overlay_start_2:
0x8d: {  	(tag) =	ssettag $0x2  }
0x8e: {  	s0 =	rddreg [dreg:$0x0];
	s2 =	stileid.u32  }
0x8f: {  	s1 =	rddreg [dreg:$0x1];
	p0 =	sne.s32 s2, $0x0  }
0x90: {  	s3 =	rddreg [dreg:$0x2];
	[bflag:$0x3] =	sbarrier.arrive $0xFFFF;
	s2 =	simm.s32 @!p0 $0x1C03  }
0x91: {  	[timem:s3], [sflag:s2] =	dma.local @!p0 [hbm:s0], s1  }
0x92: {  	s0 =	simm.s32 @!p0 $0x3  }
0x93: {  	_ =	swait.ge @!p0 [sflag:s0], s1  }
0x94: {  	s1 =	ssub.s32 @!p0 $0x0, s1;
	[sflag:s0] =	ssyncset.done @!p0 $0x0  }
0x95: {  	[sflag:s0] =	ssyncadd.s32 @!p0 s1  }
0x96: {  	[bflag:$0x3] =	sbarrier.arrive $0xFFFF  }
0x97: {  	_ =	shalt  }

// kernel: kernel.8.cloned.1.call-start
scs
__scs_entry_jumppad:
0x0: {  	(pc) =	sbr.rel $0x88, $3  }
0x1: {  	(tag) =	ssettag $0x0;
	lr =	simm.s32 $0x1  }
0x2: {  	[smem:$0x3F9A] =	sst lr;
	_ =	strace $0xD0000000  }
0x3: {  	_ = 	snop  }
0x4: {  	_ = 	snop  }
0x5: {  	_ = 	snop  }
0x6: {  	_ = 	snop  }
0x7: {  	_ = 	snop  }
__scs_overlays_trampoline_lowered:
0x8: {  	[smem:$0x3FA9] =	sst s0  }
0x9: {  	[smem:$0x3FAA] =	sst s1  }
0xa: {  	[smem:$0x3FAB] =	sst s2  }
0xb: {  	[smem:$0x3FAC] =	sst s3  }
0xc: {  	[smem:$0x3FAD] =	sst s4  }
0xd: {  	[smem:$0x3FAE] =	sst s5  }
0xe: {  	[smem:$0x3FAF] =	sst s6  }
0xf: {  	[smem:$0x3FB0] =	sst s7  }
0x10: {  	[smem:$0x3FB1] =	sst s8  }
0x11: {  	[smem:$0x3FB2] =	sst s9;
	s0 =	simm.s32 @!p0 $0x0  }
0x12: {  	s1 =	sld [smem:$0x3F98];
	s0 =	simm.s32 @p0 $0x1  }
0x13: {  	[smem:$0x3FB3] =	sst s0;
	s0 =	simm.s32 @!p1 $0x0  }
0x14: {  	s2 =	sld [smem:$0x3F97];
	s0 =	simm.s32 @p1 $0x1  }
0x15: {  	[smem:$0x3FB4] =	sst s0;
	s0 =	simm.s32 @!p2 $0x0  }
0x16: {  	s3 =	sld [smem:$0x3FDB];
	s0 =	simm.s32 @p2 $0x1  }
0x17: {  	s4 =	simm.s32 $0x1BF5;
	[smem:$0x3FB6] =	sst s0  }
0x18: {  	s0 =	sld [smem:$0x3F99];
	_ =	swait.ge [sflag:s4], $0x0  }
0x19: {  	s7 =	sld [smem:$0x3F9A]  }
0x1a: {  	s8 =	sadd.s32 $0xFFFFE003, lr  }
0x1b: {  	s9 =	sadd.s32 $0xFFFFFEF7, lr;
	s5 =	simm.s32 $0xFFFFFFFF;
	p2 =	slt.u32 s8, $0xFFFFF086  }
0x1c: {  	p1 =	slt.u32 s9, $0xF7A;
	s5 =	simm.s32 @!p2 $0x0  }
0x1d: {  	s5 =	simm.s32 @p1 $0x1;
	p0 =	seq.s32 s7, s2  }
0x1e: {  	s7 =	smul.u32 @!p0 $0xF7A, s2;
	p2 =	seq.s32 @!p0 s5, $0x0  }
0x1f: {  	s9 =	smul.u32 $0xF7A, s1;
	s8 =	simm.s32 @!p0 $0x1BF5;
	p2 =	por !p2, p0  }
0x20: {  	[sflag:s8] =	ssyncset.s32 @!p0 $0xFFFFF086;
	s6 =	sadd.s32 @!p0 s3, s7;
	s7 =	simm.s32 @!p0 $0x108  }
0x21: {  	s3 =	sadd.s32 s3, s9;
	s6 =	sadd.s32 @!p0 $0x88, s6;
	s7 =	simm.s32 @p2 $0x1082  }
0x22: {  	[simem:s7], [sflag:s8] =	dma.local @!p0 [hbm:s6], $0xF7A  }
0x23: {  	s9 =	sor.u32 $0xD0000000, s2;
	s6 =	simm.s32 $0x108;
	_ =	swait.ge @!p0 [sflag:s8], $0x0  }
0x24: {  	s3 =	sadd.s32 $0x88, s3;
	s6 =	simm.s32 @!p1 $0x1082;
	[sflag:s4] =	ssyncset.s32 $0xFFFFF086  }
0x25: {  	[simem:s6], [sflag:s4] =	dma.local [hbm:s3], $0xF7A  }
0x26: {  	[smem:$0x3F9A] =	sst s1;
	(tag) =	ssettag s2;
	_ =	strace s9  }
0x27: {  	s1 =	sld [smem:$0x3FAA]  }
0x28: {  	s2 =	sld [smem:$0x3FAB]  }
0x29: {  	s4 =	sld [smem:$0x3FAD]  }
0x2a: {  	p0 =	seq.s32 s5, $0x0;
	s5 =	sld [smem:$0x3FAE]  }
0x2b: {  	s6 =	sld [smem:$0x3FAF]  }
0x2c: {  	s7 =	sld [smem:$0x3FB0]  }
0x2d: {  	s3 =	simm.s32 $0x108;
	s8 =	sld [smem:$0x3FB1]  }
0x2e: {  	s3 =	simm.s32 @!p0 $0x1082;
	s9 =	sld [smem:$0x3FB2]  }
0x2f: {  	lr =	sadd.s32 s0, s3;
	s0 =	sld [smem:$0x3FA9]  }
0x30: {  	s3 =	sld [smem:$0x3FAC]  }
0x31: {  	[smem:$0x3FB5] =	sst s10  }
0x32: {  	s10 =	sld [smem:$0x3FB3];
	_ =	sdelay $0x3  }
0x33: {  	p0 =	seq.s32 s10, $0x1;
	s10 =	sld [smem:$0x3FB5];
	_ =	sdelay $0x3  }
0x34: {  	[smem:$0x3FB5] =	sst s10  }
0x35: {  	s10 =	sld [smem:$0x3FB4];
	_ =	sdelay $0x3  }
0x36: {  	p1 =	seq.s32 s10, $0x1;
	s10 =	sld [smem:$0x3FB5];
	_ =	sdelay $0x3  }
0x37: {  	[smem:$0x3FB5] =	sst s10  }
0x38: {  	s10 =	sld [smem:$0x3FB6]  }
0x39: {  	_ = 	snop;
	(pc) =	sbr.ind lr, $3  }
0x3a: {  	_ = 	snop  }
0x3b: {  	_ = 	snop  }
0x3c: {  	p2 =	seq.s32 s10, $0x1;
	s10 =	sld [smem:$0x3FB5]  }
0x3d: {  	_ =	shalt  }
0x3e: {  	_ =	shalt  }
0x3f: {  	_ =	shalt  }
0x40: {  	_ =	shalt  }
0x41: {  	_ =	shalt  }
0x42: {  	_ =	shalt  }
0x43: {  	_ =	shalt  }
0x44: {  	_ =	shalt  }
0x45: {  	_ =	shalt  }
0x46: {  	_ =	shalt  }
0x47: {  	_ =	shalt  }
0x48: {  	_ =	shalt  }
0x49: {  	_ =	shalt  }
0x4a: {  	_ =	shalt  }
0x4b: {  	_ =	shalt  }
0x4c: {  	_ =	shalt  }
0x4d: {  	_ =	shalt  }
0x4e: {  	_ =	shalt  }
0x4f: {  	_ =	shalt  }
0x50: {  	_ =	shalt  }
0x51: {  	_ =	shalt  }
0x52: {  	_ =	shalt  }
0x53: {  	_ =	shalt  }
0x54: {  	_ =	shalt  }
0x55: {  	_ =	shalt  }
0x56: {  	_ =	shalt  }
0x57: {  	_ =	shalt  }
0x58: {  	_ =	shalt  }
0x59: {  	_ =	shalt  }
0x5a: {  	_ =	shalt  }
0x5b: {  	_ =	shalt  }
0x5c: {  	_ =	shalt  }
0x5d: {  	_ =	shalt  }
0x5e: {  	_ =	shalt  }
0x5f: {  	_ =	shalt  }
0x60: {  	_ =	shalt  }
0x61: {  	_ =	shalt  }
0x62: {  	_ =	shalt  }
0x63: {  	_ =	shalt  }
0x64: {  	_ =	shalt  }
0x65: {  	_ =	shalt  }
0x66: {  	_ =	shalt  }
0x67: {  	_ =	shalt  }
0x68: {  	_ =	shalt  }
0x69: {  	_ =	shalt  }
0x6a: {  	_ =	shalt  }
0x6b: {  	_ =	shalt  }
0x6c: {  	_ =	shalt  }
0x6d: {  	_ =	shalt  }
0x6e: {  	_ =	shalt  }
0x6f: {  	_ =	shalt  }
0x70: {  	_ =	shalt  }
0x71: {  	_ =	shalt  }
0x72: {  	_ =	shalt  }
0x73: {  	_ =	shalt  }
0x74: {  	_ =	shalt  }
0x75: {  	_ =	shalt  }
0x76: {  	_ =	shalt  }
0x77: {  	_ =	shalt  }
0x78: {  	_ =	shalt  }
0x79: {  	_ =	shalt  }
0x7a: {  	_ =	shalt  }
0x7b: {  	_ =	shalt  }
0x7c: {  	_ =	shalt  }
0x7d: {  	_ =	shalt  }
0x7e: {  	_ =	shalt  }
0x7f: {  	_ =	shalt  }
0x80: {  	_ =	shalt  }
0x81: {  	_ =	shalt  }
0x82: {  	_ =	shalt  }
0x83: {  	_ =	shalt  }
0x84: {  	_ =	shalt  }
0x85: {  	_ =	shalt  }
0x86: {  	_ =	shalt  }
0x87: {  	_ =	shalt  }
.Lfunc_end0:
.L_simem_size_0:
called_computation_lowered:
.L_overlay_start_0:
0x88: {  	s2 =	sld [smem:$0x3FD9]  }
0x89: {  	s3 =	sld [smem:$0x3FFE];
	_ =	sdelay $0x1  }
0x8a: {  	s1 =	srdreg.scid  }
0x8b: {  	s0 =	sand.u32 $0x1, s1  }
0x8c: {  	s16 =	sshll.u32 s0, $0xA;
	s2 =	sadd.s32 s3, s2  }
0x8d: {  	s2 =	sadd.s32 s2, s16  }
0x8e: {  	[smem:$0x3FC1] =	sst s2  }
0x8f: {  	_ = 	snop  }
0x90: {  	(tm) =	ssettm $0x1  }
0x91: {  	s17 =	sld [smem:$0x3FFB];
	_ =	sdelay $0x3  }
0x92: {  	_ =	strace s17  }
0x93: {  	s2 =	sld [smem:$0x3FFC];
	_ =	sdelay $0x3  }
0x94: {  	_ =	strace s2  }
0x95: {  	s2 =	sld [smem:$0x3FFD];
	_ =	sdelay $0x3  }
0x96: {  	_ =	strace s2  }
0x97: {  	_ =	strace $0x8FFFFFFF  }
0x98: {  	s18 =	sld [smem:$0x3FDB];
	_ =	sdelay $0x1  }
0x99: {  	s19 =	simm.s32 $_scs_section_size  }
0x9a: {  	s4 =	simm.s32 $_size__tile_overlayer_lowered;
	s5 =	simm.s32 $_tile_overlayer_lowered  }
0x9b: {  	s22 =	simm.s32 $0x1BFF;
	s21 =	sshll.u32 s5, $0x1;
	s2 =	sadd.s32 s19, s18  }
0x9c: {  	s6 =	simm.s32 $0x0;
	s20 =	sshll.u32 s4, $0x1;
	s4 =	sadd.s32 s21, s2  }
0x9d: {  	[timem:s6], [sflag:s22] =	dma.local [hbm:s4], s20  }
0x9e: {  	_ =	swait.ge [sflag:s22], s20  }
0x9f: {  	s3 =	ssub.s32 $0x0, s20;
	[sflag:s22] =	ssyncset.done $0x0  }
0xa0: {  	[sflag:s22] =	ssyncadd.s32 s3;
	_ =	sdelay $0x1  }
0xa1: {  	s23 =	simm.s32 $0x1B8B  }
0xa2: {  	_ =	swait.ge [sflag:s23], $0x1  }
0xa3: {  	[sflag:s23] =	ssyncset.done $0x0  }
0xa4: {  	s25 =	simm.s32 $0x1B8E;
	s24 =	sld [smem:$0x3FFE];
	[sflag:s23] =	ssyncadd.s32 $0xFFFFFFFF  }
0xa5: {  	s26 =	simm.s32 $execute0_lowered;
	[smem:$0x3FD2] =	sst s25  }
0xa6: {  	s4 =	sshll.u32 s26, $0x1;
	_ =	strace $0x80000046;
	[dreg:$0x1] =	wrdreg $0xFFFFFFFF  }
0xa7: {  	s28 =	simm.s32 $_size_execute0_lowered;
	s2 =	sadd.s32 s2, s4;
	[dreg:$0x0] =	wrdreg $0x0  }
0xa8: {  	s4 =	sshll.u32 s28, $0x1;
	[dreg:$0x2] =	wrdreg s2  }
0xa9: {  	[dreg:$0x3] =	wrdreg s4  }
0xaa: {  	[dreg:$0x4] =	wrdreg $0xC0  }
0xab: {  	_ =	task [dreg:s6], $0x5FFFF  }
0xac: {  	[dreg:$0x1] =	wrdreg $0xFFFFFFFF  }
0xad: {  	[dreg:$0x0] =	wrdreg $0x60  }
0xae: {  	[dreg:$0x2] =	wrdreg s24  }
0xaf: {  	[dreg:$0x3] =	wrdreg $0x2B000  }
0xb0: {  	[dreg:$0x4] =	wrdreg $0x9  }
0xb1: {  	_ =	task.clear_ibuf [dreg:s6], $0x5FFFF;
	_ =	strace $0x90000046  }
0xb2: {  	s29 =	simm.s32 $0x9;
	_ =	strace $0x80000048  }
0xb3: {  	_ =	swait.ge [sflag:s29], $0x1  }
0xb4: {  	[sflag:s29] =	ssyncadd.s32 $0xFFFFFFFF  }
0xb5: {  	_ =	strace $0x90000048  }
0xb6: {  	_ =	sfence  }
0xb7: {  	s30 =	sld [smem:$0x0];
	_ =	sdelay $0x2  }
0xb8: {  	s31 =	sshll.u32 s1, $0xD;
	s1 =	sshrl.u32 s1, $0x2  }
0xb9: {  	s3 =	sand.u32 $0x4000, s31;
	s1 =	sadd.s32 s1, s30  }
0xba: {  	s0 =	sor.u32 s3, s0;
	s1 =	sshll.u32 s1, $0x11  }
0xbb: {  	s0 =	sor.u32 s1, s0  }
0xbc: {  	s0 =	sadd.s32 $0x8F2B, s0  }
0xbd: {  	[sflag:s0] =	ssyncadd.remote.s32 $0x1  }
0xbe: {  	_ =	sfence.sel $0xFFFF  }
0xbf: {  	[dreg:$0x0] =	wrdreg $0xFFFFFFFF;
	(pc) =	sbr.abs _section_cstart, $3  }
0xc0: {  	[dreg:$0x1] =	wrdreg $0xFFFFFFFF  }
0xc1: {  	_ =	task.clear_ibuf [dreg:s6], $0x2FFFF;
	_ =	strace $0x9FFFFFFF  }
0xc2: {  	(tm) =	ssettm $0x7FFFFFFF  }
0xc3: {  	_ =	shalt  }
tec
execute0_lowered:
.L_overlay_start_1:
0x0: {  	(tag) =	ssettag $0x1  }
0x1: {  	s4 =	rddreg [dreg:$0x0];
	s0 =	srdreg.scid  }
0x2: {  	s2 =	rddreg [dreg:$0x1];
	s1 =	stileid.u32  }
0x3: {  	s3 =	simm.s32 $0x0;
	s10 =	simm.s32 $0x80;
	s11 =	simm.s32 $0x2800  }
0x4: {  	s14 =	simm.s32 $0x20;
	s15 =	simm.s32 $0x10;
	s16 =	simm.s32 $0x0  }
0x5: {  	s5 =	sand.u32 $0x1, s0;
	s0 =	rddreg [dreg:$0x2];
	s7 =	smul.u32 $0x500, s1  }
0x6: {  	[smem:$0x7FF] =	sst s3;
	s30 =	smul.u32 $0xA00, s1;
	s12 =	sshll.u32 s1, $0x6  }
0x7: {  	s6 =	sshll.u32 s5, $0x4;
	s8 =	sshll.u32 s5, $0x7;
	_ =	strace $0x80000047  }
0x8: {  	s5 =	ssub.s32 $0x2, s5;
	s12 =	sor.u32 $0x1C01, s12;
	s6 =	sor.u32 s1, s6  }
0x9: {  	s7 =	sor.u32 s8, s7;
	s31 =	sshrl.u32 s5, $0x1;
	s6 =	smul.u32 $0x500, s6  }
0xa: {  	s8 =	sshrl.u32 s30, $0x2;
	s7 =	sshrl.u32 s7, $0x3;
	s9 =	ssub.s32 s5, s31  }
0xb: {  	s7 =	sadd.s32 s7, s4;
	s6 =	sadd.s32 s6, s4;
	s4 =	sadd.s32 s8, s2  }
0xc: {  	s8 =	simm.s32 $0x2880;
	s5 =	sadd.s32 $0x2C00, s6;
	s6 =	sadd.s32 $0xCC00, s7  }
0xd: {  	v0 =	vimm.f32 $1.000000000e+00;
	v1 =	vimm.f32 $0.0e+00;
	s7 =	smax.u32 s9, $0x1;
	s9 =	simm.s32 $0x1;
	s13 =	sshrl.u32 s4, $0x3  }
.LBB2_1:
0xe: {  	[tilespmem:$0x2800] =	vst v0  }
0xf: {  	[tilespmem:$0x2810] =	vst v0  }
0x10: {  	[tilespmem:$0x2820] =	vst v0  }
0x11: {  	[tilespmem:$0x2830] =	vst v0  }
0x12: {  	[tilespmem:$0x2840] =	vst v0  }
0x13: {  	[tilespmem:$0x2850] =	vst v0  }
0x14: {  	[tilespmem:$0x2860] =	vst v0  }
0x15: {  	[tilespmem:$0x2870] =	vst v0  }
0x16: {  	[tilespmem:$0x2880] =	vst v1  }
0x17: {  	[tilespmem:$0x2890] =	vst v1  }
0x18: {  	[tilespmem:$0x28A0] =	vst v1  }
0x19: {  	[tilespmem:$0x28B0] =	vst v1  }
0x1a: {  	[tilespmem:$0x28C0] =	vst v1  }
0x1b: {  	[tilespmem:$0x28D0] =	vst v1  }
0x1c: {  	[tilespmem:$0x28E0] =	vst v1  }
0x1d: {  	[tilespmem:$0x28F0] =	vst v1  }
0x1e: {  	[tilespmem:$0x2900] =	vst v1  }
0x1f: {  	[tilespmem:$0x2910] =	vst v1  }
0x20: {  	[tilespmem:$0x2920] =	vst v1  }
0x21: {  	[tilespmem:$0x2930] =	vst v1  }
0x22: {  	[tilespmem:$0x2940] =	vst v1  }
0x23: {  	[tilespmem:$0x2950] =	vst v1  }
0x24: {  	[tilespmem:$0x2960] =	vst v1  }
0x25: {  	[tilespmem:$0x2970] =	vst v1  }
0x26: {  	[tilespmem:$0x2980] =	vst v1  }
0x27: {  	[tilespmem:$0x2990] =	vst v1  }
0x28: {  	[tilespmem:$0x29A0] =	vst v1  }
0x29: {  	[tilespmem:$0x29B0] =	vst v1  }
0x2a: {  	[tilespmem:$0x29C0] =	vst v1  }
0x2b: {  	[tilespmem:$0x29D0] =	vst v1  }
0x2c: {  	[tilespmem:$0x29E0] =	vst v1  }
0x2d: {  	[tilespmem:$0x29F0] =	vst v1  }
0x2e: {  	[tilespmem:$0x2A00] =	vst v1  }
0x2f: {  	[tilespmem:$0x2A10] =	vst v1  }
0x30: {  	[tilespmem:$0x2A20] =	vst v1  }
0x31: {  	[tilespmem:$0x2A30] =	vst v1  }
0x32: {  	[tilespmem:$0x2A40] =	vst v1  }
0x33: {  	[tilespmem:$0x2A50] =	vst v1  }
0x34: {  	[tilespmem:$0x2A60] =	vst v1  }
0x35: {  	[tilespmem:$0x2A70] =	vst v1  }
0x36: {  	[tilespmem:$0x2A80] =	vst v1  }
0x37: {  	[tilespmem:$0x2A90] =	vst v1  }
0x38: {  	[tilespmem:$0x2AA0] =	vst v1  }
0x39: {  	[tilespmem:$0x2AB0] =	vst v1  }
0x3a: {  	[tilespmem:$0x2AC0] =	vst v1  }
0x3b: {  	[tilespmem:$0x2AD0] =	vst v1  }
0x3c: {  	[tilespmem:$0x2AE0] =	vst v1  }
0x3d: {  	[tilespmem:$0x2AF0] =	vst v1  }
0x3e: {  	[spmem:s4] =	stream.linear.scatter [tilespmem:s8], [sflag:$0x1], $0x280, $0x38;
	[tilespmem:$0x2D80] =	vst v63  }
0x3f: {  	_ =	swait.ge [sflag:s9], $0x280  }
0x40: {  	[sflag:s9] =	ssyncset.done $0x0  }
0x41: {  	[sflag:s9] =	ssyncadd.s32 $0xFFFFFD80  }
0x42: {  	[bflag:$0x0] =	sbarrier.arrive $0xFFFF  }
0x43: {  	[tilespmem:s3], [sflag:$0x1] =	stream.linear.gather [hbm4b:s5+s3], $0x2800, $0x38;
	[tilespmem:$0x2D80] =	vst v63  }
0x44: {  	_ =	swait.ge [sflag:s9], $0x2800  }
0x45: {  	[sflag:s9] =	ssyncset.done $0x0  }
0x46: {  	s17 =	simm.s32 $0x0;
	[sflag:s9] =	ssyncadd.s32 $0xFFFFD800  }
0x47: {  	[spmem:s2] =	stream.indirect.scatter.add.f32 [tilespmem:s11], [sflag:$0x1], $0x1, s17, s10, $0xb8;
	[tilespmem:$0x2D80] =	vst v63  }
0x48: {  	_ =	swait.ge [sflag:s9], $0x80  }
0x49: {  	s17 =	simm.s32 $0x200;
	[sflag:s9] =	ssyncset.done $0x0  }
.LBB2_2:
0x4a: {  	s18 =	sshra.s32 s17, $0x2;
	[sflag:s9] =	ssyncadd.s32 $0xFFFFFF80;
	p0 =	sne.s32 s17, $0x9E00  }
0x4b: {  	[spmem:s2] =	stream.indirect.scatter.add.f32 [tilespmem:s11], [sflag:$0x1], $0x1, s18, s10, $0xb8;
	[tilespmem:$0x2D80] =	vst v63  }
.Ltmp0:
0x4c: {  	_ = 	snop;
	(pc) =	sbr.rel @p0 .LBB2_2-.Ltmp0, $4  }
0x4d: {  	_ = 	snop  }
0x4e: {  	s17 =	sadd.s32 $0x200, s17  }
0x4f: {  	_ =	swait.ge [sflag:s9], $0x80  }
0x50: {  	[sflag:s9] =	ssyncset.done $0x0  }
0x51: {  	[sflag:s9] =	ssyncadd.s32 $0xFFFFFF80  }
0x52: {  	[tilespmem:s11], [sflag:$0x1] =	stream.linear.gather [spmem:s4], $0x80, $0x38;
	[tilespmem:$0x2D80] =	vst v63  }
0x53: {  	_ =	swait.ge [sflag:s9], $0x80  }
0x54: {  	s16 =	sadd.s32 $0x1, s16;
	[sflag:s9] =	ssyncset.done $0x0  }
0x55: {  	p0 =	sne.s32 s16, s7;
	[sflag:s9] =	ssyncadd.s32 $0xFFFFFF80  }
.Ltmp1:
0x56: {  	[bflag:$0x0] =	sbarrier.arrive $0xFFFF;
	(pc) =	sbr.rel @p0 .LBB2_1-.Ltmp1, $4  }
0x57: {  	[hbm:s6@s14], [sflag:s12] =	dma.strided [spmem:s13@s15], $0x50, s9, $0x10   }
0x58: {  	_ =	swait.ge [sflag:s9], $0x50  }
0x59: {  	[sflag:s9] =	ssyncset.done $0x0  }
0x5a: {  	[sflag:s9] =	ssyncadd.s32 $0xFFFFFFB0  }
0x5b: {  	_ =	sfence.sel $0x180000  }
0x5c: {  	[bflag:$0x0] =	sbarrier.arrive $0xFFFF  }
0x5d: {  	p0 =	sne.s32 s1, $0x0;
	_ =	strace $0x90000047  }
0x5e: {  	s0 =	sadd.s32 @!p0 $0x100000, s0;
	[bflag:$0x2] =	sbarrier.arrive $0xFFFF  }
0x5f: {  	[sflag:s0] =	ssyncadd.tile.s32 @!p0 $0x1;
	_ =	shalt  }
.Lfunc_end2:
_tile_overlayer_lowered:
.L_overlay_start_2:
0x60: {  	(tag) =	ssettag $0x2  }
0x61: {  	s0 =	rddreg [dreg:$0x0];
	s2 =	stileid.u32  }
0x62: {  	s1 =	rddreg [dreg:$0x1];
	p0 =	sne.s32 s2, $0x0  }
0x63: {  	s3 =	rddreg [dreg:$0x2];
	[bflag:$0x3] =	sbarrier.arrive $0xFFFF;
	s2 =	simm.s32 @!p0 $0x1C01  }
0x64: {  	[timem:s3], [sflag:s2] =	dma.local @!p0 [hbm:s0], s1  }
0x65: {  	s0 =	simm.s32 @!p0 $0x1  }
0x66: {  	_ =	swait.ge @!p0 [sflag:s0], s1  }
0x67: {  	s1 =	ssub.s32 @!p0 $0x0, s1;
	[sflag:s0] =	ssyncset.done @!p0 $0x0  }
0x68: {  	[sflag:s0] =	ssyncadd.s32 @!p0 s1  }
0x69: {  	[bflag:$0x3] =	sbarrier.arrive $0xFFFF  }
0x6a: {  	_ =	shalt  }

</sc_bundles>
